<compile_context>
chip_gen: v7x
topology: tpu7x:2x2x1
jax: 0.10.2.dev20260603
libtpu: 0.0.44.dev20260713+nightly
codegen_flags: <defaults>
</compile_context>

<pallas_src>
import functools

import jax
import jax.numpy as jnp
from jax import lax
from jax.experimental import pallas as pl
from jax.experimental.pallas import tpu as pltpu
from jax.experimental.pallas import tpu_sc as plsc

N = 10000
E = 320000
H = 128
G = 64
C = 10
NH = float(N * H)
EPS = 1e-5

NC = 2
NS = 16
NW = NC * NS
K = 125
EPT = E // NW
NCH = EPT // K
SLAB = N // NS
NPH = 2
NCH2 = NCH // NPH

NB = 10
BLK = N // NB

SLAB_A = 624
SLAB_B = N - 15 * SLAB_A

_f32 = jnp.float32


def _zero_slab(zeros_hbm, acc, sid):
    @pl.when(sid < NS - 1)
    def _():
        pltpu.sync_copy(zeros_hbm.at[pl.ds(0, SLAB_A)],
                        acc.at[pl.ds(sid * SLAB_A, SLAB_A)])

    @pl.when(sid == NS - 1)
    def _():
        pltpu.sync_copy(zeros_hbm, acc.at[pl.ds(sid * SLAB_A, SLAB_B)])


def _drain_slab(acc, out_hbm, cid, sid):
    @pl.when(sid < NS - 1)
    def _():
        pltpu.sync_copy(acc.at[pl.ds(sid * SLAB_A, SLAB_A)],
                        out_hbm.at[pl.ds(cid * N + sid * SLAB_A, SLAB_A)])

    @pl.when(sid == NS - 1)
    def _():
        pltpu.sync_copy(acc.at[pl.ds(sid * SLAB_A, SLAB_B)],
                        out_hbm.at[pl.ds(cid * N + sid * SLAB_A, SLAB_B)])


def _sc_deg_body(col_hbm, ones_hbm, zeros_hbm, out_hbm, colv, onesv, sem, acc):
    cid = lax.axis_index("c")
    sid = lax.axis_index("s")
    wid = cid * NS + sid
    pltpu.sync_copy(col_hbm.at[wid], colv)
    pltpu.sync_copy(ones_hbm, onesv)
    _zero_slab(zeros_hbm, acc, sid)
    plsc.subcore_barrier()

    def step(t, carry):
        for q in range(4):
            pltpu.async_copy(onesv, acc.at[colv.at[4 * t + q]], sem, add=True)
        for q in range(4):
            pltpu.make_async_copy(onesv, acc.at[colv.at[4 * t + q]], sem).wait()
        return carry

    lax.fori_loop(0, NCH // 4, step, 0)
    plsc.subcore_barrier()
    _drain_slab(acc, out_hbm, cid, sid)


def _sc_scatter_body(u_hbm, row_hbm, col_hbm, zeros_hbm, out_hbm, rowv, colv,
                     buf0, buf1, sem0, sem1, acc):
    cid = lax.axis_index("c")
    sid = lax.axis_index("s")
    wid = cid * NS + sid
    pltpu.sync_copy(row_hbm.at[wid], rowv)
    pltpu.sync_copy(col_hbm.at[wid], colv)
    _zero_slab(zeros_hbm, acc, sid)
    plsc.subcore_barrier()

    for p in range(NPH):
        pltpu.sync_copy(row_hbm.at[wid * NPH + p], rowv)
        pltpu.sync_copy(col_hbm.at[wid * NPH + p], colv)
        pltpu.async_copy(u_hbm.at[rowv.at[0]], buf0, sem0)

        def step(t, carry):
            j0 = 2 * t
            j1 = 2 * t + 1
            j2 = jnp.minimum(2 * t + 2, NCH2 - 1)
            pltpu.async_copy(u_hbm.at[rowv.at[j1]], buf1, sem1)
            pltpu.make_async_copy(u_hbm.at[rowv.at[j0]], buf0, sem0).wait()
            pltpu.sync_copy(buf0, acc.at[colv.at[j0]], add=True)
            pltpu.async_copy(u_hbm.at[rowv.at[j2]], buf0, sem0)
            pltpu.make_async_copy(u_hbm.at[rowv.at[j1]], buf1, sem1).wait()
            pltpu.sync_copy(buf1, acc.at[colv.at[j1]], add=True)
            return carry

        lax.fori_loop(0, NCH2 // 2, step, 0)
        pltpu.make_async_copy(u_hbm.at[rowv.at[NCH2 - 1]], buf0, sem0).wait()
    plsc.subcore_barrier()
    _drain_slab(acc, out_hbm, cid, sid)


@functools.lru_cache(maxsize=1)
def _build_sc():
    mesh = plsc.VectorSubcoreMesh(
        core_axis_name="c", subcore_axis_name="s",
        num_cores=NC, num_subcores=NS)
    deg = pl.kernel(
        _sc_deg_body,
        out_type=jax.ShapeDtypeStruct((NC * N, H), _f32),
        mesh=mesh,
        scratch_types=[
            pltpu.VMEM((NCH, K), jnp.int32),
            pltpu.VMEM((K, H), _f32),
            pltpu.SemaphoreType.DMA,
            pltpu.VMEM_SHARED((N, H), _f32),
        ],
    )
    scat = pl.kernel(
        _sc_scatter_body,
        out_type=jax.ShapeDtypeStruct((NC * N, H), _f32),
        mesh=mesh,
        scratch_types=[
            pltpu.VMEM((NCH2, K), jnp.int32),
            pltpu.VMEM((NCH2, K), jnp.int32),
            pltpu.VMEM((K, H), _f32),
            pltpu.VMEM((K, H), _f32),
            pltpu.SemaphoreType.DMA,
            pltpu.SemaphoreType.DMA,
            pltpu.VMEM_SHARED((N, H), _f32),
        ],
    )
    return deg, scat


def _sc_deg(col2, ones16, zeros16):
    return _build_sc()[0](col2, ones16, zeros16)


def _sc_scatter(u, row2, col2, zerosH):
    return _build_sc()[1](u, row2, col2, zerosH)


def _first_body(x_ref, d_ref, w1_ref, b1_ref, w0_ref, u_ref, dv_ref):
    d = d_ref[...]
    deg = 1.0 + d[0, :, 0:1] + d[1, :, 0:1]
    dv = jnp.where(deg > 0, lax.rsqrt(deg), 0.0)
    h = jnp.maximum(
        jnp.dot(x_ref[...], w1_ref[...], preferred_element_type=_f32)
        + b1_ref[...][None, :], 0.0)
    u_ref[...] = dv * jnp.dot(h, w0_ref[...], preferred_element_type=_f32)
    dv_ref[...] = dv


def _tc_first(x, deg3, W1, b1, W0):
    return pl.pallas_call(
        _first_body,
        grid=(NB,),
        in_specs=[
            pl.BlockSpec((BLK, H), lambda b: (b, 0)),
            pl.BlockSpec((2, BLK, H), lambda b: (0, b, 0)),
            pl.BlockSpec((H, H), lambda b: (0, 0)),
            pl.BlockSpec((H,), lambda b: (0,)),
            pl.BlockSpec((H, H), lambda b: (0, 0)),
        ],
        out_specs=[
            pl.BlockSpec((BLK, H), lambda b: (b, 0)),
            pl.BlockSpec((BLK, 1), lambda b: (b, 0)),
        ],
        out_shape=[
            jax.ShapeDtypeStruct((N, H), _f32),
            jax.ShapeDtypeStruct((N, 1), _f32),
        ],
    )(x, deg3, W1, b1, W0)


def _combine_body(s_ref, u_ref, dv_ref, b_ref, z_ref, st_ref):
    s = s_ref[0] + s_ref[1] + u_ref[...]
    z = jnp.maximum(dv_ref[...] * s + b_ref[...][None, :], 0.0)
    z_ref[...] = z
    st_ref[...] = jnp.stack([jnp.sum(z), jnp.sum(z * z)]).reshape(1, 1, 2)


def _tc_combine(S3, u, dv, bias):
    return pl.pallas_call(
        _combine_body,
        grid=(NB,),
        in_specs=[
            pl.BlockSpec((2, BLK, H), lambda b: (0, b, 0)),
            pl.BlockSpec((BLK, H), lambda b: (b, 0)),
            pl.BlockSpec((BLK, 1), lambda b: (b, 0)),
            pl.BlockSpec((H,), lambda b: (0,)),
        ],
        out_specs=[
            pl.BlockSpec((BLK, H), lambda b: (b, 0)),
            pl.BlockSpec((1, 1, 2), lambda b: (b, 0, 0)),
        ],
        out_shape=[
            jax.ShapeDtypeStruct((N, H), _f32),
            jax.ShapeDtypeStruct((NB, 1, 2), _f32),
        ],
    )(S3, u, dv, bias)


def _next_body(z_ref, st_ref, dv_ref, w_ref, u_ref):
    tot = jnp.sum(st_ref[...], axis=(0, 1))
    m = tot[0] / NH
    v = tot[1] / NH - m * m
    inv = lax.rsqrt(v + EPS)
    hn = (z_ref[...] - m) * inv
    u_ref[...] = dv_ref[...] * jnp.dot(hn, w_ref[...], preferred_element_type=_f32)


def _tc_next(z, st3, dv, W):
    return pl.pallas_call(
        _next_body,
        grid=(NB,),
        in_specs=[
            pl.BlockSpec((BLK, H), lambda b: (b, 0)),
            pl.BlockSpec((NB, 1, 2), lambda b: (0, 0, 0)),
            pl.BlockSpec((BLK, 1), lambda b: (b, 0)),
            pl.BlockSpec((H, H), lambda b: (0, 0)),
        ],
        out_specs=pl.BlockSpec((BLK, H), lambda b: (b, 0)),
        out_shape=jax.ShapeDtypeStruct((N, H), _f32),
    )(z, st3, dv, W)


def _head_body(z_ref, st_ref, bt_ref, w1_ref, b1_ref, w2_ref, b2_ref, o_ref):
    tot = jnp.sum(st_ref[...], axis=(0, 1))
    m = tot[0] / NH
    v = tot[1] / NH - m * m
    inv = lax.rsqrt(v + EPS)

    def step(c, carry):
        pool, cnt = carry
        zc = z_ref[pl.ds(c * BLK, BLK), :]
        hn = (zc - m) * inv
        bc = bt_ref[c, :]
        gi = lax.broadcasted_iota(jnp.int32, (G, BLK), 0)
        oh = (bc[None, :] == gi).astype(_f32)
        pool = pool + jnp.dot(oh, hn, preferred_element_type=_f32)
        cnt = cnt + jnp.sum(oh, axis=1, keepdims=True)
        return pool, cnt

    pool, cnt = lax.fori_loop(
        0, NB, step,
        (jnp.zeros((G, H), _f32), jnp.zeros((G, 1), _f32)))
    pooled = pool / jnp.maximum(cnt, 1.0)
    a = jnp.maximum(
        jnp.dot(pooled, w1_ref[...], preferred_element_type=_f32)
        + b1_ref[...][None, :], 0.0)
    sc = jnp.dot(a, w2_ref[...], preferred_element_type=_f32) + b2_ref[...][None, :]
    mx = jnp.max(sc, axis=-1, keepdims=True)
    o_ref[...] = sc - (jnp.log(jnp.sum(jnp.exp(sc - mx), axis=-1, keepdims=True)) + mx)


def _tc_head(z, st3, batch2, W1, b1, W2, b2):
    return pl.pallas_call(
        _head_body,
        out_shape=jax.ShapeDtypeStruct((G, C), _f32),
    )(z, st3, batch2, W1, b1, W2, b2)


def kernel(x, edge_index, batch, W_lin1, b_lin1, W_conv0, b_conv0, W_conv1,
           b_conv1, W_conv2, b_conv2, W_mlp1, b_mlp1, W_mlp2, b_mlp2):
    ei = edge_index.astype(jnp.int32)
    row4 = ei[0].reshape(NW * NPH, NCH2, K)
    col4 = ei[1].reshape(NW * NPH, NCH2, K)
    col2 = ei[1].reshape(NW, NCH, K)
    batch2 = batch.astype(jnp.int32).reshape(NB, BLK)

    onesH = jnp.ones((K, H), _f32)
    zerosH = jnp.zeros((SLAB_B, H), _f32)

    deg3 = _sc_deg(col2, onesH, zerosH).reshape(2, N, H)
    u, dv = _tc_first(x, deg3, W_lin1, b_lin1, W_conv0)

    biases = (b_conv0, b_conv1, b_conv2)
    nextW = (W_conv1, W_conv2)
    z = st3 = None
    for i in range(3):
        S3 = _sc_scatter(u, row4, col4, zerosH).reshape(2, N, H)
        z, st3 = _tc_combine(S3, u, dv, biases[i])
        if i < 2:
            u = _tc_next(z, st3, dv, nextW[i])

    return _tc_head(z, st3, batch2, W_mlp1, b_mlp1, W_mlp2, b_mlp2)

# --- scband reference (transcript-rebuilt; emitter-appended) ---
"""Pipeline reference for scband-baseline-model-38981123178598 (READ-ONLY COPY).

The authoritative reference and input builder live on the scoring server;
editing this copy changes nothing except your own understanding.
"""

import jax, jax.numpy as jnp
import numpy as np

N = 10000
E = 320000
D = 128
H = 128
C = 10
G = 64
L = 3

def setup_inputs(seed: int = 0):
    key = jax.random.key(seed)
    ks = jax.random.split(key, 20)
    inp = {}
    inp["x"] = jax.random.normal(ks[0], (N, D), dtype=jnp.float32)
    inp["edge_index"] = jax.random.randint(ks[1], (2, E), 0, N)
    inp["batch"] = jnp.sort(jax.random.randint(ks[2], (N,), 0, G))
    inp["W_lin1"] = jax.random.normal(ks[3], (D, H), dtype=jnp.float32) * 0.05
    inp["b_lin1"] = jnp.zeros((H,), dtype=jnp.float32)
    for i in range(L):
        inp["W_conv%d" % i] = jax.random.normal(ks[4 + i], (H, H), dtype=jnp.float32) * 0.05
        inp["b_conv%d" % i] = jnp.zeros((H,), dtype=jnp.float32)
    inp["W_mlp1"] = jax.random.normal(ks[10], (H, H), dtype=jnp.float32) * 0.05
    inp["b_mlp1"] = jnp.zeros((H,), dtype=jnp.float32)
    inp["W_mlp2"] = jax.random.normal(ks[11], (H, C), dtype=jnp.float32) * 0.05
    inp["b_mlp2"] = jnp.zeros((C,), dtype=jnp.float32)
    return inp

def _gcn_conv(x, row, col, ew, W, b):
    n = x.shape[0]
    sl = jnp.arange(n)
    r = jnp.concatenate([row, sl])
    c = jnp.concatenate([col, sl])
    w = jnp.concatenate([ew, jnp.ones((n,), dtype=x.dtype)])
    deg = jnp.zeros((n,), dtype=x.dtype).at[c].add(w)
    dinv = jnp.where(deg > 0, jax.lax.rsqrt(deg), 0.0)
    norm = dinv[r] * w * dinv[c]
    h = x @ W
    msg = h[r] * norm[:, None]
    out = jnp.zeros((n, h.shape[1]), dtype=x.dtype).at[c].add(msg)
    return out + b

def _full_layernorm(x, eps=1e-5):
    m = jnp.mean(x)
    v = jnp.mean((x - m) ** 2)
    return (x - m) / jnp.sqrt(v + eps)

def reference(x, edge_index, batch, W_lin1, b_lin1, W_conv0, b_conv0, W_conv1, b_conv1, W_conv2, b_conv2, W_mlp1, b_mlp1, W_mlp2, b_mlp2):
    row = edge_index[0]
    col = edge_index[1]
    ew = jnp.ones((row.shape[0],), dtype=jnp.float32)
    h = jax.nn.relu(x @ W_lin1 + b_lin1)
    for W, b in ((W_conv0, b_conv0), (W_conv1, b_conv1), (W_conv2, b_conv2)):
        h = _gcn_conv(h, row, col, ew, W, b)
        h = jax.nn.relu(h)
        h = _full_layernorm(h)
    s = jax.ops.segment_sum(h, batch, num_segments=G)
    cnt = jax.ops.segment_sum(jnp.ones((h.shape[0], 1), dtype=h.dtype), batch, num_segments=G)
    pooled = s / jnp.maximum(cnt, 1.0)
    scores = jax.nn.relu(pooled @ W_mlp1 + b_mlp1) @ W_mlp2 + b_mlp2
    return jax.nn.log_softmax(scores, axis=-1)

if __name__ == "__main__":
    import jax
    _d = setup_inputs()
    print(jax.jit(kernel)(*tuple(_d.values())))

</pallas_src>

<mosaic_0001>
#map = affine_map<(d0, d1) -> (0, 0, 0)>
#map1 = affine_map<(d0, d1) -> (0, 0)>
module attributes {stable_mosaic.version = 14 : i64} {
  func.func @_sc_deg_body(%arg0: i32, %arg1: i32, %arg2: memref<32x80x125xi32, #tpu.memory_space<hbm>>, %arg3: memref<125x128xf32, #tpu.memory_space<hbm>>, %arg4: memref<640x128xf32, #tpu.memory_space<hbm>>, %arg5: memref<20000x128xf32, #tpu.memory_space<hbm>>, %arg6: memref<80x125xi32, #tpu.memory_space<vmem>>, %arg7: memref<125x128xf32, #tpu.memory_space<vmem>>, %arg8: memref<!tpu.dma_semaphore, #tpu.memory_space<semaphore_mem>>, %arg9: memref<10000x128xf32, #tpu.memory_space<vmem_shared>>) attributes {dimension_semantics = [#tpu.dimension_semantics<core_parallel>, #tpu.dimension_semantics<subcore_parallel>], iteration_bounds = array<i64: 2, 16>, scalar_prefetch = 0 : i64, scratch_operands = 4 : i64, tpu.core_type = #tpu.core_type<sc_vector_subcore>, window_params = [{transform_indices = #map}, {transform_indices = #map1}, {transform_indices = #map1}, {transform_indices = #map1}]} {
    %mul3A = arith.constant 16 : i32
    %mul3A_0 = arith.muli %arg0, %mul3A : i32
    %add3A = arith.addi %mul3A_0, %arg1 : i32
    "tpu.region"() ({
      %run_scoped3A = tpu.sem_alloc : memref<!tpu.dma_semaphore, #tpu.memory_space<semaphore_mem>>
      %dma_start3A = arith.constant 0 : i32
      %dma_start3A_23 = arith.constant 0 : i32
      %dma_start3A_24 = tpu.memref_slice %arg2[%add3A, %dma_start3A, %dma_start3A_23] : memref<32x80x125xi32, #tpu.memory_space<hbm>> -> memref<1x80x125xi32, #tpu.memory_space<hbm>>
      %dma_start3A_25 = tpu.memref_squeeze %dma_start3A_24 : memref<1x80x125xi32, #tpu.memory_space<hbm>> -> memref<80x125xi32, #tpu.memory_space<hbm>>
      %dma_start3A_26 = arith.constant 0 : i32
      %dma_start3A_27 = arith.constant 0 : i32
      %dma_start3A_28 = tpu.memref_slice %arg2[%add3A, %dma_start3A_26, %dma_start3A_27] : memref<32x80x125xi32, #tpu.memory_space<hbm>> -> memref<1x80x125xi32, #tpu.memory_space<hbm>>
      %dma_start3A_29 = tpu.memref_squeeze %dma_start3A_28 : memref<1x80x125xi32, #tpu.memory_space<hbm>> -> memref<80x125xi32, #tpu.memory_space<hbm>>
      tpu.enqueue_dma source(%dma_start3A_29 : memref<80x125xi32, #tpu.memory_space<hbm>>) target(%arg6 : memref<80x125xi32, #tpu.memory_space<vmem>>) target_semaphore(%run_scoped3A : memref<!tpu.dma_semaphore, #tpu.memory_space<semaphore_mem>>)
      %dma_wait3A = arith.constant 0 : i32
      %dma_wait3A_30 = arith.constant 0 : i32
      %dma_wait3A_31 = tpu.memref_slice %arg2[%add3A, %dma_wait3A, %dma_wait3A_30] : memref<32x80x125xi32, #tpu.memory_space<hbm>> -> memref<1x80x125xi32, #tpu.memory_space<hbm>>
      %dma_wait3A_32 = tpu.memref_squeeze %dma_wait3A_31 : memref<1x80x125xi32, #tpu.memory_space<hbm>> -> memref<80x125xi32, #tpu.memory_space<hbm>>
      %dma_wait3A_33 = arith.constant 0 : i32
      %dma_wait3A_34 = arith.constant 0 : i32
      %dma_wait3A_35 = tpu.memref_slice %arg2[%add3A, %dma_wait3A_33, %dma_wait3A_34] : memref<32x80x125xi32, #tpu.memory_space<hbm>> -> memref<1x80x125xi32, #tpu.memory_space<hbm>>
      %dma_wait3A_36 = tpu.memref_squeeze %dma_wait3A_35 : memref<1x80x125xi32, #tpu.memory_space<hbm>> -> memref<80x125xi32, #tpu.memory_space<hbm>>
      tpu.wait_dma2 semaphore(%run_scoped3A : memref<!tpu.dma_semaphore, #tpu.memory_space<semaphore_mem>>) src(%dma_wait3A_36 : memref<80x125xi32, #tpu.memory_space<hbm>>) dst(%arg6 : memref<80x125xi32, #tpu.memory_space<vmem>>)
      tpu.yield
    }) : () -> ()
    "tpu.region"() ({
      %run_scoped3A = tpu.sem_alloc : memref<!tpu.dma_semaphore, #tpu.memory_space<semaphore_mem>>
      tpu.enqueue_dma source(%arg3 : memref<125x128xf32, #tpu.memory_space<hbm>>) target(%arg7 : memref<125x128xf32, #tpu.memory_space<vmem>>) target_semaphore(%run_scoped3A : memref<!tpu.dma_semaphore, #tpu.memory_space<semaphore_mem>>)
      tpu.wait_dma2 semaphore(%run_scoped3A : memref<!tpu.dma_semaphore, #tpu.memory_space<semaphore_mem>>) src(%arg3 : memref<125x128xf32, #tpu.memory_space<hbm>>) dst(%arg7 : memref<125x128xf32, #tpu.memory_space<vmem>>)
      tpu.yield
    }) : () -> ()
    %lt3A = arith.constant 15 : i32
    %lt3A_1 = arith.cmpi slt, %arg1, %lt3A : i32
    %convert_element_type3A = arith.extui %lt3A_1 : i1 to i32
    %cond3A = arith.constant 0 : i32
    %cond3A_2 = arith.cmpi ne, %convert_element_type3A, %cond3A : i32
    scf.if %cond3A_2 {
      %mul3A_23 = arith.constant 624 : i32
      %mul3A_24 = arith.muli %arg1, %mul3A_23 : i32
      "tpu.region"() ({
        %run_scoped3A = tpu.sem_alloc : memref<!tpu.dma_semaphore, #tpu.memory_space<semaphore_mem>>
        %dma_start3A = arith.constant 0 : i32
        %dma_start3A_25 = tpu.memref_slice %arg9[%mul3A_24, %dma_start3A] : memref<10000x128xf32, #tpu.memory_space<vmem_shared>> -> memref<624x128xf32, #tpu.memory_space<vmem_shared>>
        %dma_start3A_26 = arith.constant 0 : i32
        %dma_start3A_27 = arith.constant 0 : i32
        %dma_start3A_28 = tpu.memref_slice %arg4[%dma_start3A_26, %dma_start3A_27] : memref<640x128xf32, #tpu.memory_space<hbm>> -> memref<624x128xf32, #tpu.memory_space<hbm>>
        tpu.enqueue_dma source(%dma_start3A_28 : memref<624x128xf32, #tpu.memory_space<hbm>>) target(%dma_start3A_25 : memref<624x128xf32, #tpu.memory_space<vmem_shared>>) target_semaphore(%run_scoped3A : memref<!tpu.dma_semaphore, #tpu.memory_space<semaphore_mem>>)
        %dma_wait3A = arith.constant 0 : i32
        %dma_wait3A_29 = tpu.memref_slice %arg9[%mul3A_24, %dma_wait3A] : memref<10000x128xf32, #tpu.memory_space<vmem_shared>> -> memref<624x128xf32, #tpu.memory_space<vmem_shared>>
        %dma_wait3A_30 = arith.constant 0 : i32
        %dma_wait3A_31 = arith.constant 0 : i32
        %dma_wait3A_32 = tpu.memref_slice %arg4[%dma_wait3A_30, %dma_wait3A_31] : memref<640x128xf32, #tpu.memory_space<hbm>> -> memref<624x128xf32, #tpu.memory_space<hbm>>
        tpu.wait_dma2 semaphore(%run_scoped3A : memref<!tpu.dma_semaphore, #tpu.memory_space<semaphore_mem>>) src(%dma_wait3A_32 : memref<624x128xf32, #tpu.memory_space<hbm>>) dst(%dma_wait3A_29 : memref<624x128xf32, #tpu.memory_space<vmem_shared>>)
        tpu.yield
      }) : () -> ()
    } else {
    }
    %eq3A = arith.constant 15 : i32
    %eq3A_3 = arith.cmpi eq, %arg1, %eq3A : i32
    %convert_element_type3A_4 = arith.extui %eq3A_3 : i1 to i32
    %cond3A_5 = arith.constant 0 : i32
    %cond3A_6 = arith.cmpi ne, %convert_element_type3A_4, %cond3A_5 : i32
    scf.if %cond3A_6 {
      %mul3A_23 = arith.constant 624 : i32
      %mul3A_24 = arith.muli %arg1, %mul3A_23 : i32
      "tpu.region"() ({
        %run_scoped3A = tpu.sem_alloc : memref<!tpu.dma_semaphore, #tpu.memory_space<semaphore_mem>>
        %dma_start3A = arith.constant 0 : i32
        %dma_start3A_25 = tpu.memref_slice %arg9[%mul3A_24, %dma_start3A] : memref<10000x128xf32, #tpu.memory_space<vmem_shared>> -> memref<640x128xf32, #tpu.memory_space<vmem_shared>>
        tpu.enqueue_dma source(%arg4 : memref<640x128xf32, #tpu.memory_space<hbm>>) target(%dma_start3A_25 : memref<640x128xf32, #tpu.memory_space<vmem_shared>>) target_semaphore(%run_scoped3A : memref<!tpu.dma_semaphore, #tpu.memory_space<semaphore_mem>>)
        %dma_wait3A = arith.constant 0 : i32
        %dma_wait3A_26 = tpu.memref_slice %arg9[%mul3A_24, %dma_wait3A] : memref<10000x128xf32, #tpu.memory_space<vmem_shared>> -> memref<640x128xf32, #tpu.memory_space<vmem_shared>>
        tpu.wait_dma2 semaphore(%run_scoped3A : memref<!tpu.dma_semaphore, #tpu.memory_space<semaphore_mem>>) src(%arg4 : memref<640x128xf32, #tpu.memory_space<hbm>>) dst(%dma_wait3A_26 : memref<640x128xf32, #tpu.memory_space<vmem_shared>>)
        tpu.yield
      }) : () -> ()
    } else {
    }
    %barrier3A = arith.constant 0 : index
    tpu.barrier barrier_id(%barrier3A)
    %scan3A = arith.constant 0 : i32
    %scan3A_7 = arith.constant 0 : i32
    %scan3A_8 = arith.constant 20 : i32
    %scan3A_9 = arith.addi %scan3A_7, %scan3A_8 : i32
    %scan3A_10 = arith.constant 1 : i32
    scf.for %scan3A_23 = %scan3A_7 to %scan3A_9 step %scan3A_10  : i32 {
      %mul3A_24 = arith.constant 4 : i32
      %mul3A_25 = arith.muli %mul3A_24, %scan3A_23 : i32
      %add3A_26 = arith.constant 0 : i32
      %add3A_27 = arith.addi %mul3A_25, %add3A_26 : i32
      %dma_start3A = arith.constant 0 : i32
      %dma_start3A_28 = tpu.memref_slice %arg6[%add3A_27, %dma_start3A] : memref<80x125xi32, #tpu.memory_space<vmem>> -> memref<1x125xi32, #tpu.memory_space<vmem>>
      %dma_start3A_29 = tpu.memref_squeeze %dma_start3A_28 : memref<1x125xi32, #tpu.memory_space<vmem>> -> memref<125xi32, #tpu.memory_space<vmem>>
      %dma_start3A_30 = arith.constant 0 : i32
      %dma_start3A_31 = arith.constant 0 : i32
      %dma_start3A_32 = tpu.memref_slice %arg9[%dma_start3A_30, %dma_start3A_31] : memref<10000x128xf32, #tpu.memory_space<vmem_shared>> -> memref<10000x128xf32, #tpu.memory_space<vmem_shared>>
      tpu.enqueue_indirect_dma source(%arg7 : memref<125x128xf32, #tpu.memory_space<vmem>>) target(%dma_start3A_32 : memref<10000x128xf32, #tpu.memory_space<vmem_shared>>) offsets(%dma_start3A_29 : memref<125xi32, #tpu.memory_space<vmem>>) semaphore(%arg8 : memref<!tpu.dma_semaphore, #tpu.memory_space<semaphore_mem>>) {add = true}
      %mul3A_33 = arith.constant 4 : i32
      %mul3A_34 = arith.muli %mul3A_33, %scan3A_23 : i32
      %add3A_35 = arith.constant 1 : i32
      %add3A_36 = arith.addi %mul3A_34, %add3A_35 : i32
      %dma_start3A_37 = arith.constant 0 : i32
      %dma_start3A_38 = tpu.memref_slice %arg6[%add3A_36, %dma_start3A_37] : memref<80x125xi32, #tpu.memory_space<vmem>> -> memref<1x125xi32, #tpu.memory_space<vmem>>
      %dma_start3A_39 = tpu.memref_squeeze %dma_start3A_38 : memref<1x125xi32, #tpu.memory_space<vmem>> -> memref<125xi32, #tpu.memory_space<vmem>>
      %dma_start3A_40 = arith.constant 0 : i32
      %dma_start3A_41 = arith.constant 0 : i32
      %dma_start3A_42 = tpu.memref_slice %arg9[%dma_start3A_40, %dma_start3A_41] : memref<10000x128xf32, #tpu.memory_space<vmem_shared>> -> memref<10000x128xf32, #tpu.memory_space<vmem_shared>>
      tpu.enqueue_indirect_dma source(%arg7 : memref<125x128xf32, #tpu.memory_space<vmem>>) target(%dma_start3A_42 : memref<10000x128xf32, #tpu.memory_space<vmem_shared>>) offsets(%dma_start3A_39 : memref<125xi32, #tpu.memory_space<vmem>>) semaphore(%arg8 : memref<!tpu.dma_semaphore, #tpu.memory_space<semaphore_mem>>) {add = true}
      %mul3A_43 = arith.constant 4 : i32
      %mul3A_44 = arith.muli %mul3A_43, %scan3A_23 : i32
      %add3A_45 = arith.constant 2 : i32
      %add3A_46 = arith.addi %mul3A_44, %add3A_45 : i32
      %dma_start3A_47 = arith.constant 0 : i32
      %dma_start3A_48 = tpu.memref_slice %arg6[%add3A_46, %dma_start3A_47] : memref<80x125xi32, #tpu.memory_space<vmem>> -> memref<1x125xi32, #tpu.memory_space<vmem>>
      %dma_start3A_49 = tpu.memref_squeeze %dma_start3A_48 : memref<1x125xi32, #tpu.memory_space<vmem>> -> memref<125xi32, #tpu.memory_space<vmem>>
      %dma_start3A_50 = arith.constant 0 : i32
      %dma_start3A_51 = arith.constant 0 : i32
      %dma_start3A_52 = tpu.memref_slice %arg9[%dma_start3A_50, %dma_start3A_51] : memref<10000x128xf32, #tpu.memory_space<vmem_shared>> -> memref<10000x128xf32, #tpu.memory_space<vmem_shared>>
      tpu.enqueue_indirect_dma source(%arg7 : memref<125x128xf32, #tpu.memory_space<vmem>>) target(%dma_start3A_52 : memref<10000x128xf32, #tpu.memory_space<vmem_shared>>) offsets(%dma_start3A_49 : memref<125xi32, #tpu.memory_space<vmem>>) semaphore(%arg8 : memref<!tpu.dma_semaphore, #tpu.memory_space<semaphore_mem>>) {add = true}
      %mul3A_53 = arith.constant 4 : i32
      %mul3A_54 = arith.muli %mul3A_53, %scan3A_23 : i32
      %add3A_55 = arith.constant 3 : i32
      %add3A_56 = arith.addi %mul3A_54, %add3A_55 : i32
      %dma_start3A_57 = arith.constant 0 : i32
      %dma_start3A_58 = tpu.memref_slice %arg6[%add3A_56, %dma_start3A_57] : memref<80x125xi32, #tpu.memory_space<vmem>> -> memref<1x125xi32, #tpu.memory_space<vmem>>
      %dma_start3A_59 = tpu.memref_squeeze %dma_start3A_58 : memref<1x125xi32, #tpu.memory_space<vmem>> -> memref<125xi32, #tpu.memory_space<vmem>>
      %dma_start3A_60 = arith.constant 0 : i32
      %dma_start3A_61 = arith.constant 0 : i32
      %dma_start3A_62 = tpu.memref_slice %arg9[%dma_start3A_60, %dma_start3A_61] : memref<10000x128xf32, #tpu.memory_space<vmem_shared>> -> memref<10000x128xf32, #tpu.memory_space<vmem_shared>>
      tpu.enqueue_indirect_dma source(%arg7 : memref<125x128xf32, #tpu.memory_space<vmem>>) target(%dma_start3A_62 : memref<10000x128xf32, #tpu.memory_space<vmem_shared>>) offsets(%dma_start3A_59 : memref<125xi32, #tpu.memory_space<vmem>>) semaphore(%arg8 : memref<!tpu.dma_semaphore, #tpu.memory_space<semaphore_mem>>) {add = true}
      %mul3A_63 = arith.constant 4 : i32
      %mul3A_64 = arith.muli %mul3A_63, %scan3A_23 : i32
      %add3A_65 = arith.constant 0 : i32
      %add3A_66 = arith.addi %mul3A_64, %add3A_65 : i32
      %dma_wait3A = arith.constant 0 : i32
      %dma_wait3A_67 = tpu.memref_slice %arg6[%add3A_66, %dma_wait3A] : memref<80x125xi32, #tpu.memory_space<vmem>> -> memref<1x125xi32, #tpu.memory_space<vmem>>
      %dma_wait3A_68 = tpu.memref_squeeze %dma_wait3A_67 : memref<1x125xi32, #tpu.memory_space<vmem>> -> memref<125xi32, #tpu.memory_space<vmem>>
      %dma_wait3A_69 = arith.constant 0 : i32
      %dma_wait3A_70 = arith.constant 0 : i32
      %dma_wait3A_71 = tpu.memref_slice %arg9[%dma_wait3A_69, %dma_wait3A_70] : memref<10000x128xf32, #tpu.memory_space<vmem_shared>> -> memref<10000x128xf32, #tpu.memory_space<vmem_shared>>
      tpu.wait_indirect_dma semaphore(%arg8 : memref<!tpu.dma_semaphore, #tpu.memory_space<semaphore_mem>>) src(%arg7 : memref<125x128xf32, #tpu.memory_space<vmem>>) dst(%dma_wait3A_71 : memref<10000x128xf32, #tpu.memory_space<vmem_shared>>)
      %mul3A_72 = arith.constant 4 : i32
      %mul3A_73 = arith.muli %mul3A_72, %scan3A_23 : i32
      %add3A_74 = arith.constant 1 : i32
      %add3A_75 = arith.addi %mul3A_73, %add3A_74 : i32
      %dma_wait3A_76 = arith.constant 0 : i32
      %dma_wait3A_77 = tpu.memref_slice %arg6[%add3A_75, %dma_wait3A_76] : memref<80x125xi32, #tpu.memory_space<vmem>> -> memref<1x125xi32, #tpu.memory_space<vmem>>
      %dma_wait3A_78 = tpu.memref_squeeze %dma_wait3A_77 : memref<1x125xi32, #tpu.memory_space<vmem>> -> memref<125xi32, #tpu.memory_space<vmem>>
      %dma_wait3A_79 = arith.constant 0 : i32
      %dma_wait3A_80 = arith.constant 0 : i32
      %dma_wait3A_81 = tpu.memref_slice %arg9[%dma_wait3A_79, %dma_wait3A_80] : memref<10000x128xf32, #tpu.memory_space<vmem_shared>> -> memref<10000x128xf32, #tpu.memory_space<vmem_shared>>
      tpu.wait_indirect_dma semaphore(%arg8 : memref<!tpu.dma_semaphore, #tpu.memory_space<semaphore_mem>>) src(%arg7 : memref<125x128xf32, #tpu.memory_space<vmem>>) dst(%dma_wait3A_81 : memref<10000x128xf32, #tpu.memory_space<vmem_shared>>)
      %mul3A_82 = arith.constant 4 : i32
      %mul3A_83 = arith.muli %mul3A_82, %scan3A_23 : i32
      %add3A_84 = arith.constant 2 : i32
      %add3A_85 = arith.addi %mul3A_83, %add3A_84 : i32
      %dma_wait3A_86 = arith.constant 0 : i32
      %dma_wait3A_87 = tpu.memref_slice %arg6[%add3A_85, %dma_wait3A_86] : memref<80x125xi32, #tpu.memory_space<vmem>> -> memref<1x125xi32, #tpu.memory_space<vmem>>
      %dma_wait3A_88 = tpu.memref_squeeze %dma_wait3A_87 : memref<1x125xi32, #tpu.memory_space<vmem>> -> memref<125xi32, #tpu.memory_space<vmem>>
      %dma_wait3A_89 = arith.constant 0 : i32
      %dma_wait3A_90 = arith.constant 0 : i32
      %dma_wait3A_91 = tpu.memref_slice %arg9[%dma_wait3A_89, %dma_wait3A_90] : memref<10000x128xf32, #tpu.memory_space<vmem_shared>> -> memref<10000x128xf32, #tpu.memory_space<vmem_shared>>
      tpu.wait_indirect_dma semaphore(%arg8 : memref<!tpu.dma_semaphore, #tpu.memory_space<semaphore_mem>>) src(%arg7 : memref<125x128xf32, #tpu.memory_space<vmem>>) dst(%dma_wait3A_91 : memref<10000x128xf32, #tpu.memory_space<vmem_shared>>)
      %mul3A_92 = arith.constant 4 : i32
      %mul3A_93 = arith.muli %mul3A_92, %scan3A_23 : i32
      %add3A_94 = arith.constant 3 : i32
      %add3A_95 = arith.addi %mul3A_93, %add3A_94 : i32
      %dma_wait3A_96 = arith.constant 0 : i32
      %dma_wait3A_97 = tpu.memref_slice %arg6[%add3A_95, %dma_wait3A_96] : memref<80x125xi32, #tpu.memory_space<vmem>> -> memref<1x125xi32, #tpu.memory_space<vmem>>
      %dma_wait3A_98 = tpu.memref_squeeze %dma_wait3A_97 : memref<1x125xi32, #tpu.memory_space<vmem>> -> memref<125xi32, #tpu.memory_space<vmem>>
      %dma_wait3A_99 = arith.constant 0 : i32
      %dma_wait3A_100 = arith.constant 0 : i32
      %dma_wait3A_101 = tpu.memref_slice %arg9[%dma_wait3A_99, %dma_wait3A_100] : memref<10000x128xf32, #tpu.memory_space<vmem_shared>> -> memref<10000x128xf32, #tpu.memory_space<vmem_shared>>
      tpu.wait_indirect_dma semaphore(%arg8 : memref<!tpu.dma_semaphore, #tpu.memory_space<semaphore_mem>>) src(%arg7 : memref<125x128xf32, #tpu.memory_space<vmem>>) dst(%dma_wait3A_101 : memref<10000x128xf32, #tpu.memory_space<vmem_shared>>)
    }
    %scan3A_11 = arith.constant 20 : i32
    %barrier3A_12 = arith.constant 0 : index
    tpu.barrier barrier_id(%barrier3A_12)
    %lt3A_13 = arith.constant 15 : i32
    %lt3A_14 = arith.cmpi slt, %arg1, %lt3A_13 : i32
    %convert_element_type3A_15 = arith.extui %lt3A_14 : i1 to i32
    %cond3A_16 = arith.constant 0 : i32
    %cond3A_17 = arith.cmpi ne, %convert_element_type3A_15, %cond3A_16 : i32
    scf.if %cond3A_17 {
      %mul3A_23 = arith.constant 624 : i32
      %mul3A_24 = arith.muli %arg1, %mul3A_23 : i32
      %mul3A_25 = arith.constant 10000 : i32
      %mul3A_26 = arith.muli %arg0, %mul3A_25 : i32
      %mul3A_27 = arith.constant 624 : i32
      %mul3A_28 = arith.muli %arg1, %mul3A_27 : i32
      %add3A_29 = arith.addi %mul3A_26, %mul3A_28 : i32
      "tpu.region"() ({
        %run_scoped3A = tpu.sem_alloc : memref<!tpu.dma_semaphore, #tpu.memory_space<semaphore_mem>>
        %dma_start3A = arith.constant 0 : i32
        %dma_start3A_30 = tpu.memref_slice %arg5[%add3A_29, %dma_start3A] : memref<20000x128xf32, #tpu.memory_space<hbm>> -> memref<624x128xf32, #tpu.memory_space<hbm>>
        %dma_start3A_31 = arith.constant 0 : i32
        %dma_start3A_32 = tpu.memref_slice %arg9[%mul3A_24, %dma_start3A_31] : memref<10000x128xf32, #tpu.memory_space<vmem_shared>> -> memref<624x128xf32, #tpu.memory_space<vmem_shared>>
        tpu.enqueue_dma source(%dma_start3A_32 : memref<624x128xf32, #tpu.memory_space<vmem_shared>>) target(%dma_start3A_30 : memref<624x128xf32, #tpu.memory_space<hbm>>) target_semaphore(%run_scoped3A : memref<!tpu.dma_semaphore, #tpu.memory_space<semaphore_mem>>)
        %dma_wait3A = arith.constant 0 : i32
        %dma_wait3A_33 = tpu.memref_slice %arg5[%add3A_29, %dma_wait3A] : memref<20000x128xf32, #tpu.memory_space<hbm>> -> memref<624x128xf32, #tpu.memory_space<hbm>>
        %dma_wait3A_34 = arith.constant 0 : i32
        %dma_wait3A_35 = tpu.memref_slice %arg9[%mul3A_24, %dma_wait3A_34] : memref<10000x128xf32, #tpu.memory_space<vmem_shared>> -> memref<624x128xf32, #tpu.memory_space<vmem_shared>>
        tpu.wait_dma2 semaphore(%run_scoped3A : memref<!tpu.dma_semaphore, #tpu.memory_space<semaphore_mem>>) src(%dma_wait3A_35 : memref<624x128xf32, #tpu.memory_space<vmem_shared>>) dst(%dma_wait3A_33 : memref<624x128xf32, #tpu.memory_space<hbm>>)
        tpu.yield
      }) : () -> ()
    } else {
    }
    %eq3A_18 = arith.constant 15 : i32
    %eq3A_19 = arith.cmpi eq, %arg1, %eq3A_18 : i32
    %convert_element_type3A_20 = arith.extui %eq3A_19 : i1 to i32
    %cond3A_21 = arith.constant 0 : i32
    %cond3A_22 = arith.cmpi ne, %convert_element_type3A_20, %cond3A_21 : i32
    scf.if %cond3A_22 {
      %mul3A_23 = arith.constant 624 : i32
      %mul3A_24 = arith.muli %arg1, %mul3A_23 : i32
      %mul3A_25 = arith.constant 10000 : i32
      %mul3A_26 = arith.muli %arg0, %mul3A_25 : i32
      %mul3A_27 = arith.constant 624 : i32
      %mul3A_28 = arith.muli %arg1, %mul3A_27 : i32
      %add3A_29 = arith.addi %mul3A_26, %mul3A_28 : i32
      "tpu.region"() ({
        %run_scoped3A = tpu.sem_alloc : memref<!tpu.dma_semaphore, #tpu.memory_space<semaphore_mem>>
        %dma_start3A = arith.constant 0 : i32
        %dma_start3A_30 = tpu.memref_slice %arg5[%add3A_29, %dma_start3A] : memref<20000x128xf32, #tpu.memory_space<hbm>> -> memref<640x128xf32, #tpu.memory_space<hbm>>
        %dma_start3A_31 = arith.constant 0 : i32
        %dma_start3A_32 = tpu.memref_slice %arg9[%mul3A_24, %dma_start3A_31] : memref<10000x128xf32, #tpu.memory_space<vmem_shared>> -> memref<640x128xf32, #tpu.memory_space<vmem_shared>>
        tpu.enqueue_dma source(%dma_start3A_32 : memref<640x128xf32, #tpu.memory_space<vmem_shared>>) target(%dma_start3A_30 : memref<640x128xf32, #tpu.memory_space<hbm>>) target_semaphore(%run_scoped3A : memref<!tpu.dma_semaphore, #tpu.memory_space<semaphore_mem>>)
        %dma_wait3A = arith.constant 0 : i32
        %dma_wait3A_33 = tpu.memref_slice %arg5[%add3A_29, %dma_wait3A] : memref<20000x128xf32, #tpu.memory_space<hbm>> -> memref<640x128xf32, #tpu.memory_space<hbm>>
        %dma_wait3A_34 = arith.constant 0 : i32
        %dma_wait3A_35 = tpu.memref_slice %arg9[%mul3A_24, %dma_wait3A_34] : memref<10000x128xf32, #tpu.memory_space<vmem_shared>> -> memref<640x128xf32, #tpu.memory_space<vmem_shared>>
        tpu.wait_dma2 semaphore(%run_scoped3A : memref<!tpu.dma_semaphore, #tpu.memory_space<semaphore_mem>>) src(%dma_wait3A_35 : memref<640x128xf32, #tpu.memory_space<vmem_shared>>) dst(%dma_wait3A_33 : memref<640x128xf32, #tpu.memory_space<hbm>>)
        tpu.yield
      }) : () -> ()
    } else {
    }
    return
  }
}

#map = affine_map<(d0, d1) -> (0, 0)>
#map1 = affine_map<(d0, d1) -> (0, 0, 0)>
module attributes {stable_mosaic.version = 14 : i64} {
  func.func @_sc_scatter_body(%arg0: i32, %arg1: i32, %arg2: memref<10000x128xf32, #tpu.memory_space<hbm>>, %arg3: memref<64x40x125xi32, #tpu.memory_space<hbm>>, %arg4: memref<64x40x125xi32, #tpu.memory_space<hbm>>, %arg5: memref<640x128xf32, #tpu.memory_space<hbm>>, %arg6: memref<20000x128xf32, #tpu.memory_space<hbm>>, %arg7: memref<40x125xi32, #tpu.memory_space<vmem>>, %arg8: memref<40x125xi32, #tpu.memory_space<vmem>>, %arg9: memref<125x128xf32, #tpu.memory_space<vmem>>, %arg10: memref<125x128xf32, #tpu.memory_space<vmem>>, %arg11: memref<!tpu.dma_semaphore, #tpu.memory_space<semaphore_mem>>, %arg12: memref<!tpu.dma_semaphore, #tpu.memory_space<semaphore_mem>>, %arg13: memref<10000x128xf32, #tpu.memory_space<vmem_shared>>) attributes {dimension_semantics = [#tpu.dimension_semantics<core_parallel>, #tpu.dimension_semantics<subcore_parallel>], iteration_bounds = array<i64: 2, 16>, scalar_prefetch = 0 : i64, scratch_operands = 7 : i64, tpu.core_type = #tpu.core_type<sc_vector_subcore>, window_params = [{transform_indices = #map}, {transform_indices = #map1}, {transform_indices = #map1}, {transform_indices = #map}, {transform_indices = #map}]} {
    %mul3A = arith.constant 16 : i32
    %mul3A_0 = arith.muli %arg0, %mul3A : i32
    %add3A = arith.addi %mul3A_0, %arg1 : i32
    "tpu.region"() ({
      %run_scoped3A = tpu.sem_alloc : memref<!tpu.dma_semaphore, #tpu.memory_space<semaphore_mem>>
      %dma_start3A_71 = arith.constant 0 : i32
      %dma_start3A_72 = arith.constant 0 : i32
      %dma_start3A_73 = tpu.memref_slice %arg3[%add3A, %dma_start3A_71, %dma_start3A_72] : memref<64x40x125xi32, #tpu.memory_space<hbm>> -> memref<1x40x125xi32, #tpu.memory_space<hbm>>
      %dma_start3A_74 = tpu.memref_squeeze %dma_start3A_73 : memref<1x40x125xi32, #tpu.memory_space<hbm>> -> memref<40x125xi32, #tpu.memory_space<hbm>>
      %dma_start3A_75 = arith.constant 0 : i32
      %dma_start3A_76 = arith.constant 0 : i32
      %dma_start3A_77 = tpu.memref_slice %arg3[%add3A, %dma_start3A_75, %dma_start3A_76] : memref<64x40x125xi32, #tpu.memory_space<hbm>> -> memref<1x40x125xi32, #tpu.memory_space<hbm>>
      %dma_start3A_78 = tpu.memref_squeeze %dma_start3A_77 : memref<1x40x125xi32, #tpu.memory_space<hbm>> -> memref<40x125xi32, #tpu.memory_space<hbm>>
      tpu.enqueue_dma source(%dma_start3A_78 : memref<40x125xi32, #tpu.memory_space<hbm>>) target(%arg7 : memref<40x125xi32, #tpu.memory_space<vmem>>) target_semaphore(%run_scoped3A : memref<!tpu.dma_semaphore, #tpu.memory_space<semaphore_mem>>)
      %dma_wait3A_79 = arith.constant 0 : i32
      %dma_wait3A_80 = arith.constant 0 : i32
      %dma_wait3A_81 = tpu.memref_slice %arg3[%add3A, %dma_wait3A_79, %dma_wait3A_80] : memref<64x40x125xi32, #tpu.memory_space<hbm>> -> memref<1x40x125xi32, #tpu.memory_space<hbm>>
      %dma_wait3A_82 = tpu.memref_squeeze %dma_wait3A_81 : memref<1x40x125xi32, #tpu.memory_space<hbm>> -> memref<40x125xi32, #tpu.memory_space<hbm>>
      %dma_wait3A_83 = arith.constant 0 : i32
      %dma_wait3A_84 = arith.constant 0 : i32
      %dma_wait3A_85 = tpu.memref_slice %arg3[%add3A, %dma_wait3A_83, %dma_wait3A_84] : memref<64x40x125xi32, #tpu.memory_space<hbm>> -> memref<1x40x125xi32, #tpu.memory_space<hbm>>
      %dma_wait3A_86 = tpu.memref_squeeze %dma_wait3A_85 : memref<1x40x125xi32, #tpu.memory_space<hbm>> -> memref<40x125xi32, #tpu.memory_space<hbm>>
      tpu.wait_dma2 semaphore(%run_scoped3A : memref<!tpu.dma_semaphore, #tpu.memory_space<semaphore_mem>>) src(%dma_wait3A_86 : memref<40x125xi32, #tpu.memory_space<hbm>>) dst(%arg7 : memref<40x125xi32, #tpu.memory_space<vmem>>)
      tpu.yield
    }) : () -> ()
    "tpu.region"() ({
      %run_scoped3A = tpu.sem_alloc : memref<!tpu.dma_semaphore, #tpu.memory_space<semaphore_mem>>
      %dma_start3A_71 = arith.constant 0 : i32
      %dma_start3A_72 = arith.constant 0 : i32
      %dma_start3A_73 = tpu.memref_slice %arg4[%add3A, %dma_start3A_71, %dma_start3A_72] : memref<64x40x125xi32, #tpu.memory_space<hbm>> -> memref<1x40x125xi32, #tpu.memory_space<hbm>>
      %dma_start3A_74 = tpu.memref_squeeze %dma_start3A_73 : memref<1x40x125xi32, #tpu.memory_space<hbm>> -> memref<40x125xi32, #tpu.memory_space<hbm>>
      %dma_start3A_75 = arith.constant 0 : i32
      %dma_start3A_76 = arith.constant 0 : i32
      %dma_start3A_77 = tpu.memref_slice %arg4[%add3A, %dma_start3A_75, %dma_start3A_76] : memref<64x40x125xi32, #tpu.memory_space<hbm>> -> memref<1x40x125xi32, #tpu.memory_space<hbm>>
      %dma_start3A_78 = tpu.memref_squeeze %dma_start3A_77 : memref<1x40x125xi32, #tpu.memory_space<hbm>> -> memref<40x125xi32, #tpu.memory_space<hbm>>
      tpu.enqueue_dma source(%dma_start3A_78 : memref<40x125xi32, #tpu.memory_space<hbm>>) target(%arg8 : memref<40x125xi32, #tpu.memory_space<vmem>>) target_semaphore(%run_scoped3A : memref<!tpu.dma_semaphore, #tpu.memory_space<semaphore_mem>>)
      %dma_wait3A_79 = arith.constant 0 : i32
      %dma_wait3A_80 = arith.constant 0 : i32
      %dma_wait3A_81 = tpu.memref_slice %arg4[%add3A, %dma_wait3A_79, %dma_wait3A_80] : memref<64x40x125xi32, #tpu.memory_space<hbm>> -> memref<1x40x125xi32, #tpu.memory_space<hbm>>
      %dma_wait3A_82 = tpu.memref_squeeze %dma_wait3A_81 : memref<1x40x125xi32, #tpu.memory_space<hbm>> -> memref<40x125xi32, #tpu.memory_space<hbm>>
      %dma_wait3A_83 = arith.constant 0 : i32
      %dma_wait3A_84 = arith.constant 0 : i32
      %dma_wait3A_85 = tpu.memref_slice %arg4[%add3A, %dma_wait3A_83, %dma_wait3A_84] : memref<64x40x125xi32, #tpu.memory_space<hbm>> -> memref<1x40x125xi32, #tpu.memory_space<hbm>>
      %dma_wait3A_86 = tpu.memref_squeeze %dma_wait3A_85 : memref<1x40x125xi32, #tpu.memory_space<hbm>> -> memref<40x125xi32, #tpu.memory_space<hbm>>
      tpu.wait_dma2 semaphore(%run_scoped3A : memref<!tpu.dma_semaphore, #tpu.memory_space<semaphore_mem>>) src(%dma_wait3A_86 : memref<40x125xi32, #tpu.memory_space<hbm>>) dst(%arg8 : memref<40x125xi32, #tpu.memory_space<vmem>>)
      tpu.yield
    }) : () -> ()
    %lt3A = arith.constant 15 : i32
    %lt3A_1 = arith.cmpi slt, %arg1, %lt3A : i32
    %convert_element_type3A = arith.extui %lt3A_1 : i1 to i32
    %cond3A = arith.constant 0 : i32
    %cond3A_2 = arith.cmpi ne, %convert_element_type3A, %cond3A : i32
    scf.if %cond3A_2 {
      %mul3A_71 = arith.constant 624 : i32
      %mul3A_72 = arith.muli %arg1, %mul3A_71 : i32
      "tpu.region"() ({
        %run_scoped3A = tpu.sem_alloc : memref<!tpu.dma_semaphore, #tpu.memory_space<semaphore_mem>>
        %dma_start3A_73 = arith.constant 0 : i32
        %dma_start3A_74 = tpu.memref_slice %arg13[%mul3A_72, %dma_start3A_73] : memref<10000x128xf32, #tpu.memory_space<vmem_shared>> -> memref<624x128xf32, #tpu.memory_space<vmem_shared>>
        %dma_start3A_75 = arith.constant 0 : i32
        %dma_start3A_76 = arith.constant 0 : i32
        %dma_start3A_77 = tpu.memref_slice %arg5[%dma_start3A_75, %dma_start3A_76] : memref<640x128xf32, #tpu.memory_space<hbm>> -> memref<624x128xf32, #tpu.memory_space<hbm>>
        tpu.enqueue_dma source(%dma_start3A_77 : memref<624x128xf32, #tpu.memory_space<hbm>>) target(%dma_start3A_74 : memref<624x128xf32, #tpu.memory_space<vmem_shared>>) target_semaphore(%run_scoped3A : memref<!tpu.dma_semaphore, #tpu.memory_space<semaphore_mem>>)
        %dma_wait3A_78 = arith.constant 0 : i32
        %dma_wait3A_79 = tpu.memref_slice %arg13[%mul3A_72, %dma_wait3A_78] : memref<10000x128xf32, #tpu.memory_space<vmem_shared>> -> memref<624x128xf32, #tpu.memory_space<vmem_shared>>
        %dma_wait3A_80 = arith.constant 0 : i32
        %dma_wait3A_81 = arith.constant 0 : i32
        %dma_wait3A_82 = tpu.memref_slice %arg5[%dma_wait3A_80, %dma_wait3A_81] : memref<640x128xf32, #tpu.memory_space<hbm>> -> memref<624x128xf32, #tpu.memory_space<hbm>>
        tpu.wait_dma2 semaphore(%run_scoped3A : memref<!tpu.dma_semaphore, #tpu.memory_space<semaphore_mem>>) src(%dma_wait3A_82 : memref<624x128xf32, #tpu.memory_space<hbm>>) dst(%dma_wait3A_79 : memref<624x128xf32, #tpu.memory_space<vmem_shared>>)
        tpu.yield
      }) : () -> ()
    } else {
    }
    %eq3A = arith.constant 15 : i32
    %eq3A_3 = arith.cmpi eq, %arg1, %eq3A : i32
    %convert_element_type3A_4 = arith.extui %eq3A_3 : i1 to i32
    %cond3A_5 = arith.constant 0 : i32
    %cond3A_6 = arith.cmpi ne, %convert_element_type3A_4, %cond3A_5 : i32
    scf.if %cond3A_6 {
      %mul3A_71 = arith.constant 624 : i32
      %mul3A_72 = arith.muli %arg1, %mul3A_71 : i32
      "tpu.region"() ({
        %run_scoped3A = tpu.sem_alloc : memref<!tpu.dma_semaphore, #tpu.memory_space<semaphore_mem>>
        %dma_start3A_73 = arith.constant 0 : i32
        %dma_start3A_74 = tpu.memref_slice %arg13[%mul3A_72, %dma_start3A_73] : memref<10000x128xf32, #tpu.memory_space<vmem_shared>> -> memref<640x128xf32, #tpu.memory_space<vmem_shared>>
        tpu.enqueue_dma source(%arg5 : memref<640x128xf32, #tpu.memory_space<hbm>>) target(%dma_start3A_74 : memref<640x128xf32, #tpu.memory_space<vmem_shared>>) target_semaphore(%run_scoped3A : memref<!tpu.dma_semaphore, #tpu.memory_space<semaphore_mem>>)
        %dma_wait3A_75 = arith.constant 0 : i32
        %dma_wait3A_76 = tpu.memref_slice %arg13[%mul3A_72, %dma_wait3A_75] : memref<10000x128xf32, #tpu.memory_space<vmem_shared>> -> memref<640x128xf32, #tpu.memory_space<vmem_shared>>
        tpu.wait_dma2 semaphore(%run_scoped3A : memref<!tpu.dma_semaphore, #tpu.memory_space<semaphore_mem>>) src(%arg5 : memref<640x128xf32, #tpu.memory_space<hbm>>) dst(%dma_wait3A_76 : memref<640x128xf32, #tpu.memory_space<vmem_shared>>)
        tpu.yield
      }) : () -> ()
    } else {
    }
    %barrier3A = arith.constant 0 : index
    tpu.barrier barrier_id(%barrier3A)
    %mul3A_7 = arith.constant 2 : i32
    %mul3A_8 = arith.muli %add3A, %mul3A_7 : i32
    %add3A_9 = arith.constant 0 : i32
    %add3A_10 = arith.addi %mul3A_8, %add3A_9 : i32
    "tpu.region"() ({
      %run_scoped3A = tpu.sem_alloc : memref<!tpu.dma_semaphore, #tpu.memory_space<semaphore_mem>>
      %dma_start3A_71 = arith.constant 0 : i32
      %dma_start3A_72 = arith.constant 0 : i32
      %dma_start3A_73 = tpu.memref_slice %arg3[%add3A_10, %dma_start3A_71, %dma_start3A_72] : memref<64x40x125xi32, #tpu.memory_space<hbm>> -> memref<1x40x125xi32, #tpu.memory_space<hbm>>
      %dma_start3A_74 = tpu.memref_squeeze %dma_start3A_73 : memref<1x40x125xi32, #tpu.memory_space<hbm>> -> memref<40x125xi32, #tpu.memory_space<hbm>>
      %dma_start3A_75 = arith.constant 0 : i32
      %dma_start3A_76 = arith.constant 0 : i32
      %dma_start3A_77 = tpu.memref_slice %arg3[%add3A_10, %dma_start3A_75, %dma_start3A_76] : memref<64x40x125xi32, #tpu.memory_space<hbm>> -> memref<1x40x125xi32, #tpu.memory_space<hbm>>
      %dma_start3A_78 = tpu.memref_squeeze %dma_start3A_77 : memref<1x40x125xi32, #tpu.memory_space<hbm>> -> memref<40x125xi32, #tpu.memory_space<hbm>>
      tpu.enqueue_dma source(%dma_start3A_78 : memref<40x125xi32, #tpu.memory_space<hbm>>) target(%arg7 : memref<40x125xi32, #tpu.memory_space<vmem>>) target_semaphore(%run_scoped3A : memref<!tpu.dma_semaphore, #tpu.memory_space<semaphore_mem>>)
      %dma_wait3A_79 = arith.constant 0 : i32
      %dma_wait3A_80 = arith.constant 0 : i32
      %dma_wait3A_81 = tpu.memref_slice %arg3[%add3A_10, %dma_wait3A_79, %dma_wait3A_80] : memref<64x40x125xi32, #tpu.memory_space<hbm>> -> memref<1x40x125xi32, #tpu.memory_space<hbm>>
      %dma_wait3A_82 = tpu.memref_squeeze %dma_wait3A_81 : memref<1x40x125xi32, #tpu.memory_space<hbm>> -> memref<40x125xi32, #tpu.memory_space<hbm>>
      %dma_wait3A_83 = arith.constant 0 : i32
      %dma_wait3A_84 = arith.constant 0 : i32
      %dma_wait3A_85 = tpu.memref_slice %arg3[%add3A_10, %dma_wait3A_83, %dma_wait3A_84] : memref<64x40x125xi32, #tpu.memory_space<hbm>> -> memref<1x40x125xi32, #tpu.memory_space<hbm>>
      %dma_wait3A_86 = tpu.memref_squeeze %dma_wait3A_85 : memref<1x40x125xi32, #tpu.memory_space<hbm>> -> memref<40x125xi32, #tpu.memory_space<hbm>>
      tpu.wait_dma2 semaphore(%run_scoped3A : memref<!tpu.dma_semaphore, #tpu.memory_space<semaphore_mem>>) src(%dma_wait3A_86 : memref<40x125xi32, #tpu.memory_space<hbm>>) dst(%arg7 : memref<40x125xi32, #tpu.memory_space<vmem>>)
      tpu.yield
    }) : () -> ()
    %mul3A_11 = arith.constant 2 : i32
    %mul3A_12 = arith.muli %add3A, %mul3A_11 : i32
    %add3A_13 = arith.constant 0 : i32
    %add3A_14 = arith.addi %mul3A_12, %add3A_13 : i32
    "tpu.region"() ({
      %run_scoped3A = tpu.sem_alloc : memref<!tpu.dma_semaphore, #tpu.memory_space<semaphore_mem>>
      %dma_start3A_71 = arith.constant 0 : i32
      %dma_start3A_72 = arith.constant 0 : i32
      %dma_start3A_73 = tpu.memref_slice %arg4[%add3A_14, %dma_start3A_71, %dma_start3A_72] : memref<64x40x125xi32, #tpu.memory_space<hbm>> -> memref<1x40x125xi32, #tpu.memory_space<hbm>>
      %dma_start3A_74 = tpu.memref_squeeze %dma_start3A_73 : memref<1x40x125xi32, #tpu.memory_space<hbm>> -> memref<40x125xi32, #tpu.memory_space<hbm>>
      %dma_start3A_75 = arith.constant 0 : i32
      %dma_start3A_76 = arith.constant 0 : i32
      %dma_start3A_77 = tpu.memref_slice %arg4[%add3A_14, %dma_start3A_75, %dma_start3A_76] : memref<64x40x125xi32, #tpu.memory_space<hbm>> -> memref<1x40x125xi32, #tpu.memory_space<hbm>>
      %dma_start3A_78 = tpu.memref_squeeze %dma_start3A_77 : memref<1x40x125xi32, #tpu.memory_space<hbm>> -> memref<40x125xi32, #tpu.memory_space<hbm>>
      tpu.enqueue_dma source(%dma_start3A_78 : memref<40x125xi32, #tpu.memory_space<hbm>>) target(%arg8 : memref<40x125xi32, #tpu.memory_space<vmem>>) target_semaphore(%run_scoped3A : memref<!tpu.dma_semaphore, #tpu.memory_space<semaphore_mem>>)
      %dma_wait3A_79 = arith.constant 0 : i32
      %dma_wait3A_80 = arith.constant 0 : i32
      %dma_wait3A_81 = tpu.memref_slice %arg4[%add3A_14, %dma_wait3A_79, %dma_wait3A_80] : memref<64x40x125xi32, #tpu.memory_space<hbm>> -> memref<1x40x125xi32, #tpu.memory_space<hbm>>
      %dma_wait3A_82 = tpu.memref_squeeze %dma_wait3A_81 : memref<1x40x125xi32, #tpu.memory_space<hbm>> -> memref<40x125xi32, #tpu.memory_space<hbm>>
      %dma_wait3A_83 = arith.constant 0 : i32
      %dma_wait3A_84 = arith.constant 0 : i32
      %dma_wait3A_85 = tpu.memref_slice %arg4[%add3A_14, %dma_wait3A_83, %dma_wait3A_84] : memref<64x40x125xi32, #tpu.memory_space<hbm>> -> memref<1x40x125xi32, #tpu.memory_space<hbm>>
      %dma_wait3A_86 = tpu.memref_squeeze %dma_wait3A_85 : memref<1x40x125xi32, #tpu.memory_space<hbm>> -> memref<40x125xi32, #tpu.memory_space<hbm>>
      tpu.wait_dma2 semaphore(%run_scoped3A : memref<!tpu.dma_semaphore, #tpu.memory_space<semaphore_mem>>) src(%dma_wait3A_86 : memref<40x125xi32, #tpu.memory_space<hbm>>) dst(%arg8 : memref<40x125xi32, #tpu.memory_space<vmem>>)
      tpu.yield
    }) : () -> ()
    %dma_start3A = arith.constant 0 : i32
    %dma_start3A_15 = arith.constant 0 : i32
    %dma_start3A_16 = tpu.memref_slice %arg7[%dma_start3A, %dma_start3A_15] : memref<40x125xi32, #tpu.memory_space<vmem>> -> memref<1x125xi32, #tpu.memory_space<vmem>>
    %dma_start3A_17 = tpu.memref_squeeze %dma_start3A_16 : memref<1x125xi32, #tpu.memory_space<vmem>> -> memref<125xi32, #tpu.memory_space<vmem>>
    %dma_start3A_18 = arith.constant 0 : i32
    %dma_start3A_19 = arith.constant 0 : i32
    %dma_start3A_20 = tpu.memref_slice %arg2[%dma_start3A_18, %dma_start3A_19] : memref<10000x128xf32, #tpu.memory_space<hbm>> -> memref<10000x128xf32, #tpu.memory_space<hbm>>
    tpu.enqueue_indirect_dma source(%dma_start3A_20 : memref<10000x128xf32, #tpu.memory_space<hbm>>) target(%arg9 : memref<125x128xf32, #tpu.memory_space<vmem>>) offsets(%dma_start3A_17 : memref<125xi32, #tpu.memory_space<vmem>>) semaphore(%arg11 : memref<!tpu.dma_semaphore, #tpu.memory_space<semaphore_mem>>)
    %scan3A = arith.constant 0 : i32
    %scan3A_21 = arith.constant 0 : i32
    %scan3A_22 = arith.constant 20 : i32
    %scan3A_23 = arith.addi %scan3A_21, %scan3A_22 : i32
    %scan3A_24 = arith.constant 1 : i32
    scf.for %scan3A_71 = %scan3A_21 to %scan3A_23 step %scan3A_24  : i32 {
      %mul3A_72 = arith.constant 2 : i32
      %mul3A_73 = arith.muli %mul3A_72, %scan3A_71 : i32
      %mul3A_74 = arith.constant 2 : i32
      %mul3A_75 = arith.muli %mul3A_74, %scan3A_71 : i32
      %add3A_76 = arith.constant 1 : i32
      %add3A_77 = arith.addi %mul3A_75, %add3A_76 : i32
      %mul3A_78 = arith.constant 2 : i32
      %mul3A_79 = arith.muli %mul3A_78, %scan3A_71 : i32
      %add3A_80 = arith.constant 2 : i32
      %add3A_81 = arith.addi %mul3A_79, %add3A_80 : i32
      %min3A = arith.constant 39 : i32
      %min3A_82 = arith.minsi %add3A_81, %min3A : i32
      %dma_start3A_83 = arith.constant 0 : i32
      %dma_start3A_84 = tpu.memref_slice %arg7[%add3A_77, %dma_start3A_83] : memref<40x125xi32, #tpu.memory_space<vmem>> -> memref<1x125xi32, #tpu.memory_space<vmem>>
      %dma_start3A_85 = tpu.memref_squeeze %dma_start3A_84 : memref<1x125xi32, #tpu.memory_space<vmem>> -> memref<125xi32, #tpu.memory_space<vmem>>
      %dma_start3A_86 = arith.constant 0 : i32
      %dma_start3A_87 = arith.constant 0 : i32
      %dma_start3A_88 = tpu.memref_slice %arg2[%dma_start3A_86, %dma_start3A_87] : memref<10000x128xf32, #tpu.memory_space<hbm>> -> memref<10000x128xf32, #tpu.memory_space<hbm>>
      tpu.enqueue_indirect_dma source(%dma_start3A_88 : memref<10000x128xf32, #tpu.memory_space<hbm>>) target(%arg10 : memref<125x128xf32, #tpu.memory_space<vmem>>) offsets(%dma_start3A_85 : memref<125xi32, #tpu.memory_space<vmem>>) semaphore(%arg12 : memref<!tpu.dma_semaphore, #tpu.memory_space<semaphore_mem>>)
      %dma_wait3A_89 = arith.constant 0 : i32
      %dma_wait3A_90 = tpu.memref_slice %arg7[%mul3A_73, %dma_wait3A_89] : memref<40x125xi32, #tpu.memory_space<vmem>> -> memref<1x125xi32, #tpu.memory_space<vmem>>
      %dma_wait3A_91 = tpu.memref_squeeze %dma_wait3A_90 : memref<1x125xi32, #tpu.memory_space<vmem>> -> memref<125xi32, #tpu.memory_space<vmem>>
      %dma_wait3A_92 = arith.constant 0 : i32
      %dma_wait3A_93 = arith.constant 0 : i32
      %dma_wait3A_94 = tpu.memref_slice %arg2[%dma_wait3A_92, %dma_wait3A_93] : memref<10000x128xf32, #tpu.memory_space<hbm>> -> memref<10000x128xf32, #tpu.memory_space<hbm>>
      tpu.wait_indirect_dma semaphore(%arg11 : memref<!tpu.dma_semaphore, #tpu.memory_space<semaphore_mem>>) src(%dma_wait3A_94 : memref<10000x128xf32, #tpu.memory_space<hbm>>) dst(%arg9 : memref<125x128xf32, #tpu.memory_space<vmem>>)
      "tpu.region"() ({
        %run_scoped3A = tpu.sem_alloc : memref<!tpu.dma_semaphore, #tpu.memory_space<semaphore_mem>>
        %dma_start3A_107 = arith.constant 0 : i32
        %dma_start3A_108 = tpu.memref_slice %arg8[%mul3A_73, %dma_start3A_107] : memref<40x125xi32, #tpu.memory_space<vmem>> -> memref<1x125xi32, #tpu.memory_space<vmem>>
        %dma_start3A_109 = tpu.memref_squeeze %dma_start3A_108 : memref<1x125xi32, #tpu.memory_space<vmem>> -> memref<125xi32, #tpu.memory_space<vmem>>
        %dma_start3A_110 = arith.constant 0 : i32
        %dma_start3A_111 = arith.constant 0 : i32
        %dma_start3A_112 = tpu.memref_slice %arg13[%dma_start3A_110, %dma_start3A_111] : memref<10000x128xf32, #tpu.memory_space<vmem_shared>> -> memref<10000x128xf32, #tpu.memory_space<vmem_shared>>
        tpu.enqueue_indirect_dma source(%arg9 : memref<125x128xf32, #tpu.memory_space<vmem>>) target(%dma_start3A_112 : memref<10000x128xf32, #tpu.memory_space<vmem_shared>>) offsets(%dma_start3A_109 : memref<125xi32, #tpu.memory_space<vmem>>) semaphore(%run_scoped3A : memref<!tpu.dma_semaphore, #tpu.memory_space<semaphore_mem>>) {add = true}
        %dma_wait3A_113 = arith.constant 0 : i32
        %dma_wait3A_114 = tpu.memref_slice %arg8[%mul3A_73, %dma_wait3A_113] : memref<40x125xi32, #tpu.memory_space<vmem>> -> memref<1x125xi32, #tpu.memory_space<vmem>>
        %dma_wait3A_115 = tpu.memref_squeeze %dma_wait3A_114 : memref<1x125xi32, #tpu.memory_space<vmem>> -> memref<125xi32, #tpu.memory_space<vmem>>
        %dma_wait3A_116 = arith.constant 0 : i32
        %dma_wait3A_117 = arith.constant 0 : i32
        %dma_wait3A_118 = tpu.memref_slice %arg13[%dma_wait3A_116, %dma_wait3A_117] : memref<10000x128xf32, #tpu.memory_space<vmem_shared>> -> memref<10000x128xf32, #tpu.memory_space<vmem_shared>>
        tpu.wait_indirect_dma semaphore(%run_scoped3A : memref<!tpu.dma_semaphore, #tpu.memory_space<semaphore_mem>>) src(%arg9 : memref<125x128xf32, #tpu.memory_space<vmem>>) dst(%dma_wait3A_118 : memref<10000x128xf32, #tpu.memory_space<vmem_shared>>)
        tpu.yield
      }) : () -> ()
      %dma_start3A_95 = arith.constant 0 : i32
      %dma_start3A_96 = tpu.memref_slice %arg7[%min3A_82, %dma_start3A_95] : memref<40x125xi32, #tpu.memory_space<vmem>> -> memref<1x125xi32, #tpu.memory_space<vmem>>
      %dma_start3A_97 = tpu.memref_squeeze %dma_start3A_96 : memref<1x125xi32, #tpu.memory_space<vmem>> -> memref<125xi32, #tpu.memory_space<vmem>>
      %dma_start3A_98 = arith.constant 0 : i32
      %dma_start3A_99 = arith.constant 0 : i32
      %dma_start3A_100 = tpu.memref_slice %arg2[%dma_start3A_98, %dma_start3A_99] : memref<10000x128xf32, #tpu.memory_space<hbm>> -> memref<10000x128xf32, #tpu.memory_space<hbm>>
      tpu.enqueue_indirect_dma source(%dma_start3A_100 : memref<10000x128xf32, #tpu.memory_space<hbm>>) target(%arg9 : memref<125x128xf32, #tpu.memory_space<vmem>>) offsets(%dma_start3A_97 : memref<125xi32, #tpu.memory_space<vmem>>) semaphore(%arg11 : memref<!tpu.dma_semaphore, #tpu.memory_space<semaphore_mem>>)
      %dma_wait3A_101 = arith.constant 0 : i32
      %dma_wait3A_102 = tpu.memref_slice %arg7[%add3A_77, %dma_wait3A_101] : memref<40x125xi32, #tpu.memory_space<vmem>> -> memref<1x125xi32, #tpu.memory_space<vmem>>
      %dma_wait3A_103 = tpu.memref_squeeze %dma_wait3A_102 : memref<1x125xi32, #tpu.memory_space<vmem>> -> memref<125xi32, #tpu.memory_space<vmem>>
      %dma_wait3A_104 = arith.constant 0 : i32
      %dma_wait3A_105 = arith.constant 0 : i32
      %dma_wait3A_106 = tpu.memref_slice %arg2[%dma_wait3A_104, %dma_wait3A_105] : memref<10000x128xf32, #tpu.memory_space<hbm>> -> memref<10000x128xf32, #tpu.memory_space<hbm>>
      tpu.wait_indirect_dma semaphore(%arg12 : memref<!tpu.dma_semaphore, #tpu.memory_space<semaphore_mem>>) src(%dma_wait3A_106 : memref<10000x128xf32, #tpu.memory_space<hbm>>) dst(%arg10 : memref<125x128xf32, #tpu.memory_space<vmem>>)
      "tpu.region"() ({
        %run_scoped3A = tpu.sem_alloc : memref<!tpu.dma_semaphore, #tpu.memory_space<semaphore_mem>>
        %dma_start3A_107 = arith.constant 0 : i32
        %dma_start3A_108 = tpu.memref_slice %arg8[%add3A_77, %dma_start3A_107] : memref<40x125xi32, #tpu.memory_space<vmem>> -> memref<1x125xi32, #tpu.memory_space<vmem>>
        %dma_start3A_109 = tpu.memref_squeeze %dma_start3A_108 : memref<1x125xi32, #tpu.memory_space<vmem>> -> memref<125xi32, #tpu.memory_space<vmem>>
        %dma_start3A_110 = arith.constant 0 : i32
        %dma_start3A_111 = arith.constant 0 : i32
        %dma_start3A_112 = tpu.memref_slice %arg13[%dma_start3A_110, %dma_start3A_111] : memref<10000x128xf32, #tpu.memory_space<vmem_shared>> -> memref<10000x128xf32, #tpu.memory_space<vmem_shared>>
        tpu.enqueue_indirect_dma source(%arg10 : memref<125x128xf32, #tpu.memory_space<vmem>>) target(%dma_start3A_112 : memref<10000x128xf32, #tpu.memory_space<vmem_shared>>) offsets(%dma_start3A_109 : memref<125xi32, #tpu.memory_space<vmem>>) semaphore(%run_scoped3A : memref<!tpu.dma_semaphore, #tpu.memory_space<semaphore_mem>>) {add = true}
        %dma_wait3A_113 = arith.constant 0 : i32
        %dma_wait3A_114 = tpu.memref_slice %arg8[%add3A_77, %dma_wait3A_113] : memref<40x125xi32, #tpu.memory_space<vmem>> -> memref<1x125xi32, #tpu.memory_space<vmem>>
        %dma_wait3A_115 = tpu.memref_squeeze %dma_wait3A_114 : memref<1x125xi32, #tpu.memory_space<vmem>> -> memref<125xi32, #tpu.memory_space<vmem>>
        %dma_wait3A_116 = arith.constant 0 : i32
        %dma_wait3A_117 = arith.constant 0 : i32
        %dma_wait3A_118 = tpu.memref_slice %arg13[%dma_wait3A_116, %dma_wait3A_117] : memref<10000x128xf32, #tpu.memory_space<vmem_shared>> -> memref<10000x128xf32, #tpu.memory_space<vmem_shared>>
        tpu.wait_indirect_dma semaphore(%run_scoped3A : memref<!tpu.dma_semaphore, #tpu.memory_space<semaphore_mem>>) src(%arg10 : memref<125x128xf32, #tpu.memory_space<vmem>>) dst(%dma_wait3A_118 : memref<10000x128xf32, #tpu.memory_space<vmem_shared>>)
        tpu.yield
      }) : () -> ()
    }
    %scan3A_25 = arith.constant 20 : i32
    %dma_wait3A = arith.constant 39 : i32
    %dma_wait3A_26 = arith.constant 0 : i32
    %dma_wait3A_27 = tpu.memref_slice %arg7[%dma_wait3A, %dma_wait3A_26] : memref<40x125xi32, #tpu.memory_space<vmem>> -> memref<1x125xi32, #tpu.memory_space<vmem>>
    %dma_wait3A_28 = tpu.memref_squeeze %dma_wait3A_27 : memref<1x125xi32, #tpu.memory_space<vmem>> -> memref<125xi32, #tpu.memory_space<vmem>>
    %dma_wait3A_29 = arith.constant 0 : i32
    %dma_wait3A_30 = arith.constant 0 : i32
    %dma_wait3A_31 = tpu.memref_slice %arg2[%dma_wait3A_29, %dma_wait3A_30] : memref<10000x128xf32, #tpu.memory_space<hbm>> -> memref<10000x128xf32, #tpu.memory_space<hbm>>
    tpu.wait_indirect_dma semaphore(%arg11 : memref<!tpu.dma_semaphore, #tpu.memory_space<semaphore_mem>>) src(%dma_wait3A_31 : memref<10000x128xf32, #tpu.memory_space<hbm>>) dst(%arg9 : memref<125x128xf32, #tpu.memory_space<vmem>>)
    %mul3A_32 = arith.constant 2 : i32
    %mul3A_33 = arith.muli %add3A, %mul3A_32 : i32
    %add3A_34 = arith.constant 1 : i32
    %add3A_35 = arith.addi %mul3A_33, %add3A_34 : i32
    "tpu.region"() ({
      %run_scoped3A = tpu.sem_alloc : memref<!tpu.dma_semaphore, #tpu.memory_space<semaphore_mem>>
      %dma_start3A_71 = arith.constant 0 : i32
      %dma_start3A_72 = arith.constant 0 : i32
      %dma_start3A_73 = tpu.memref_slice %arg3[%add3A_35, %dma_start3A_71, %dma_start3A_72] : memref<64x40x125xi32, #tpu.memory_space<hbm>> -> memref<1x40x125xi32, #tpu.memory_space<hbm>>
      %dma_start3A_74 = tpu.memref_squeeze %dma_start3A_73 : memref<1x40x125xi32, #tpu.memory_space<hbm>> -> memref<40x125xi32, #tpu.memory_space<hbm>>
      %dma_start3A_75 = arith.constant 0 : i32
      %dma_start3A_76 = arith.constant 0 : i32
      %dma_start3A_77 = tpu.memref_slice %arg3[%add3A_35, %dma_start3A_75, %dma_start3A_76] : memref<64x40x125xi32, #tpu.memory_space<hbm>> -> memref<1x40x125xi32, #tpu.memory_space<hbm>>
      %dma_start3A_78 = tpu.memref_squeeze %dma_start3A_77 : memref<1x40x125xi32, #tpu.memory_space<hbm>> -> memref<40x125xi32, #tpu.memory_space<hbm>>
      tpu.enqueue_dma source(%dma_start3A_78 : memref<40x125xi32, #tpu.memory_space<hbm>>) target(%arg7 : memref<40x125xi32, #tpu.memory_space<vmem>>) target_semaphore(%run_scoped3A : memref<!tpu.dma_semaphore, #tpu.memory_space<semaphore_mem>>)
      %dma_wait3A_79 = arith.constant 0 : i32
      %dma_wait3A_80 = arith.constant 0 : i32
      %dma_wait3A_81 = tpu.memref_slice %arg3[%add3A_35, %dma_wait3A_79, %dma_wait3A_80] : memref<64x40x125xi32, #tpu.memory_space<hbm>> -> memref<1x40x125xi32, #tpu.memory_space<hbm>>
      %dma_wait3A_82 = tpu.memref_squeeze %dma_wait3A_81 : memref<1x40x125xi32, #tpu.memory_space<hbm>> -> memref<40x125xi32, #tpu.memory_space<hbm>>
      %dma_wait3A_83 = arith.constant 0 : i32
      %dma_wait3A_84 = arith.constant 0 : i32
      %dma_wait3A_85 = tpu.memref_slice %arg3[%add3A_35, %dma_wait3A_83, %dma_wait3A_84] : memref<64x40x125xi32, #tpu.memory_space<hbm>> -> memref<1x40x125xi32, #tpu.memory_space<hbm>>
      %dma_wait3A_86 = tpu.memref_squeeze %dma_wait3A_85 : memref<1x40x125xi32, #tpu.memory_space<hbm>> -> memref<40x125xi32, #tpu.memory_space<hbm>>
      tpu.wait_dma2 semaphore(%run_scoped3A : memref<!tpu.dma_semaphore, #tpu.memory_space<semaphore_mem>>) src(%dma_wait3A_86 : memref<40x125xi32, #tpu.memory_space<hbm>>) dst(%arg7 : memref<40x125xi32, #tpu.memory_space<vmem>>)
      tpu.yield
    }) : () -> ()
    %mul3A_36 = arith.constant 2 : i32
    %mul3A_37 = arith.muli %add3A, %mul3A_36 : i32
    %add3A_38 = arith.constant 1 : i32
    %add3A_39 = arith.addi %mul3A_37, %add3A_38 : i32
    "tpu.region"() ({
      %run_scoped3A = tpu.sem_alloc : memref<!tpu.dma_semaphore, #tpu.memory_space<semaphore_mem>>
      %dma_start3A_71 = arith.constant 0 : i32
      %dma_start3A_72 = arith.constant 0 : i32
      %dma_start3A_73 = tpu.memref_slice %arg4[%add3A_39, %dma_start3A_71, %dma_start3A_72] : memref<64x40x125xi32, #tpu.memory_space<hbm>> -> memref<1x40x125xi32, #tpu.memory_space<hbm>>
      %dma_start3A_74 = tpu.memref_squeeze %dma_start3A_73 : memref<1x40x125xi32, #tpu.memory_space<hbm>> -> memref<40x125xi32, #tpu.memory_space<hbm>>
      %dma_start3A_75 = arith.constant 0 : i32
      %dma_start3A_76 = arith.constant 0 : i32
      %dma_start3A_77 = tpu.memref_slice %arg4[%add3A_39, %dma_start3A_75, %dma_start3A_76] : memref<64x40x125xi32, #tpu.memory_space<hbm>> -> memref<1x40x125xi32, #tpu.memory_space<hbm>>
      %dma_start3A_78 = tpu.memref_squeeze %dma_start3A_77 : memref<1x40x125xi32, #tpu.memory_space<hbm>> -> memref<40x125xi32, #tpu.memory_space<hbm>>
      tpu.enqueue_dma source(%dma_start3A_78 : memref<40x125xi32, #tpu.memory_space<hbm>>) target(%arg8 : memref<40x125xi32, #tpu.memory_space<vmem>>) target_semaphore(%run_scoped3A : memref<!tpu.dma_semaphore, #tpu.memory_space<semaphore_mem>>)
      %dma_wait3A_79 = arith.constant 0 : i32
      %dma_wait3A_80 = arith.constant 0 : i32
      %dma_wait3A_81 = tpu.memref_slice %arg4[%add3A_39, %dma_wait3A_79, %dma_wait3A_80] : memref<64x40x125xi32, #tpu.memory_space<hbm>> -> memref<1x40x125xi32, #tpu.memory_space<hbm>>
      %dma_wait3A_82 = tpu.memref_squeeze %dma_wait3A_81 : memref<1x40x125xi32, #tpu.memory_space<hbm>> -> memref<40x125xi32, #tpu.memory_space<hbm>>
      %dma_wait3A_83 = arith.constant 0 : i32
      %dma_wait3A_84 = arith.constant 0 : i32
      %dma_wait3A_85 = tpu.memref_slice %arg4[%add3A_39, %dma_wait3A_83, %dma_wait3A_84] : memref<64x40x125xi32, #tpu.memory_space<hbm>> -> memref<1x40x125xi32, #tpu.memory_space<hbm>>
      %dma_wait3A_86 = tpu.memref_squeeze %dma_wait3A_85 : memref<1x40x125xi32, #tpu.memory_space<hbm>> -> memref<40x125xi32, #tpu.memory_space<hbm>>
      tpu.wait_dma2 semaphore(%run_scoped3A : memref<!tpu.dma_semaphore, #tpu.memory_space<semaphore_mem>>) src(%dma_wait3A_86 : memref<40x125xi32, #tpu.memory_space<hbm>>) dst(%arg8 : memref<40x125xi32, #tpu.memory_space<vmem>>)
      tpu.yield
    }) : () -> ()
    %dma_start3A_40 = arith.constant 0 : i32
    %dma_start3A_41 = arith.constant 0 : i32
    %dma_start3A_42 = tpu.memref_slice %arg7[%dma_start3A_40, %dma_start3A_41] : memref<40x125xi32, #tpu.memory_space<vmem>> -> memref<1x125xi32, #tpu.memory_space<vmem>>
    %dma_start3A_43 = tpu.memref_squeeze %dma_start3A_42 : memref<1x125xi32, #tpu.memory_space<vmem>> -> memref<125xi32, #tpu.memory_space<vmem>>
    %dma_start3A_44 = arith.constant 0 : i32
    %dma_start3A_45 = arith.constant 0 : i32
    %dma_start3A_46 = tpu.memref_slice %arg2[%dma_start3A_44, %dma_start3A_45] : memref<10000x128xf32, #tpu.memory_space<hbm>> -> memref<10000x128xf32, #tpu.memory_space<hbm>>
    tpu.enqueue_indirect_dma source(%dma_start3A_46 : memref<10000x128xf32, #tpu.memory_space<hbm>>) target(%arg9 : memref<125x128xf32, #tpu.memory_space<vmem>>) offsets(%dma_start3A_43 : memref<125xi32, #tpu.memory_space<vmem>>) semaphore(%arg11 : memref<!tpu.dma_semaphore, #tpu.memory_space<semaphore_mem>>)
    %scan3A_47 = arith.constant 0 : i32
    %scan3A_48 = arith.constant 0 : i32
    %scan3A_49 = arith.constant 20 : i32
    %scan3A_50 = arith.addi %scan3A_48, %scan3A_49 : i32
    %scan3A_51 = arith.constant 1 : i32
    scf.for %scan3A_71 = %scan3A_48 to %scan3A_50 step %scan3A_51  : i32 {
      %mul3A_72 = arith.constant 2 : i32
      %mul3A_73 = arith.muli %mul3A_72, %scan3A_71 : i32
      %mul3A_74 = arith.constant 2 : i32
      %mul3A_75 = arith.muli %mul3A_74, %scan3A_71 : i32
      %add3A_76 = arith.constant 1 : i32
      %add3A_77 = arith.addi %mul3A_75, %add3A_76 : i32
      %mul3A_78 = arith.constant 2 : i32
      %mul3A_79 = arith.muli %mul3A_78, %scan3A_71 : i32
      %add3A_80 = arith.constant 2 : i32
      %add3A_81 = arith.addi %mul3A_79, %add3A_80 : i32
      %min3A = arith.constant 39 : i32
      %min3A_82 = arith.minsi %add3A_81, %min3A : i32
      %dma_start3A_83 = arith.constant 0 : i32
      %dma_start3A_84 = tpu.memref_slice %arg7[%add3A_77, %dma_start3A_83] : memref<40x125xi32, #tpu.memory_space<vmem>> -> memref<1x125xi32, #tpu.memory_space<vmem>>
      %dma_start3A_85 = tpu.memref_squeeze %dma_start3A_84 : memref<1x125xi32, #tpu.memory_space<vmem>> -> memref<125xi32, #tpu.memory_space<vmem>>
      %dma_start3A_86 = arith.constant 0 : i32
      %dma_start3A_87 = arith.constant 0 : i32
      %dma_start3A_88 = tpu.memref_slice %arg2[%dma_start3A_86, %dma_start3A_87] : memref<10000x128xf32, #tpu.memory_space<hbm>> -> memref<10000x128xf32, #tpu.memory_space<hbm>>
      tpu.enqueue_indirect_dma source(%dma_start3A_88 : memref<10000x128xf32, #tpu.memory_space<hbm>>) target(%arg10 : memref<125x128xf32, #tpu.memory_space<vmem>>) offsets(%dma_start3A_85 : memref<125xi32, #tpu.memory_space<vmem>>) semaphore(%arg12 : memref<!tpu.dma_semaphore, #tpu.memory_space<semaphore_mem>>)
      %dma_wait3A_89 = arith.constant 0 : i32
      %dma_wait3A_90 = tpu.memref_slice %arg7[%mul3A_73, %dma_wait3A_89] : memref<40x125xi32, #tpu.memory_space<vmem>> -> memref<1x125xi32, #tpu.memory_space<vmem>>
      %dma_wait3A_91 = tpu.memref_squeeze %dma_wait3A_90 : memref<1x125xi32, #tpu.memory_space<vmem>> -> memref<125xi32, #tpu.memory_space<vmem>>
      %dma_wait3A_92 = arith.constant 0 : i32
      %dma_wait3A_93 = arith.constant 0 : i32
      %dma_wait3A_94 = tpu.memref_slice %arg2[%dma_wait3A_92, %dma_wait3A_93] : memref<10000x128xf32, #tpu.memory_space<hbm>> -> memref<10000x128xf32, #tpu.memory_space<hbm>>
      tpu.wait_indirect_dma semaphore(%arg11 : memref<!tpu.dma_semaphore, #tpu.memory_space<semaphore_mem>>) src(%dma_wait3A_94 : memref<10000x128xf32, #tpu.memory_space<hbm>>) dst(%arg9 : memref<125x128xf32, #tpu.memory_space<vmem>>)
      "tpu.region"() ({
        %run_scoped3A = tpu.sem_alloc : memref<!tpu.dma_semaphore, #tpu.memory_space<semaphore_mem>>
        %dma_start3A_107 = arith.constant 0 : i32
        %dma_start3A_108 = tpu.memref_slice %arg8[%mul3A_73, %dma_start3A_107] : memref<40x125xi32, #tpu.memory_space<vmem>> -> memref<1x125xi32, #tpu.memory_space<vmem>>
        %dma_start3A_109 = tpu.memref_squeeze %dma_start3A_108 : memref<1x125xi32, #tpu.memory_space<vmem>> -> memref<125xi32, #tpu.memory_space<vmem>>
        %dma_start3A_110 = arith.constant 0 : i32
        %dma_start3A_111 = arith.constant 0 : i32
        %dma_start3A_112 = tpu.memref_slice %arg13[%dma_start3A_110, %dma_start3A_111] : memref<10000x128xf32, #tpu.memory_space<vmem_shared>> -> memref<10000x128xf32, #tpu.memory_space<vmem_shared>>
        tpu.enqueue_indirect_dma source(%arg9 : memref<125x128xf32, #tpu.memory_space<vmem>>) target(%dma_start3A_112 : memref<10000x128xf32, #tpu.memory_space<vmem_shared>>) offsets(%dma_start3A_109 : memref<125xi32, #tpu.memory_space<vmem>>) semaphore(%run_scoped3A : memref<!tpu.dma_semaphore, #tpu.memory_space<semaphore_mem>>) {add = true}
        %dma_wait3A_113 = arith.constant 0 : i32
        %dma_wait3A_114 = tpu.memref_slice %arg8[%mul3A_73, %dma_wait3A_113] : memref<40x125xi32, #tpu.memory_space<vmem>> -> memref<1x125xi32, #tpu.memory_space<vmem>>
        %dma_wait3A_115 = tpu.memref_squeeze %dma_wait3A_114 : memref<1x125xi32, #tpu.memory_space<vmem>> -> memref<125xi32, #tpu.memory_space<vmem>>
        %dma_wait3A_116 = arith.constant 0 : i32
        %dma_wait3A_117 = arith.constant 0 : i32
        %dma_wait3A_118 = tpu.memref_slice %arg13[%dma_wait3A_116, %dma_wait3A_117] : memref<10000x128xf32, #tpu.memory_space<vmem_shared>> -> memref<10000x128xf32, #tpu.memory_space<vmem_shared>>
        tpu.wait_indirect_dma semaphore(%run_scoped3A : memref<!tpu.dma_semaphore, #tpu.memory_space<semaphore_mem>>) src(%arg9 : memref<125x128xf32, #tpu.memory_space<vmem>>) dst(%dma_wait3A_118 : memref<10000x128xf32, #tpu.memory_space<vmem_shared>>)
        tpu.yield
      }) : () -> ()
      %dma_start3A_95 = arith.constant 0 : i32
      %dma_start3A_96 = tpu.memref_slice %arg7[%min3A_82, %dma_start3A_95] : memref<40x125xi32, #tpu.memory_space<vmem>> -> memref<1x125xi32, #tpu.memory_space<vmem>>
      %dma_start3A_97 = tpu.memref_squeeze %dma_start3A_96 : memref<1x125xi32, #tpu.memory_space<vmem>> -> memref<125xi32, #tpu.memory_space<vmem>>
      %dma_start3A_98 = arith.constant 0 : i32
      %dma_start3A_99 = arith.constant 0 : i32
      %dma_start3A_100 = tpu.memref_slice %arg2[%dma_start3A_98, %dma_start3A_99] : memref<10000x128xf32, #tpu.memory_space<hbm>> -> memref<10000x128xf32, #tpu.memory_space<hbm>>
      tpu.enqueue_indirect_dma source(%dma_start3A_100 : memref<10000x128xf32, #tpu.memory_space<hbm>>) target(%arg9 : memref<125x128xf32, #tpu.memory_space<vmem>>) offsets(%dma_start3A_97 : memref<125xi32, #tpu.memory_space<vmem>>) semaphore(%arg11 : memref<!tpu.dma_semaphore, #tpu.memory_space<semaphore_mem>>)
      %dma_wait3A_101 = arith.constant 0 : i32
      %dma_wait3A_102 = tpu.memref_slice %arg7[%add3A_77, %dma_wait3A_101] : memref<40x125xi32, #tpu.memory_space<vmem>> -> memref<1x125xi32, #tpu.memory_space<vmem>>
      %dma_wait3A_103 = tpu.memref_squeeze %dma_wait3A_102 : memref<1x125xi32, #tpu.memory_space<vmem>> -> memref<125xi32, #tpu.memory_space<vmem>>
      %dma_wait3A_104 = arith.constant 0 : i32
      %dma_wait3A_105 = arith.constant 0 : i32
      %dma_wait3A_106 = tpu.memref_slice %arg2[%dma_wait3A_104, %dma_wait3A_105] : memref<10000x128xf32, #tpu.memory_space<hbm>> -> memref<10000x128xf32, #tpu.memory_space<hbm>>
      tpu.wait_indirect_dma semaphore(%arg12 : memref<!tpu.dma_semaphore, #tpu.memory_space<semaphore_mem>>) src(%dma_wait3A_106 : memref<10000x128xf32, #tpu.memory_space<hbm>>) dst(%arg10 : memref<125x128xf32, #tpu.memory_space<vmem>>)
      "tpu.region"() ({
        %run_scoped3A = tpu.sem_alloc : memref<!tpu.dma_semaphore, #tpu.memory_space<semaphore_mem>>
        %dma_start3A_107 = arith.constant 0 : i32
        %dma_start3A_108 = tpu.memref_slice %arg8[%add3A_77, %dma_start3A_107] : memref<40x125xi32, #tpu.memory_space<vmem>> -> memref<1x125xi32, #tpu.memory_space<vmem>>
        %dma_start3A_109 = tpu.memref_squeeze %dma_start3A_108 : memref<1x125xi32, #tpu.memory_space<vmem>> -> memref<125xi32, #tpu.memory_space<vmem>>
        %dma_start3A_110 = arith.constant 0 : i32
        %dma_start3A_111 = arith.constant 0 : i32
        %dma_start3A_112 = tpu.memref_slice %arg13[%dma_start3A_110, %dma_start3A_111] : memref<10000x128xf32, #tpu.memory_space<vmem_shared>> -> memref<10000x128xf32, #tpu.memory_space<vmem_shared>>
        tpu.enqueue_indirect_dma source(%arg10 : memref<125x128xf32, #tpu.memory_space<vmem>>) target(%dma_start3A_112 : memref<10000x128xf32, #tpu.memory_space<vmem_shared>>) offsets(%dma_start3A_109 : memref<125xi32, #tpu.memory_space<vmem>>) semaphore(%run_scoped3A : memref<!tpu.dma_semaphore, #tpu.memory_space<semaphore_mem>>) {add = true}
        %dma_wait3A_113 = arith.constant 0 : i32
        %dma_wait3A_114 = tpu.memref_slice %arg8[%add3A_77, %dma_wait3A_113] : memref<40x125xi32, #tpu.memory_space<vmem>> -> memref<1x125xi32, #tpu.memory_space<vmem>>
        %dma_wait3A_115 = tpu.memref_squeeze %dma_wait3A_114 : memref<1x125xi32, #tpu.memory_space<vmem>> -> memref<125xi32, #tpu.memory_space<vmem>>
        %dma_wait3A_116 = arith.constant 0 : i32
        %dma_wait3A_117 = arith.constant 0 : i32
        %dma_wait3A_118 = tpu.memref_slice %arg13[%dma_wait3A_116, %dma_wait3A_117] : memref<10000x128xf32, #tpu.memory_space<vmem_shared>> -> memref<10000x128xf32, #tpu.memory_space<vmem_shared>>
        tpu.wait_indirect_dma semaphore(%run_scoped3A : memref<!tpu.dma_semaphore, #tpu.memory_space<semaphore_mem>>) src(%arg10 : memref<125x128xf32, #tpu.memory_space<vmem>>) dst(%dma_wait3A_118 : memref<10000x128xf32, #tpu.memory_space<vmem_shared>>)
        tpu.yield
      }) : () -> ()
    }
    %scan3A_52 = arith.constant 20 : i32
    %dma_wait3A_53 = arith.constant 39 : i32
    %dma_wait3A_54 = arith.constant 0 : i32
    %dma_wait3A_55 = tpu.memref_slice %arg7[%dma_wait3A_53, %dma_wait3A_54] : memref<40x125xi32, #tpu.memory_space<vmem>> -> memref<1x125xi32, #tpu.memory_space<vmem>>
    %dma_wait3A_56 = tpu.memref_squeeze %dma_wait3A_55 : memref<1x125xi32, #tpu.memory_space<vmem>> -> memref<125xi32, #tpu.memory_space<vmem>>
    %dma_wait3A_57 = arith.constant 0 : i32
    %dma_wait3A_58 = arith.constant 0 : i32
    %dma_wait3A_59 = tpu.memref_slice %arg2[%dma_wait3A_57, %dma_wait3A_58] : memref<10000x128xf32, #tpu.memory_space<hbm>> -> memref<10000x128xf32, #tpu.memory_space<hbm>>
    tpu.wait_indirect_dma semaphore(%arg11 : memref<!tpu.dma_semaphore, #tpu.memory_space<semaphore_mem>>) src(%dma_wait3A_59 : memref<10000x128xf32, #tpu.memory_space<hbm>>) dst(%arg9 : memref<125x128xf32, #tpu.memory_space<vmem>>)
    %barrier3A_60 = arith.constant 0 : index
    tpu.barrier barrier_id(%barrier3A_60)
    %lt3A_61 = arith.constant 15 : i32
    %lt3A_62 = arith.cmpi slt, %arg1, %lt3A_61 : i32
    %convert_element_type3A_63 = arith.extui %lt3A_62 : i1 to i32
    %cond3A_64 = arith.constant 0 : i32
    %cond3A_65 = arith.cmpi ne, %convert_element_type3A_63, %cond3A_64 : i32
    scf.if %cond3A_65 {
      %mul3A_71 = arith.constant 624 : i32
      %mul3A_72 = arith.muli %arg1, %mul3A_71 : i32
      %mul3A_73 = arith.constant 10000 : i32
      %mul3A_74 = arith.muli %arg0, %mul3A_73 : i32
      %mul3A_75 = arith.constant 624 : i32
      %mul3A_76 = arith.muli %arg1, %mul3A_75 : i32
      %add3A_77 = arith.addi %mul3A_74, %mul3A_76 : i32
      "tpu.region"() ({
        %run_scoped3A = tpu.sem_alloc : memref<!tpu.dma_semaphore, #tpu.memory_space<semaphore_mem>>
        %dma_start3A_78 = arith.constant 0 : i32
        %dma_start3A_79 = tpu.memref_slice %arg6[%add3A_77, %dma_start3A_78] : memref<20000x128xf32, #tpu.memory_space<hbm>> -> memref<624x128xf32, #tpu.memory_space<hbm>>
        %dma_start3A_80 = arith.constant 0 : i32
        %dma_start3A_81 = tpu.memref_slice %arg13[%mul3A_72, %dma_start3A_80] : memref<10000x128xf32, #tpu.memory_space<vmem_shared>> -> memref<624x128xf32, #tpu.memory_space<vmem_shared>>
        tpu.enqueue_dma source(%dma_start3A_81 : memref<624x128xf32, #tpu.memory_space<vmem_shared>>) target(%dma_start3A_79 : memref<624x128xf32, #tpu.memory_space<hbm>>) target_semaphore(%run_scoped3A : memref<!tpu.dma_semaphore, #tpu.memory_space<semaphore_mem>>)
        %dma_wait3A_82 = arith.constant 0 : i32
        %dma_wait3A_83 = tpu.memref_slice %arg6[%add3A_77, %dma_wait3A_82] : memref<20000x128xf32, #tpu.memory_space<hbm>> -> memref<624x128xf32, #tpu.memory_space<hbm>>
        %dma_wait3A_84 = arith.constant 0 : i32
        %dma_wait3A_85 = tpu.memref_slice %arg13[%mul3A_72, %dma_wait3A_84] : memref<10000x128xf32, #tpu.memory_space<vmem_shared>> -> memref<624x128xf32, #tpu.memory_space<vmem_shared>>
        tpu.wait_dma2 semaphore(%run_scoped3A : memref<!tpu.dma_semaphore, #tpu.memory_space<semaphore_mem>>) src(%dma_wait3A_85 : memref<624x128xf32, #tpu.memory_space<vmem_shared>>) dst(%dma_wait3A_83 : memref<624x128xf32, #tpu.memory_space<hbm>>)
        tpu.yield
      }) : () -> ()
    } else {
    }
    %eq3A_66 = arith.constant 15 : i32
    %eq3A_67 = arith.cmpi eq, %arg1, %eq3A_66 : i32
    %convert_element_type3A_68 = arith.extui %eq3A_67 : i1 to i32
    %cond3A_69 = arith.constant 0 : i32
    %cond3A_70 = arith.cmpi ne, %convert_element_type3A_68, %cond3A_69 : i32
    scf.if %cond3A_70 {
      %mul3A_71 = arith.constant 624 : i32
      %mul3A_72 = arith.muli %arg1, %mul3A_71 : i32
      %mul3A_73 = arith.constant 10000 : i32
      %mul3A_74 = arith.muli %arg0, %mul3A_73 : i32
      %mul3A_75 = arith.constant 624 : i32
      %mul3A_76 = arith.muli %arg1, %mul3A_75 : i32
      %add3A_77 = arith.addi %mul3A_74, %mul3A_76 : i32
      "tpu.region"() ({
        %run_scoped3A = tpu.sem_alloc : memref<!tpu.dma_semaphore, #tpu.memory_space<semaphore_mem>>
        %dma_start3A_78 = arith.constant 0 : i32
        %dma_start3A_79 = tpu.memref_slice %arg6[%add3A_77, %dma_start3A_78] : memref<20000x128xf32, #tpu.memory_space<hbm>> -> memref<640x128xf32, #tpu.memory_space<hbm>>
        %dma_start3A_80 = arith.constant 0 : i32
        %dma_start3A_81 = tpu.memref_slice %arg13[%mul3A_72, %dma_start3A_80] : memref<10000x128xf32, #tpu.memory_space<vmem_shared>> -> memref<640x128xf32, #tpu.memory_space<vmem_shared>>
        tpu.enqueue_dma source(%dma_start3A_81 : memref<640x128xf32, #tpu.memory_space<vmem_shared>>) target(%dma_start3A_79 : memref<640x128xf32, #tpu.memory_space<hbm>>) target_semaphore(%run_scoped3A : memref<!tpu.dma_semaphore, #tpu.memory_space<semaphore_mem>>)
        %dma_wait3A_82 = arith.constant 0 : i32
        %dma_wait3A_83 = tpu.memref_slice %arg6[%add3A_77, %dma_wait3A_82] : memref<20000x128xf32, #tpu.memory_space<hbm>> -> memref<640x128xf32, #tpu.memory_space<hbm>>
        %dma_wait3A_84 = arith.constant 0 : i32
        %dma_wait3A_85 = tpu.memref_slice %arg13[%mul3A_72, %dma_wait3A_84] : memref<10000x128xf32, #tpu.memory_space<vmem_shared>> -> memref<640x128xf32, #tpu.memory_space<vmem_shared>>
        tpu.wait_dma2 semaphore(%run_scoped3A : memref<!tpu.dma_semaphore, #tpu.memory_space<semaphore_mem>>) src(%dma_wait3A_85 : memref<640x128xf32, #tpu.memory_space<vmem_shared>>) dst(%dma_wait3A_83 : memref<640x128xf32, #tpu.memory_space<hbm>>)
        tpu.yield
      }) : () -> ()
    } else {
    }
    return
  }
}

#map = affine_map<(d0, d1) -> (0, 0)>
#map1 = affine_map<(d0, d1) -> (0, 0, 0)>
module attributes {stable_mosaic.version = 14 : i64} {
  func.func @_sc_scatter_body(%arg0: i32, %arg1: i32, %arg2: memref<10000x128xf32, #tpu.memory_space<hbm>>, %arg3: memref<64x40x125xi32, #tpu.memory_space<hbm>>, %arg4: memref<64x40x125xi32, #tpu.memory_space<hbm>>, %arg5: memref<640x128xf32, #tpu.memory_space<hbm>>, %arg6: memref<20000x128xf32, #tpu.memory_space<hbm>>, %arg7: memref<40x125xi32, #tpu.memory_space<vmem>>, %arg8: memref<40x125xi32, #tpu.memory_space<vmem>>, %arg9: memref<125x128xf32, #tpu.memory_space<vmem>>, %arg10: memref<125x128xf32, #tpu.memory_space<vmem>>, %arg11: memref<!tpu.dma_semaphore, #tpu.memory_space<semaphore_mem>>, %arg12: memref<!tpu.dma_semaphore, #tpu.memory_space<semaphore_mem>>, %arg13: memref<10000x128xf32, #tpu.memory_space<vmem_shared>>) attributes {dimension_semantics = [#tpu.dimension_semantics<core_parallel>, #tpu.dimension_semantics<subcore_parallel>], iteration_bounds = array<i64: 2, 16>, scalar_prefetch = 0 : i64, scratch_operands = 7 : i64, tpu.core_type = #tpu.core_type<sc_vector_subcore>, window_params = [{transform_indices = #map}, {transform_indices = #map1}, {transform_indices = #map1}, {transform_indices = #map}, {transform_indices = #map}]} {
    %mul3A = arith.constant 16 : i32
    %mul3A_0 = arith.muli %arg0, %mul3A : i32
    %add3A = arith.addi %mul3A_0, %arg1 : i32
    "tpu.region"() ({
      %run_scoped3A = tpu.sem_alloc : memref<!tpu.dma_semaphore, #tpu.memory_space<semaphore_mem>>
      %dma_start3A_71 = arith.constant 0 : i32
      %dma_start3A_72 = arith.constant 0 : i32
      %dma_start3A_73 = tpu.memref_slice %arg3[%add3A, %dma_start3A_71, %dma_start3A_72] : memref<64x40x125xi32, #tpu.memory_space<hbm>> -> memref<1x40x125xi32, #tpu.memory_space<hbm>>
      %dma_start3A_74 = tpu.memref_squeeze %dma_start3A_73 : memref<1x40x125xi32, #tpu.memory_space<hbm>> -> memref<40x125xi32, #tpu.memory_space<hbm>>
      %dma_start3A_75 = arith.constant 0 : i32
      %dma_start3A_76 = arith.constant 0 : i32
      %dma_start3A_77 = tpu.memref_slice %arg3[%add3A, %dma_start3A_75, %dma_start3A_76] : memref<64x40x125xi32, #tpu.memory_space<hbm>> -> memref<1x40x125xi32, #tpu.memory_space<hbm>>
      %dma_start3A_78 = tpu.memref_squeeze %dma_start3A_77 : memref<1x40x125xi32, #tpu.memory_space<hbm>> -> memref<40x125xi32, #tpu.memory_space<hbm>>
      tpu.enqueue_dma source(%dma_start3A_78 : memref<40x125xi32, #tpu.memory_space<hbm>>) target(%arg7 : memref<40x125xi32, #tpu.memory_space<vmem>>) target_semaphore(%run_scoped3A : memref<!tpu.dma_semaphore, #tpu.memory_space<semaphore_mem>>)
      %dma_wait3A_79 = arith.constant 0 : i32
      %dma_wait3A_80 = arith.constant 0 : i32
      %dma_wait3A_81 = tpu.memref_slice %arg3[%add3A, %dma_wait3A_79, %dma_wait3A_80] : memref<64x40x125xi32, #tpu.memory_space<hbm>> -> memref<1x40x125xi32, #tpu.memory_space<hbm>>
      %dma_wait3A_82 = tpu.memref_squeeze %dma_wait3A_81 : memref<1x40x125xi32, #tpu.memory_space<hbm>> -> memref<40x125xi32, #tpu.memory_space<hbm>>
      %dma_wait3A_83 = arith.constant 0 : i32
      %dma_wait3A_84 = arith.constant 0 : i32
      %dma_wait3A_85 = tpu.memref_slice %arg3[%add3A, %dma_wait3A_83, %dma_wait3A_84] : memref<64x40x125xi32, #tpu.memory_space<hbm>> -> memref<1x40x125xi32, #tpu.memory_space<hbm>>
      %dma_wait3A_86 = tpu.memref_squeeze %dma_wait3A_85 : memref<1x40x125xi32, #tpu.memory_space<hbm>> -> memref<40x125xi32, #tpu.memory_space<hbm>>
      tpu.wait_dma2 semaphore(%run_scoped3A : memref<!tpu.dma_semaphore, #tpu.memory_space<semaphore_mem>>) src(%dma_wait3A_86 : memref<40x125xi32, #tpu.memory_space<hbm>>) dst(%arg7 : memref<40x125xi32, #tpu.memory_space<vmem>>)
      tpu.yield
    }) : () -> ()
    "tpu.region"() ({
      %run_scoped3A = tpu.sem_alloc : memref<!tpu.dma_semaphore, #tpu.memory_space<semaphore_mem>>
      %dma_start3A_71 = arith.constant 0 : i32
      %dma_start3A_72 = arith.constant 0 : i32
      %dma_start3A_73 = tpu.memref_slice %arg4[%add3A, %dma_start3A_71, %dma_start3A_72] : memref<64x40x125xi32, #tpu.memory_space<hbm>> -> memref<1x40x125xi32, #tpu.memory_space<hbm>>
      %dma_start3A_74 = tpu.memref_squeeze %dma_start3A_73 : memref<1x40x125xi32, #tpu.memory_space<hbm>> -> memref<40x125xi32, #tpu.memory_space<hbm>>
      %dma_start3A_75 = arith.constant 0 : i32
      %dma_start3A_76 = arith.constant 0 : i32
      %dma_start3A_77 = tpu.memref_slice %arg4[%add3A, %dma_start3A_75, %dma_start3A_76] : memref<64x40x125xi32, #tpu.memory_space<hbm>> -> memref<1x40x125xi32, #tpu.memory_space<hbm>>
      %dma_start3A_78 = tpu.memref_squeeze %dma_start3A_77 : memref<1x40x125xi32, #tpu.memory_space<hbm>> -> memref<40x125xi32, #tpu.memory_space<hbm>>
      tpu.enqueue_dma source(%dma_start3A_78 : memref<40x125xi32, #tpu.memory_space<hbm>>) target(%arg8 : memref<40x125xi32, #tpu.memory_space<vmem>>) target_semaphore(%run_scoped3A : memref<!tpu.dma_semaphore, #tpu.memory_space<semaphore_mem>>)
      %dma_wait3A_79 = arith.constant 0 : i32
      %dma_wait3A_80 = arith.constant 0 : i32
      %dma_wait3A_81 = tpu.memref_slice %arg4[%add3A, %dma_wait3A_79, %dma_wait3A_80] : memref<64x40x125xi32, #tpu.memory_space<hbm>> -> memref<1x40x125xi32, #tpu.memory_space<hbm>>
      %dma_wait3A_82 = tpu.memref_squeeze %dma_wait3A_81 : memref<1x40x125xi32, #tpu.memory_space<hbm>> -> memref<40x125xi32, #tpu.memory_space<hbm>>
      %dma_wait3A_83 = arith.constant 0 : i32
      %dma_wait3A_84 = arith.constant 0 : i32
      %dma_wait3A_85 = tpu.memref_slice %arg4[%add3A, %dma_wait3A_83, %dma_wait3A_84] : memref<64x40x125xi32, #tpu.memory_space<hbm>> -> memref<1x40x125xi32, #tpu.memory_space<hbm>>
      %dma_wait3A_86 = tpu.memref_squeeze %dma_wait3A_85 : memref<1x40x125xi32, #tpu.memory_space<hbm>> -> memref<40x125xi32, #tpu.memory_space<hbm>>
      tpu.wait_dma2 semaphore(%run_scoped3A : memref<!tpu.dma_semaphore, #tpu.memory_space<semaphore_mem>>) src(%dma_wait3A_86 : memref<40x125xi32, #tpu.memory_space<hbm>>) dst(%arg8 : memref<40x125xi32, #tpu.memory_space<vmem>>)
      tpu.yield
    }) : () -> ()
    %lt3A = arith.constant 15 : i32
    %lt3A_1 = arith.cmpi slt, %arg1, %lt3A : i32
    %convert_element_type3A = arith.extui %lt3A_1 : i1 to i32
    %cond3A = arith.constant 0 : i32
    %cond3A_2 = arith.cmpi ne, %convert_element_type3A, %cond3A : i32
    scf.if %cond3A_2 {
      %mul3A_71 = arith.constant 624 : i32
      %mul3A_72 = arith.muli %arg1, %mul3A_71 : i32
      "tpu.region"() ({
        %run_scoped3A = tpu.sem_alloc : memref<!tpu.dma_semaphore, #tpu.memory_space<semaphore_mem>>
        %dma_start3A_73 = arith.constant 0 : i32
        %dma_start3A_74 = tpu.memref_slice %arg13[%mul3A_72, %dma_start3A_73] : memref<10000x128xf32, #tpu.memory_space<vmem_shared>> -> memref<624x128xf32, #tpu.memory_space<vmem_shared>>
        %dma_start3A_75 = arith.constant 0 : i32
        %dma_start3A_76 = arith.constant 0 : i32
        %dma_start3A_77 = tpu.memref_slice %arg5[%dma_start3A_75, %dma_start3A_76] : memref<640x128xf32, #tpu.memory_space<hbm>> -> memref<624x128xf32, #tpu.memory_space<hbm>>
        tpu.enqueue_dma source(%dma_start3A_77 : memref<624x128xf32, #tpu.memory_space<hbm>>) target(%dma_start3A_74 : memref<624x128xf32, #tpu.memory_space<vmem_shared>>) target_semaphore(%run_scoped3A : memref<!tpu.dma_semaphore, #tpu.memory_space<semaphore_mem>>)
        %dma_wait3A_78 = arith.constant 0 : i32
        %dma_wait3A_79 = tpu.memref_slice %arg13[%mul3A_72, %dma_wait3A_78] : memref<10000x128xf32, #tpu.memory_space<vmem_shared>> -> memref<624x128xf32, #tpu.memory_space<vmem_shared>>
        %dma_wait3A_80 = arith.constant 0 : i32
        %dma_wait3A_81 = arith.constant 0 : i32
        %dma_wait3A_82 = tpu.memref_slice %arg5[%dma_wait3A_80, %dma_wait3A_81] : memref<640x128xf32, #tpu.memory_space<hbm>> -> memref<624x128xf32, #tpu.memory_space<hbm>>
        tpu.wait_dma2 semaphore(%run_scoped3A : memref<!tpu.dma_semaphore, #tpu.memory_space<semaphore_mem>>) src(%dma_wait3A_82 : memref<624x128xf32, #tpu.memory_space<hbm>>) dst(%dma_wait3A_79 : memref<624x128xf32, #tpu.memory_space<vmem_shared>>)
        tpu.yield
      }) : () -> ()
    } else {
    }
    %eq3A = arith.constant 15 : i32
    %eq3A_3 = arith.cmpi eq, %arg1, %eq3A : i32
    %convert_element_type3A_4 = arith.extui %eq3A_3 : i1 to i32
    %cond3A_5 = arith.constant 0 : i32
    %cond3A_6 = arith.cmpi ne, %convert_element_type3A_4, %cond3A_5 : i32
    scf.if %cond3A_6 {
      %mul3A_71 = arith.constant 624 : i32
      %mul3A_72 = arith.muli %arg1, %mul3A_71 : i32
      "tpu.region"() ({
        %run_scoped3A = tpu.sem_alloc : memref<!tpu.dma_semaphore, #tpu.memory_space<semaphore_mem>>
        %dma_start3A_73 = arith.constant 0 : i32
        %dma_start3A_74 = tpu.memref_slice %arg13[%mul3A_72, %dma_start3A_73] : memref<10000x128xf32, #tpu.memory_space<vmem_shared>> -> memref<640x128xf32, #tpu.memory_space<vmem_shared>>
        tpu.enqueue_dma source(%arg5 : memref<640x128xf32, #tpu.memory_space<hbm>>) target(%dma_start3A_74 : memref<640x128xf32, #tpu.memory_space<vmem_shared>>) target_semaphore(%run_scoped3A : memref<!tpu.dma_semaphore, #tpu.memory_space<semaphore_mem>>)
        %dma_wait3A_75 = arith.constant 0 : i32
        %dma_wait3A_76 = tpu.memref_slice %arg13[%mul3A_72, %dma_wait3A_75] : memref<10000x128xf32, #tpu.memory_space<vmem_shared>> -> memref<640x128xf32, #tpu.memory_space<vmem_shared>>
        tpu.wait_dma2 semaphore(%run_scoped3A : memref<!tpu.dma_semaphore, #tpu.memory_space<semaphore_mem>>) src(%arg5 : memref<640x128xf32, #tpu.memory_space<hbm>>) dst(%dma_wait3A_76 : memref<640x128xf32, #tpu.memory_space<vmem_shared>>)
        tpu.yield
      }) : () -> ()
    } else {
    }
    %barrier3A = arith.constant 0 : index
    tpu.barrier barrier_id(%barrier3A)
    %mul3A_7 = arith.constant 2 : i32
    %mul3A_8 = arith.muli %add3A, %mul3A_7 : i32
    %add3A_9 = arith.constant 0 : i32
    %add3A_10 = arith.addi %mul3A_8, %add3A_9 : i32
    "tpu.region"() ({
      %run_scoped3A = tpu.sem_alloc : memref<!tpu.dma_semaphore, #tpu.memory_space<semaphore_mem>>
      %dma_start3A_71 = arith.constant 0 : i32
      %dma_start3A_72 = arith.constant 0 : i32
      %dma_start3A_73 = tpu.memref_slice %arg3[%add3A_10, %dma_start3A_71, %dma_start3A_72] : memref<64x40x125xi32, #tpu.memory_space<hbm>> -> memref<1x40x125xi32, #tpu.memory_space<hbm>>
      %dma_start3A_74 = tpu.memref_squeeze %dma_start3A_73 : memref<1x40x125xi32, #tpu.memory_space<hbm>> -> memref<40x125xi32, #tpu.memory_space<hbm>>
      %dma_start3A_75 = arith.constant 0 : i32
      %dma_start3A_76 = arith.constant 0 : i32
      %dma_start3A_77 = tpu.memref_slice %arg3[%add3A_10, %dma_start3A_75, %dma_start3A_76] : memref<64x40x125xi32, #tpu.memory_space<hbm>> -> memref<1x40x125xi32, #tpu.memory_space<hbm>>
      %dma_start3A_78 = tpu.memref_squeeze %dma_start3A_77 : memref<1x40x125xi32, #tpu.memory_space<hbm>> -> memref<40x125xi32, #tpu.memory_space<hbm>>
      tpu.enqueue_dma source(%dma_start3A_78 : memref<40x125xi32, #tpu.memory_space<hbm>>) target(%arg7 : memref<40x125xi32, #tpu.memory_space<vmem>>) target_semaphore(%run_scoped3A : memref<!tpu.dma_semaphore, #tpu.memory_space<semaphore_mem>>)
      %dma_wait3A_79 = arith.constant 0 : i32
      %dma_wait3A_80 = arith.constant 0 : i32
      %dma_wait3A_81 = tpu.memref_slice %arg3[%add3A_10, %dma_wait3A_79, %dma_wait3A_80] : memref<64x40x125xi32, #tpu.memory_space<hbm>> -> memref<1x40x125xi32, #tpu.memory_space<hbm>>
      %dma_wait3A_82 = tpu.memref_squeeze %dma_wait3A_81 : memref<1x40x125xi32, #tpu.memory_space<hbm>> -> memref<40x125xi32, #tpu.memory_space<hbm>>
      %dma_wait3A_83 = arith.constant 0 : i32
      %dma_wait3A_84 = arith.constant 0 : i32
      %dma_wait3A_85 = tpu.memref_slice %arg3[%add3A_10, %dma_wait3A_83, %dma_wait3A_84] : memref<64x40x125xi32, #tpu.memory_space<hbm>> -> memref<1x40x125xi32, #tpu.memory_space<hbm>>
      %dma_wait3A_86 = tpu.memref_squeeze %dma_wait3A_85 : memref<1x40x125xi32, #tpu.memory_space<hbm>> -> memref<40x125xi32, #tpu.memory_space<hbm>>
      tpu.wait_dma2 semaphore(%run_scoped3A : memref<!tpu.dma_semaphore, #tpu.memory_space<semaphore_mem>>) src(%dma_wait3A_86 : memref<40x125xi32, #tpu.memory_space<hbm>>) dst(%arg7 : memref<40x125xi32, #tpu.memory_space<vmem>>)
      tpu.yield
    }) : () -> ()
    %mul3A_11 = arith.constant 2 : i32
    %mul3A_12 = arith.muli %add3A, %mul3A_11 : i32
    %add3A_13 = arith.constant 0 : i32
    %add3A_14 = arith.addi %mul3A_12, %add3A_13 : i32
    "tpu.region"() ({
      %run_scoped3A = tpu.sem_alloc : memref<!tpu.dma_semaphore, #tpu.memory_space<semaphore_mem>>
      %dma_start3A_71 = arith.constant 0 : i32
      %dma_start3A_72 = arith.constant 0 : i32
      %dma_start3A_73 = tpu.memref_slice %arg4[%add3A_14, %dma_start3A_71, %dma_start3A_72] : memref<64x40x125xi32, #tpu.memory_space<hbm>> -> memref<1x40x125xi32, #tpu.memory_space<hbm>>
      %dma_start3A_74 = tpu.memref_squeeze %dma_start3A_73 : memref<1x40x125xi32, #tpu.memory_space<hbm>> -> memref<40x125xi32, #tpu.memory_space<hbm>>
      %dma_start3A_75 = arith.constant 0 : i32
      %dma_start3A_76 = arith.constant 0 : i32
      %dma_start3A_77 = tpu.memref_slice %arg4[%add3A_14, %dma_start3A_75, %dma_start3A_76] : memref<64x40x125xi32, #tpu.memory_space<hbm>> -> memref<1x40x125xi32, #tpu.memory_space<hbm>>
      %dma_start3A_78 = tpu.memref_squeeze %dma_start3A_77 : memref<1x40x125xi32, #tpu.memory_space<hbm>> -> memref<40x125xi32, #tpu.memory_space<hbm>>
      tpu.enqueue_dma source(%dma_start3A_78 : memref<40x125xi32, #tpu.memory_space<hbm>>) target(%arg8 : memref<40x125xi32, #tpu.memory_space<vmem>>) target_semaphore(%run_scoped3A : memref<!tpu.dma_semaphore, #tpu.memory_space<semaphore_mem>>)
      %dma_wait3A_79 = arith.constant 0 : i32
      %dma_wait3A_80 = arith.constant 0 : i32
      %dma_wait3A_81 = tpu.memref_slice %arg4[%add3A_14, %dma_wait3A_79, %dma_wait3A_80] : memref<64x40x125xi32, #tpu.memory_space<hbm>> -> memref<1x40x125xi32, #tpu.memory_space<hbm>>
      %dma_wait3A_82 = tpu.memref_squeeze %dma_wait3A_81 : memref<1x40x125xi32, #tpu.memory_space<hbm>> -> memref<40x125xi32, #tpu.memory_space<hbm>>
      %dma_wait3A_83 = arith.constant 0 : i32
      %dma_wait3A_84 = arith.constant 0 : i32
      %dma_wait3A_85 = tpu.memref_slice %arg4[%add3A_14, %dma_wait3A_83, %dma_wait3A_84] : memref<64x40x125xi32, #tpu.memory_space<hbm>> -> memref<1x40x125xi32, #tpu.memory_space<hbm>>
      %dma_wait3A_86 = tpu.memref_squeeze %dma_wait3A_85 : memref<1x40x125xi32, #tpu.memory_space<hbm>> -> memref<40x125xi32, #tpu.memory_space<hbm>>
      tpu.wait_dma2 semaphore(%run_scoped3A : memref<!tpu.dma_semaphore, #tpu.memory_space<semaphore_mem>>) src(%dma_wait3A_86 : memref<40x125xi32, #tpu.memory_space<hbm>>) dst(%arg8 : memref<40x125xi32, #tpu.memory_space<vmem>>)
      tpu.yield
    }) : () -> ()
    %dma_start3A = arith.constant 0 : i32
    %dma_start3A_15 = arith.constant 0 : i32
    %dma_start3A_16 = tpu.memref_slice %arg7[%dma_start3A, %dma_start3A_15] : memref<40x125xi32, #tpu.memory_space<vmem>> -> memref<1x125xi32, #tpu.memory_space<vmem>>
    %dma_start3A_17 = tpu.memref_squeeze %dma_start3A_16 : memref<1x125xi32, #tpu.memory_space<vmem>> -> memref<125xi32, #tpu.memory_space<vmem>>
    %dma_start3A_18 = arith.constant 0 : i32
    %dma_start3A_19 = arith.constant 0 : i32
    %dma_start3A_20 = tpu.memref_slice %arg2[%dma_start3A_18, %dma_start3A_19] : memref<10000x128xf32, #tpu.memory_space<hbm>> -> memref<10000x128xf32, #tpu.memory_space<hbm>>
    tpu.enqueue_indirect_dma source(%dma_start3A_20 : memref<10000x128xf32, #tpu.memory_space<hbm>>) target(%arg9 : memref<125x128xf32, #tpu.memory_space<vmem>>) offsets(%dma_start3A_17 : memref<125xi32, #tpu.memory_space<vmem>>) semaphore(%arg11 : memref<!tpu.dma_semaphore, #tpu.memory_space<semaphore_mem>>)
    %scan3A = arith.constant 0 : i32
    %scan3A_21 = arith.constant 0 : i32
    %scan3A_22 = arith.constant 20 : i32
    %scan3A_23 = arith.addi %scan3A_21, %scan3A_22 : i32
    %scan3A_24 = arith.constant 1 : i32
    scf.for %scan3A_71 = %scan3A_21 to %scan3A_23 step %scan3A_24  : i32 {
      %mul3A_72 = arith.constant 2 : i32
      %mul3A_73 = arith.muli %mul3A_72, %scan3A_71 : i32
      %mul3A_74 = arith.constant 2 : i32
      %mul3A_75 = arith.muli %mul3A_74, %scan3A_71 : i32
      %add3A_76 = arith.constant 1 : i32
      %add3A_77 = arith.addi %mul3A_75, %add3A_76 : i32
      %mul3A_78 = arith.constant 2 : i32
      %mul3A_79 = arith.muli %mul3A_78, %scan3A_71 : i32
      %add3A_80 = arith.constant 2 : i32
      %add3A_81 = arith.addi %mul3A_79, %add3A_80 : i32
      %min3A = arith.constant 39 : i32
      %min3A_82 = arith.minsi %add3A_81, %min3A : i32
      %dma_start3A_83 = arith.constant 0 : i32
      %dma_start3A_84 = tpu.memref_slice %arg7[%add3A_77, %dma_start3A_83] : memref<40x125xi32, #tpu.memory_space<vmem>> -> memref<1x125xi32, #tpu.memory_space<vmem>>
      %dma_start3A_85 = tpu.memref_squeeze %dma_start3A_84 : memref<1x125xi32, #tpu.memory_space<vmem>> -> memref<125xi32, #tpu.memory_space<vmem>>
      %dma_start3A_86 = arith.constant 0 : i32
      %dma_start3A_87 = arith.constant 0 : i32
      %dma_start3A_88 = tpu.memref_slice %arg2[%dma_start3A_86, %dma_start3A_87] : memref<10000x128xf32, #tpu.memory_space<hbm>> -> memref<10000x128xf32, #tpu.memory_space<hbm>>
      tpu.enqueue_indirect_dma source(%dma_start3A_88 : memref<10000x128xf32, #tpu.memory_space<hbm>>) target(%arg10 : memref<125x128xf32, #tpu.memory_space<vmem>>) offsets(%dma_start3A_85 : memref<125xi32, #tpu.memory_space<vmem>>) semaphore(%arg12 : memref<!tpu.dma_semaphore, #tpu.memory_space<semaphore_mem>>)
      %dma_wait3A_89 = arith.constant 0 : i32
      %dma_wait3A_90 = tpu.memref_slice %arg7[%mul3A_73, %dma_wait3A_89] : memref<40x125xi32, #tpu.memory_space<vmem>> -> memref<1x125xi32, #tpu.memory_space<vmem>>
      %dma_wait3A_91 = tpu.memref_squeeze %dma_wait3A_90 : memref<1x125xi32, #tpu.memory_space<vmem>> -> memref<125xi32, #tpu.memory_space<vmem>>
      %dma_wait3A_92 = arith.constant 0 : i32
      %dma_wait3A_93 = arith.constant 0 : i32
      %dma_wait3A_94 = tpu.memref_slice %arg2[%dma_wait3A_92, %dma_wait3A_93] : memref<10000x128xf32, #tpu.memory_space<hbm>> -> memref<10000x128xf32, #tpu.memory_space<hbm>>
      tpu.wait_indirect_dma semaphore(%arg11 : memref<!tpu.dma_semaphore, #tpu.memory_space<semaphore_mem>>) src(%dma_wait3A_94 : memref<10000x128xf32, #tpu.memory_space<hbm>>) dst(%arg9 : memref<125x128xf32, #tpu.memory_space<vmem>>)
      "tpu.region"() ({
        %run_scoped3A = tpu.sem_alloc : memref<!tpu.dma_semaphore, #tpu.memory_space<semaphore_mem>>
        %dma_start3A_107 = arith.constant 0 : i32
        %dma_start3A_108 = tpu.memref_slice %arg8[%mul3A_73, %dma_start3A_107] : memref<40x125xi32, #tpu.memory_space<vmem>> -> memref<1x125xi32, #tpu.memory_space<vmem>>
        %dma_start3A_109 = tpu.memref_squeeze %dma_start3A_108 : memref<1x125xi32, #tpu.memory_space<vmem>> -> memref<125xi32, #tpu.memory_space<vmem>>
        %dma_start3A_110 = arith.constant 0 : i32
        %dma_start3A_111 = arith.constant 0 : i32
        %dma_start3A_112 = tpu.memref_slice %arg13[%dma_start3A_110, %dma_start3A_111] : memref<10000x128xf32, #tpu.memory_space<vmem_shared>> -> memref<10000x128xf32, #tpu.memory_space<vmem_shared>>
        tpu.enqueue_indirect_dma source(%arg9 : memref<125x128xf32, #tpu.memory_space<vmem>>) target(%dma_start3A_112 : memref<10000x128xf32, #tpu.memory_space<vmem_shared>>) offsets(%dma_start3A_109 : memref<125xi32, #tpu.memory_space<vmem>>) semaphore(%run_scoped3A : memref<!tpu.dma_semaphore, #tpu.memory_space<semaphore_mem>>) {add = true}
        %dma_wait3A_113 = arith.constant 0 : i32
        %dma_wait3A_114 = tpu.memref_slice %arg8[%mul3A_73, %dma_wait3A_113] : memref<40x125xi32, #tpu.memory_space<vmem>> -> memref<1x125xi32, #tpu.memory_space<vmem>>
        %dma_wait3A_115 = tpu.memref_squeeze %dma_wait3A_114 : memref<1x125xi32, #tpu.memory_space<vmem>> -> memref<125xi32, #tpu.memory_space<vmem>>
        %dma_wait3A_116 = arith.constant 0 : i32
        %dma_wait3A_117 = arith.constant 0 : i32
        %dma_wait3A_118 = tpu.memref_slice %arg13[%dma_wait3A_116, %dma_wait3A_117] : memref<10000x128xf32, #tpu.memory_space<vmem_shared>> -> memref<10000x128xf32, #tpu.memory_space<vmem_shared>>
        tpu.wait_indirect_dma semaphore(%run_scoped3A : memref<!tpu.dma_semaphore, #tpu.memory_space<semaphore_mem>>) src(%arg9 : memref<125x128xf32, #tpu.memory_space<vmem>>) dst(%dma_wait3A_118 : memref<10000x128xf32, #tpu.memory_space<vmem_shared>>)
        tpu.yield
      }) : () -> ()
      %dma_start3A_95 = arith.constant 0 : i32
      %dma_start3A_96 = tpu.memref_slice %arg7[%min3A_82, %dma_start3A_95] : memref<40x125xi32, #tpu.memory_space<vmem>> -> memref<1x125xi32, #tpu.memory_space<vmem>>
      %dma_start3A_97 = tpu.memref_squeeze %dma_start3A_96 : memref<1x125xi32, #tpu.memory_space<vmem>> -> memref<125xi32, #tpu.memory_space<vmem>>
      %dma_start3A_98 = arith.constant 0 : i32
      %dma_start3A_99 = arith.constant 0 : i32
      %dma_start3A_100 = tpu.memref_slice %arg2[%dma_start3A_98, %dma_start3A_99] : memref<10000x128xf32, #tpu.memory_space<hbm>> -> memref<10000x128xf32, #tpu.memory_space<hbm>>
      tpu.enqueue_indirect_dma source(%dma_start3A_100 : memref<10000x128xf32, #tpu.memory_space<hbm>>) target(%arg9 : memref<125x128xf32, #tpu.memory_space<vmem>>) offsets(%dma_start3A_97 : memref<125xi32, #tpu.memory_space<vmem>>) semaphore(%arg11 : memref<!tpu.dma_semaphore, #tpu.memory_space<semaphore_mem>>)
      %dma_wait3A_101 = arith.constant 0 : i32
      %dma_wait3A_102 = tpu.memref_slice %arg7[%add3A_77, %dma_wait3A_101] : memref<40x125xi32, #tpu.memory_space<vmem>> -> memref<1x125xi32, #tpu.memory_space<vmem>>
      %dma_wait3A_103 = tpu.memref_squeeze %dma_wait3A_102 : memref<1x125xi32, #tpu.memory_space<vmem>> -> memref<125xi32, #tpu.memory_space<vmem>>
      %dma_wait3A_104 = arith.constant 0 : i32
      %dma_wait3A_105 = arith.constant 0 : i32
      %dma_wait3A_106 = tpu.memref_slice %arg2[%dma_wait3A_104, %dma_wait3A_105] : memref<10000x128xf32, #tpu.memory_space<hbm>> -> memref<10000x128xf32, #tpu.memory_space<hbm>>
      tpu.wait_indirect_dma semaphore(%arg12 : memref<!tpu.dma_semaphore, #tpu.memory_space<semaphore_mem>>) src(%dma_wait3A_106 : memref<10000x128xf32, #tpu.memory_space<hbm>>) dst(%arg10 : memref<125x128xf32, #tpu.memory_space<vmem>>)
      "tpu.region"() ({
        %run_scoped3A = tpu.sem_alloc : memref<!tpu.dma_semaphore, #tpu.memory_space<semaphore_mem>>
        %dma_start3A_107 = arith.constant 0 : i32
        %dma_start3A_108 = tpu.memref_slice %arg8[%add3A_77, %dma_start3A_107] : memref<40x125xi32, #tpu.memory_space<vmem>> -> memref<1x125xi32, #tpu.memory_space<vmem>>
        %dma_start3A_109 = tpu.memref_squeeze %dma_start3A_108 : memref<1x125xi32, #tpu.memory_space<vmem>> -> memref<125xi32, #tpu.memory_space<vmem>>
        %dma_start3A_110 = arith.constant 0 : i32
        %dma_start3A_111 = arith.constant 0 : i32
        %dma_start3A_112 = tpu.memref_slice %arg13[%dma_start3A_110, %dma_start3A_111] : memref<10000x128xf32, #tpu.memory_space<vmem_shared>> -> memref<10000x128xf32, #tpu.memory_space<vmem_shared>>
        tpu.enqueue_indirect_dma source(%arg10 : memref<125x128xf32, #tpu.memory_space<vmem>>) target(%dma_start3A_112 : memref<10000x128xf32, #tpu.memory_space<vmem_shared>>) offsets(%dma_start3A_109 : memref<125xi32, #tpu.memory_space<vmem>>) semaphore(%run_scoped3A : memref<!tpu.dma_semaphore, #tpu.memory_space<semaphore_mem>>) {add = true}
        %dma_wait3A_113 = arith.constant 0 : i32
        %dma_wait3A_114 = tpu.memref_slice %arg8[%add3A_77, %dma_wait3A_113] : memref<40x125xi32, #tpu.memory_space<vmem>> -> memref<1x125xi32, #tpu.memory_space<vmem>>
        %dma_wait3A_115 = tpu.memref_squeeze %dma_wait3A_114 : memref<1x125xi32, #tpu.memory_space<vmem>> -> memref<125xi32, #tpu.memory_space<vmem>>
        %dma_wait3A_116 = arith.constant 0 : i32
        %dma_wait3A_117 = arith.constant 0 : i32
        %dma_wait3A_118 = tpu.memref_slice %arg13[%dma_wait3A_116, %dma_wait3A_117] : memref<10000x128xf32, #tpu.memory_space<vmem_shared>> -> memref<10000x128xf32, #tpu.memory_space<vmem_shared>>
        tpu.wait_indirect_dma semaphore(%run_scoped3A : memref<!tpu.dma_semaphore, #tpu.memory_space<semaphore_mem>>) src(%arg10 : memref<125x128xf32, #tpu.memory_space<vmem>>) dst(%dma_wait3A_118 : memref<10000x128xf32, #tpu.memory_space<vmem_shared>>)
        tpu.yield
      }) : () -> ()
    }
    %scan3A_25 = arith.constant 20 : i32
    %dma_wait3A = arith.constant 39 : i32
    %dma_wait3A_26 = arith.constant 0 : i32
    %dma_wait3A_27 = tpu.memref_slice %arg7[%dma_wait3A, %dma_wait3A_26] : memref<40x125xi32, #tpu.memory_space<vmem>> -> memref<1x125xi32, #tpu.memory_space<vmem>>
    %dma_wait3A_28 = tpu.memref_squeeze %dma_wait3A_27 : memref<1x125xi32, #tpu.memory_space<vmem>> -> memref<125xi32, #tpu.memory_space<vmem>>
    %dma_wait3A_29 = arith.constant 0 : i32
    %dma_wait3A_30 = arith.constant 0 : i32
    %dma_wait3A_31 = tpu.memref_slice %arg2[%dma_wait3A_29, %dma_wait3A_30] : memref<10000x128xf32, #tpu.memory_space<hbm>> -> memref<10000x128xf32, #tpu.memory_space<hbm>>
    tpu.wait_indirect_dma semaphore(%arg11 : memref<!tpu.dma_semaphore, #tpu.memory_space<semaphore_mem>>) src(%dma_wait3A_31 : memref<10000x128xf32, #tpu.memory_space<hbm>>) dst(%arg9 : memref<125x128xf32, #tpu.memory_space<vmem>>)
    %mul3A_32 = arith.constant 2 : i32
    %mul3A_33 = arith.muli %add3A, %mul3A_32 : i32
    %add3A_34 = arith.constant 1 : i32
    %add3A_35 = arith.addi %mul3A_33, %add3A_34 : i32
    "tpu.region"() ({
      %run_scoped3A = tpu.sem_alloc : memref<!tpu.dma_semaphore, #tpu.memory_space<semaphore_mem>>
      %dma_start3A_71 = arith.constant 0 : i32
      %dma_start3A_72 = arith.constant 0 : i32
      %dma_start3A_73 = tpu.memref_slice %arg3[%add3A_35, %dma_start3A_71, %dma_start3A_72] : memref<64x40x125xi32, #tpu.memory_space<hbm>> -> memref<1x40x125xi32, #tpu.memory_space<hbm>>
      %dma_start3A_74 = tpu.memref_squeeze %dma_start3A_73 : memref<1x40x125xi32, #tpu.memory_space<hbm>> -> memref<40x125xi32, #tpu.memory_space<hbm>>
      %dma_start3A_75 = arith.constant 0 : i32
      %dma_start3A_76 = arith.constant 0 : i32
      %dma_start3A_77 = tpu.memref_slice %arg3[%add3A_35, %dma_start3A_75, %dma_start3A_76] : memref<64x40x125xi32, #tpu.memory_space<hbm>> -> memref<1x40x125xi32, #tpu.memory_space<hbm>>
      %dma_start3A_78 = tpu.memref_squeeze %dma_start3A_77 : memref<1x40x125xi32, #tpu.memory_space<hbm>> -> memref<40x125xi32, #tpu.memory_space<hbm>>
      tpu.enqueue_dma source(%dma_start3A_78 : memref<40x125xi32, #tpu.memory_space<hbm>>) target(%arg7 : memref<40x125xi32, #tpu.memory_space<vmem>>) target_semaphore(%run_scoped3A : memref<!tpu.dma_semaphore, #tpu.memory_space<semaphore_mem>>)
      %dma_wait3A_79 = arith.constant 0 : i32
      %dma_wait3A_80 = arith.constant 0 : i32
      %dma_wait3A_81 = tpu.memref_slice %arg3[%add3A_35, %dma_wait3A_79, %dma_wait3A_80] : memref<64x40x125xi32, #tpu.memory_space<hbm>> -> memref<1x40x125xi32, #tpu.memory_space<hbm>>
      %dma_wait3A_82 = tpu.memref_squeeze %dma_wait3A_81 : memref<1x40x125xi32, #tpu.memory_space<hbm>> -> memref<40x125xi32, #tpu.memory_space<hbm>>
      %dma_wait3A_83 = arith.constant 0 : i32
      %dma_wait3A_84 = arith.constant 0 : i32
      %dma_wait3A_85 = tpu.memref_slice %arg3[%add3A_35, %dma_wait3A_83, %dma_wait3A_84] : memref<64x40x125xi32, #tpu.memory_space<hbm>> -> memref<1x40x125xi32, #tpu.memory_space<hbm>>
      %dma_wait3A_86 = tpu.memref_squeeze %dma_wait3A_85 : memref<1x40x125xi32, #tpu.memory_space<hbm>> -> memref<40x125xi32, #tpu.memory_space<hbm>>
      tpu.wait_dma2 semaphore(%run_scoped3A : memref<!tpu.dma_semaphore, #tpu.memory_space<semaphore_mem>>) src(%dma_wait3A_86 : memref<40x125xi32, #tpu.memory_space<hbm>>) dst(%arg7 : memref<40x125xi32, #tpu.memory_space<vmem>>)
      tpu.yield
    }) : () -> ()
    %mul3A_36 = arith.constant 2 : i32
    %mul3A_37 = arith.muli %add3A, %mul3A_36 : i32
    %add3A_38 = arith.constant 1 : i32
    %add3A_39 = arith.addi %mul3A_37, %add3A_38 : i32
    "tpu.region"() ({
      %run_scoped3A = tpu.sem_alloc : memref<!tpu.dma_semaphore, #tpu.memory_space<semaphore_mem>>
      %dma_start3A_71 = arith.constant 0 : i32
      %dma_start3A_72 = arith.constant 0 : i32
      %dma_start3A_73 = tpu.memref_slice %arg4[%add3A_39, %dma_start3A_71, %dma_start3A_72] : memref<64x40x125xi32, #tpu.memory_space<hbm>> -> memref<1x40x125xi32, #tpu.memory_space<hbm>>
      %dma_start3A_74 = tpu.memref_squeeze %dma_start3A_73 : memref<1x40x125xi32, #tpu.memory_space<hbm>> -> memref<40x125xi32, #tpu.memory_space<hbm>>
      %dma_start3A_75 = arith.constant 0 : i32
      %dma_start3A_76 = arith.constant 0 : i32
      %dma_start3A_77 = tpu.memref_slice %arg4[%add3A_39, %dma_start3A_75, %dma_start3A_76] : memref<64x40x125xi32, #tpu.memory_space<hbm>> -> memref<1x40x125xi32, #tpu.memory_space<hbm>>
      %dma_start3A_78 = tpu.memref_squeeze %dma_start3A_77 : memref<1x40x125xi32, #tpu.memory_space<hbm>> -> memref<40x125xi32, #tpu.memory_space<hbm>>
      tpu.enqueue_dma source(%dma_start3A_78 : memref<40x125xi32, #tpu.memory_space<hbm>>) target(%arg8 : memref<40x125xi32, #tpu.memory_space<vmem>>) target_semaphore(%run_scoped3A : memref<!tpu.dma_semaphore, #tpu.memory_space<semaphore_mem>>)
      %dma_wait3A_79 = arith.constant 0 : i32
      %dma_wait3A_80 = arith.constant 0 : i32
      %dma_wait3A_81 = tpu.memref_slice %arg4[%add3A_39, %dma_wait3A_79, %dma_wait3A_80] : memref<64x40x125xi32, #tpu.memory_space<hbm>> -> memref<1x40x125xi32, #tpu.memory_space<hbm>>
      %dma_wait3A_82 = tpu.memref_squeeze %dma_wait3A_81 : memref<1x40x125xi32, #tpu.memory_space<hbm>> -> memref<40x125xi32, #tpu.memory_space<hbm>>
      %dma_wait3A_83 = arith.constant 0 : i32
      %dma_wait3A_84 = arith.constant 0 : i32
      %dma_wait3A_85 = tpu.memref_slice %arg4[%add3A_39, %dma_wait3A_83, %dma_wait3A_84] : memref<64x40x125xi32, #tpu.memory_space<hbm>> -> memref<1x40x125xi32, #tpu.memory_space<hbm>>
      %dma_wait3A_86 = tpu.memref_squeeze %dma_wait3A_85 : memref<1x40x125xi32, #tpu.memory_space<hbm>> -> memref<40x125xi32, #tpu.memory_space<hbm>>
      tpu.wait_dma2 semaphore(%run_scoped3A : memref<!tpu.dma_semaphore, #tpu.memory_space<semaphore_mem>>) src(%dma_wait3A_86 : memref<40x125xi32, #tpu.memory_space<hbm>>) dst(%arg8 : memref<40x125xi32, #tpu.memory_space<vmem>>)
      tpu.yield
    }) : () -> ()
    %dma_start3A_40 = arith.constant 0 : i32
    %dma_start3A_41 = arith.constant 0 : i32
    %dma_start3A_42 = tpu.memref_slice %arg7[%dma_start3A_40, %dma_start3A_41] : memref<40x125xi32, #tpu.memory_space<vmem>> -> memref<1x125xi32, #tpu.memory_space<vmem>>
    %dma_start3A_43 = tpu.memref_squeeze %dma_start3A_42 : memref<1x125xi32, #tpu.memory_space<vmem>> -> memref<125xi32, #tpu.memory_space<vmem>>
    %dma_start3A_44 = arith.constant 0 : i32
    %dma_start3A_45 = arith.constant 0 : i32
    %dma_start3A_46 = tpu.memref_slice %arg2[%dma_start3A_44, %dma_start3A_45] : memref<10000x128xf32, #tpu.memory_space<hbm>> -> memref<10000x128xf32, #tpu.memory_space<hbm>>
    tpu.enqueue_indirect_dma source(%dma_start3A_46 : memref<10000x128xf32, #tpu.memory_space<hbm>>) target(%arg9 : memref<125x128xf32, #tpu.memory_space<vmem>>) offsets(%dma_start3A_43 : memref<125xi32, #tpu.memory_space<vmem>>) semaphore(%arg11 : memref<!tpu.dma_semaphore, #tpu.memory_space<semaphore_mem>>)
    %scan3A_47 = arith.constant 0 : i32
    %scan3A_48 = arith.constant 0 : i32
    %scan3A_49 = arith.constant 20 : i32
    %scan3A_50 = arith.addi %scan3A_48, %scan3A_49 : i32
    %scan3A_51 = arith.constant 1 : i32
    scf.for %scan3A_71 = %scan3A_48 to %scan3A_50 step %scan3A_51  : i32 {
      %mul3A_72 = arith.constant 2 : i32
      %mul3A_73 = arith.muli %mul3A_72, %scan3A_71 : i32
      %mul3A_74 = arith.constant 2 : i32
      %mul3A_75 = arith.muli %mul3A_74, %scan3A_71 : i32
      %add3A_76 = arith.constant 1 : i32
      %add3A_77 = arith.addi %mul3A_75, %add3A_76 : i32
      %mul3A_78 = arith.constant 2 : i32
      %mul3A_79 = arith.muli %mul3A_78, %scan3A_71 : i32
      %add3A_80 = arith.constant 2 : i32
      %add3A_81 = arith.addi %mul3A_79, %add3A_80 : i32
      %min3A = arith.constant 39 : i32
      %min3A_82 = arith.minsi %add3A_81, %min3A : i32
      %dma_start3A_83 = arith.constant 0 : i32
      %dma_start3A_84 = tpu.memref_slice %arg7[%add3A_77, %dma_start3A_83] : memref<40x125xi32, #tpu.memory_space<vmem>> -> memref<1x125xi32, #tpu.memory_space<vmem>>
      %dma_start3A_85 = tpu.memref_squeeze %dma_start3A_84 : memref<1x125xi32, #tpu.memory_space<vmem>> -> memref<125xi32, #tpu.memory_space<vmem>>
      %dma_start3A_86 = arith.constant 0 : i32
      %dma_start3A_87 = arith.constant 0 : i32
      %dma_start3A_88 = tpu.memref_slice %arg2[%dma_start3A_86, %dma_start3A_87] : memref<10000x128xf32, #tpu.memory_space<hbm>> -> memref<10000x128xf32, #tpu.memory_space<hbm>>
      tpu.enqueue_indirect_dma source(%dma_start3A_88 : memref<10000x128xf32, #tpu.memory_space<hbm>>) target(%arg10 : memref<125x128xf32, #tpu.memory_space<vmem>>) offsets(%dma_start3A_85 : memref<125xi32, #tpu.memory_space<vmem>>) semaphore(%arg12 : memref<!tpu.dma_semaphore, #tpu.memory_space<semaphore_mem>>)
      %dma_wait3A_89 = arith.constant 0 : i32
      %dma_wait3A_90 = tpu.memref_slice %arg7[%mul3A_73, %dma_wait3A_89] : memref<40x125xi32, #tpu.memory_space<vmem>> -> memref<1x125xi32, #tpu.memory_space<vmem>>
      %dma_wait3A_91 = tpu.memref_squeeze %dma_wait3A_90 : memref<1x125xi32, #tpu.memory_space<vmem>> -> memref<125xi32, #tpu.memory_space<vmem>>
      %dma_wait3A_92 = arith.constant 0 : i32
      %dma_wait3A_93 = arith.constant 0 : i32
      %dma_wait3A_94 = tpu.memref_slice %arg2[%dma_wait3A_92, %dma_wait3A_93] : memref<10000x128xf32, #tpu.memory_space<hbm>> -> memref<10000x128xf32, #tpu.memory_space<hbm>>
      tpu.wait_indirect_dma semaphore(%arg11 : memref<!tpu.dma_semaphore, #tpu.memory_space<semaphore_mem>>) src(%dma_wait3A_94 : memref<10000x128xf32, #tpu.memory_space<hbm>>) dst(%arg9 : memref<125x128xf32, #tpu.memory_space<vmem>>)
      "tpu.region"() ({
        %run_scoped3A = tpu.sem_alloc : memref<!tpu.dma_semaphore, #tpu.memory_space<semaphore_mem>>
        %dma_start3A_107 = arith.constant 0 : i32
        %dma_start3A_108 = tpu.memref_slice %arg8[%mul3A_73, %dma_start3A_107] : memref<40x125xi32, #tpu.memory_space<vmem>> -> memref<1x125xi32, #tpu.memory_space<vmem>>
        %dma_start3A_109 = tpu.memref_squeeze %dma_start3A_108 : memref<1x125xi32, #tpu.memory_space<vmem>> -> memref<125xi32, #tpu.memory_space<vmem>>
        %dma_start3A_110 = arith.constant 0 : i32
        %dma_start3A_111 = arith.constant 0 : i32
        %dma_start3A_112 = tpu.memref_slice %arg13[%dma_start3A_110, %dma_start3A_111] : memref<10000x128xf32, #tpu.memory_space<vmem_shared>> -> memref<10000x128xf32, #tpu.memory_space<vmem_shared>>
        tpu.enqueue_indirect_dma source(%arg9 : memref<125x128xf32, #tpu.memory_space<vmem>>) target(%dma_start3A_112 : memref<10000x128xf32, #tpu.memory_space<vmem_shared>>) offsets(%dma_start3A_109 : memref<125xi32, #tpu.memory_space<vmem>>) semaphore(%run_scoped3A : memref<!tpu.dma_semaphore, #tpu.memory_space<semaphore_mem>>) {add = true}
        %dma_wait3A_113 = arith.constant 0 : i32
        %dma_wait3A_114 = tpu.memref_slice %arg8[%mul3A_73, %dma_wait3A_113] : memref<40x125xi32, #tpu.memory_space<vmem>> -> memref<1x125xi32, #tpu.memory_space<vmem>>
        %dma_wait3A_115 = tpu.memref_squeeze %dma_wait3A_114 : memref<1x125xi32, #tpu.memory_space<vmem>> -> memref<125xi32, #tpu.memory_space<vmem>>
        %dma_wait3A_116 = arith.constant 0 : i32
        %dma_wait3A_117 = arith.constant 0 : i32
        %dma_wait3A_118 = tpu.memref_slice %arg13[%dma_wait3A_116, %dma_wait3A_117] : memref<10000x128xf32, #tpu.memory_space<vmem_shared>> -> memref<10000x128xf32, #tpu.memory_space<vmem_shared>>
        tpu.wait_indirect_dma semaphore(%run_scoped3A : memref<!tpu.dma_semaphore, #tpu.memory_space<semaphore_mem>>) src(%arg9 : memref<125x128xf32, #tpu.memory_space<vmem>>) dst(%dma_wait3A_118 : memref<10000x128xf32, #tpu.memory_space<vmem_shared>>)
        tpu.yield
      }) : () -> ()
      %dma_start3A_95 = arith.constant 0 : i32
      %dma_start3A_96 = tpu.memref_slice %arg7[%min3A_82, %dma_start3A_95] : memref<40x125xi32, #tpu.memory_space<vmem>> -> memref<1x125xi32, #tpu.memory_space<vmem>>
      %dma_start3A_97 = tpu.memref_squeeze %dma_start3A_96 : memref<1x125xi32, #tpu.memory_space<vmem>> -> memref<125xi32, #tpu.memory_space<vmem>>
      %dma_start3A_98 = arith.constant 0 : i32
      %dma_start3A_99 = arith.constant 0 : i32
      %dma_start3A_100 = tpu.memref_slice %arg2[%dma_start3A_98, %dma_start3A_99] : memref<10000x128xf32, #tpu.memory_space<hbm>> -> memref<10000x128xf32, #tpu.memory_space<hbm>>
      tpu.enqueue_indirect_dma source(%dma_start3A_100 : memref<10000x128xf32, #tpu.memory_space<hbm>>) target(%arg9 : memref<125x128xf32, #tpu.memory_space<vmem>>) offsets(%dma_start3A_97 : memref<125xi32, #tpu.memory_space<vmem>>) semaphore(%arg11 : memref<!tpu.dma_semaphore, #tpu.memory_space<semaphore_mem>>)
      %dma_wait3A_101 = arith.constant 0 : i32
      %dma_wait3A_102 = tpu.memref_slice %arg7[%add3A_77, %dma_wait3A_101] : memref<40x125xi32, #tpu.memory_space<vmem>> -> memref<1x125xi32, #tpu.memory_space<vmem>>
      %dma_wait3A_103 = tpu.memref_squeeze %dma_wait3A_102 : memref<1x125xi32, #tpu.memory_space<vmem>> -> memref<125xi32, #tpu.memory_space<vmem>>
      %dma_wait3A_104 = arith.constant 0 : i32
      %dma_wait3A_105 = arith.constant 0 : i32
      %dma_wait3A_106 = tpu.memref_slice %arg2[%dma_wait3A_104, %dma_wait3A_105] : memref<10000x128xf32, #tpu.memory_space<hbm>> -> memref<10000x128xf32, #tpu.memory_space<hbm>>
      tpu.wait_indirect_dma semaphore(%arg12 : memref<!tpu.dma_semaphore, #tpu.memory_space<semaphore_mem>>) src(%dma_wait3A_106 : memref<10000x128xf32, #tpu.memory_space<hbm>>) dst(%arg10 : memref<125x128xf32, #tpu.memory_space<vmem>>)
      "tpu.region"() ({
        %run_scoped3A = tpu.sem_alloc : memref<!tpu.dma_semaphore, #tpu.memory_space<semaphore_mem>>
        %dma_start3A_107 = arith.constant 0 : i32
        %dma_start3A_108 = tpu.memref_slice %arg8[%add3A_77, %dma_start3A_107] : memref<40x125xi32, #tpu.memory_space<vmem>> -> memref<1x125xi32, #tpu.memory_space<vmem>>
        %dma_start3A_109 = tpu.memref_squeeze %dma_start3A_108 : memref<1x125xi32, #tpu.memory_space<vmem>> -> memref<125xi32, #tpu.memory_space<vmem>>
        %dma_start3A_110 = arith.constant 0 : i32
        %dma_start3A_111 = arith.constant 0 : i32
        %dma_start3A_112 = tpu.memref_slice %arg13[%dma_start3A_110, %dma_start3A_111] : memref<10000x128xf32, #tpu.memory_space<vmem_shared>> -> memref<10000x128xf32, #tpu.memory_space<vmem_shared>>
        tpu.enqueue_indirect_dma source(%arg10 : memref<125x128xf32, #tpu.memory_space<vmem>>) target(%dma_start3A_112 : memref<10000x128xf32, #tpu.memory_space<vmem_shared>>) offsets(%dma_start3A_109 : memref<125xi32, #tpu.memory_space<vmem>>) semaphore(%run_scoped3A : memref<!tpu.dma_semaphore, #tpu.memory_space<semaphore_mem>>) {add = true}
        %dma_wait3A_113 = arith.constant 0 : i32
        %dma_wait3A_114 = tpu.memref_slice %arg8[%add3A_77, %dma_wait3A_113] : memref<40x125xi32, #tpu.memory_space<vmem>> -> memref<1x125xi32, #tpu.memory_space<vmem>>
        %dma_wait3A_115 = tpu.memref_squeeze %dma_wait3A_114 : memref<1x125xi32, #tpu.memory_space<vmem>> -> memref<125xi32, #tpu.memory_space<vmem>>
        %dma_wait3A_116 = arith.constant 0 : i32
        %dma_wait3A_117 = arith.constant 0 : i32
        %dma_wait3A_118 = tpu.memref_slice %arg13[%dma_wait3A_116, %dma_wait3A_117] : memref<10000x128xf32, #tpu.memory_space<vmem_shared>> -> memref<10000x128xf32, #tpu.memory_space<vmem_shared>>
        tpu.wait_indirect_dma semaphore(%run_scoped3A : memref<!tpu.dma_semaphore, #tpu.memory_space<semaphore_mem>>) src(%arg10 : memref<125x128xf32, #tpu.memory_space<vmem>>) dst(%dma_wait3A_118 : memref<10000x128xf32, #tpu.memory_space<vmem_shared>>)
        tpu.yield
      }) : () -> ()
    }
    %scan3A_52 = arith.constant 20 : i32
    %dma_wait3A_53 = arith.constant 39 : i32
    %dma_wait3A_54 = arith.constant 0 : i32
    %dma_wait3A_55 = tpu.memref_slice %arg7[%dma_wait3A_53, %dma_wait3A_54] : memref<40x125xi32, #tpu.memory_space<vmem>> -> memref<1x125xi32, #tpu.memory_space<vmem>>
    %dma_wait3A_56 = tpu.memref_squeeze %dma_wait3A_55 : memref<1x125xi32, #tpu.memory_space<vmem>> -> memref<125xi32, #tpu.memory_space<vmem>>
    %dma_wait3A_57 = arith.constant 0 : i32
    %dma_wait3A_58 = arith.constant 0 : i32
    %dma_wait3A_59 = tpu.memref_slice %arg2[%dma_wait3A_57, %dma_wait3A_58] : memref<10000x128xf32, #tpu.memory_space<hbm>> -> memref<10000x128xf32, #tpu.memory_space<hbm>>
    tpu.wait_indirect_dma semaphore(%arg11 : memref<!tpu.dma_semaphore, #tpu.memory_space<semaphore_mem>>) src(%dma_wait3A_59 : memref<10000x128xf32, #tpu.memory_space<hbm>>) dst(%arg9 : memref<125x128xf32, #tpu.memory_space<vmem>>)
    %barrier3A_60 = arith.constant 0 : index
    tpu.barrier barrier_id(%barrier3A_60)
    %lt3A_61 = arith.constant 15 : i32
    %lt3A_62 = arith.cmpi slt, %arg1, %lt3A_61 : i32
    %convert_element_type3A_63 = arith.extui %lt3A_62 : i1 to i32
    %cond3A_64 = arith.constant 0 : i32
    %cond3A_65 = arith.cmpi ne, %convert_element_type3A_63, %cond3A_64 : i32
    scf.if %cond3A_65 {
      %mul3A_71 = arith.constant 624 : i32
      %mul3A_72 = arith.muli %arg1, %mul3A_71 : i32
      %mul3A_73 = arith.constant 10000 : i32
      %mul3A_74 = arith.muli %arg0, %mul3A_73 : i32
      %mul3A_75 = arith.constant 624 : i32
      %mul3A_76 = arith.muli %arg1, %mul3A_75 : i32
      %add3A_77 = arith.addi %mul3A_74, %mul3A_76 : i32
      "tpu.region"() ({
        %run_scoped3A = tpu.sem_alloc : memref<!tpu.dma_semaphore, #tpu.memory_space<semaphore_mem>>
        %dma_start3A_78 = arith.constant 0 : i32
        %dma_start3A_79 = tpu.memref_slice %arg6[%add3A_77, %dma_start3A_78] : memref<20000x128xf32, #tpu.memory_space<hbm>> -> memref<624x128xf32, #tpu.memory_space<hbm>>
        %dma_start3A_80 = arith.constant 0 : i32
        %dma_start3A_81 = tpu.memref_slice %arg13[%mul3A_72, %dma_start3A_80] : memref<10000x128xf32, #tpu.memory_space<vmem_shared>> -> memref<624x128xf32, #tpu.memory_space<vmem_shared>>
        tpu.enqueue_dma source(%dma_start3A_81 : memref<624x128xf32, #tpu.memory_space<vmem_shared>>) target(%dma_start3A_79 : memref<624x128xf32, #tpu.memory_space<hbm>>) target_semaphore(%run_scoped3A : memref<!tpu.dma_semaphore, #tpu.memory_space<semaphore_mem>>)
        %dma_wait3A_82 = arith.constant 0 : i32
        %dma_wait3A_83 = tpu.memref_slice %arg6[%add3A_77, %dma_wait3A_82] : memref<20000x128xf32, #tpu.memory_space<hbm>> -> memref<624x128xf32, #tpu.memory_space<hbm>>
        %dma_wait3A_84 = arith.constant 0 : i32
        %dma_wait3A_85 = tpu.memref_slice %arg13[%mul3A_72, %dma_wait3A_84] : memref<10000x128xf32, #tpu.memory_space<vmem_shared>> -> memref<624x128xf32, #tpu.memory_space<vmem_shared>>
        tpu.wait_dma2 semaphore(%run_scoped3A : memref<!tpu.dma_semaphore, #tpu.memory_space<semaphore_mem>>) src(%dma_wait3A_85 : memref<624x128xf32, #tpu.memory_space<vmem_shared>>) dst(%dma_wait3A_83 : memref<624x128xf32, #tpu.memory_space<hbm>>)
        tpu.yield
      }) : () -> ()
    } else {
    }
    %eq3A_66 = arith.constant 15 : i32
    %eq3A_67 = arith.cmpi eq, %arg1, %eq3A_66 : i32
    %convert_element_type3A_68 = arith.extui %eq3A_67 : i1 to i32
    %cond3A_69 = arith.constant 0 : i32
    %cond3A_70 = arith.cmpi ne, %convert_element_type3A_68, %cond3A_69 : i32
    scf.if %cond3A_70 {
      %mul3A_71 = arith.constant 624 : i32
      %mul3A_72 = arith.muli %arg1, %mul3A_71 : i32
      %mul3A_73 = arith.constant 10000 : i32
      %mul3A_74 = arith.muli %arg0, %mul3A_73 : i32
      %mul3A_75 = arith.constant 624 : i32
      %mul3A_76 = arith.muli %arg1, %mul3A_75 : i32
      %add3A_77 = arith.addi %mul3A_74, %mul3A_76 : i32
      "tpu.region"() ({
        %run_scoped3A = tpu.sem_alloc : memref<!tpu.dma_semaphore, #tpu.memory_space<semaphore_mem>>
        %dma_start3A_78 = arith.constant 0 : i32
        %dma_start3A_79 = tpu.memref_slice %arg6[%add3A_77, %dma_start3A_78] : memref<20000x128xf32, #tpu.memory_space<hbm>> -> memref<640x128xf32, #tpu.memory_space<hbm>>
        %dma_start3A_80 = arith.constant 0 : i32
        %dma_start3A_81 = tpu.memref_slice %arg13[%mul3A_72, %dma_start3A_80] : memref<10000x128xf32, #tpu.memory_space<vmem_shared>> -> memref<640x128xf32, #tpu.memory_space<vmem_shared>>
        tpu.enqueue_dma source(%dma_start3A_81 : memref<640x128xf32, #tpu.memory_space<vmem_shared>>) target(%dma_start3A_79 : memref<640x128xf32, #tpu.memory_space<hbm>>) target_semaphore(%run_scoped3A : memref<!tpu.dma_semaphore, #tpu.memory_space<semaphore_mem>>)
        %dma_wait3A_82 = arith.constant 0 : i32
        %dma_wait3A_83 = tpu.memref_slice %arg6[%add3A_77, %dma_wait3A_82] : memref<20000x128xf32, #tpu.memory_space<hbm>> -> memref<640x128xf32, #tpu.memory_space<hbm>>
        %dma_wait3A_84 = arith.constant 0 : i32
        %dma_wait3A_85 = tpu.memref_slice %arg13[%mul3A_72, %dma_wait3A_84] : memref<10000x128xf32, #tpu.memory_space<vmem_shared>> -> memref<640x128xf32, #tpu.memory_space<vmem_shared>>
        tpu.wait_dma2 semaphore(%run_scoped3A : memref<!tpu.dma_semaphore, #tpu.memory_space<semaphore_mem>>) src(%dma_wait3A_85 : memref<640x128xf32, #tpu.memory_space<vmem_shared>>) dst(%dma_wait3A_83 : memref<640x128xf32, #tpu.memory_space<hbm>>)
        tpu.yield
      }) : () -> ()
    } else {
    }
    return
  }
}

#map = affine_map<(d0, d1) -> (0, 0)>
#map1 = affine_map<(d0, d1) -> (0, 0, 0)>
module attributes {stable_mosaic.version = 14 : i64} {
  func.func @_sc_scatter_body(%arg0: i32, %arg1: i32, %arg2: memref<10000x128xf32, #tpu.memory_space<hbm>>, %arg3: memref<64x40x125xi32, #tpu.memory_space<hbm>>, %arg4: memref<64x40x125xi32, #tpu.memory_space<hbm>>, %arg5: memref<640x128xf32, #tpu.memory_space<hbm>>, %arg6: memref<20000x128xf32, #tpu.memory_space<hbm>>, %arg7: memref<40x125xi32, #tpu.memory_space<vmem>>, %arg8: memref<40x125xi32, #tpu.memory_space<vmem>>, %arg9: memref<125x128xf32, #tpu.memory_space<vmem>>, %arg10: memref<125x128xf32, #tpu.memory_space<vmem>>, %arg11: memref<!tpu.dma_semaphore, #tpu.memory_space<semaphore_mem>>, %arg12: memref<!tpu.dma_semaphore, #tpu.memory_space<semaphore_mem>>, %arg13: memref<10000x128xf32, #tpu.memory_space<vmem_shared>>) attributes {dimension_semantics = [#tpu.dimension_semantics<core_parallel>, #tpu.dimension_semantics<subcore_parallel>], iteration_bounds = array<i64: 2, 16>, scalar_prefetch = 0 : i64, scratch_operands = 7 : i64, tpu.core_type = #tpu.core_type<sc_vector_subcore>, window_params = [{transform_indices = #map}, {transform_indices = #map1}, {transform_indices = #map1}, {transform_indices = #map}, {transform_indices = #map}]} {
    %mul3A = arith.constant 16 : i32
    %mul3A_0 = arith.muli %arg0, %mul3A : i32
    %add3A = arith.addi %mul3A_0, %arg1 : i32
    "tpu.region"() ({
      %run_scoped3A = tpu.sem_alloc : memref<!tpu.dma_semaphore, #tpu.memory_space<semaphore_mem>>
      %dma_start3A_71 = arith.constant 0 : i32
      %dma_start3A_72 = arith.constant 0 : i32
      %dma_start3A_73 = tpu.memref_slice %arg3[%add3A, %dma_start3A_71, %dma_start3A_72] : memref<64x40x125xi32, #tpu.memory_space<hbm>> -> memref<1x40x125xi32, #tpu.memory_space<hbm>>
      %dma_start3A_74 = tpu.memref_squeeze %dma_start3A_73 : memref<1x40x125xi32, #tpu.memory_space<hbm>> -> memref<40x125xi32, #tpu.memory_space<hbm>>
      %dma_start3A_75 = arith.constant 0 : i32
      %dma_start3A_76 = arith.constant 0 : i32
      %dma_start3A_77 = tpu.memref_slice %arg3[%add3A, %dma_start3A_75, %dma_start3A_76] : memref<64x40x125xi32, #tpu.memory_space<hbm>> -> memref<1x40x125xi32, #tpu.memory_space<hbm>>
      %dma_start3A_78 = tpu.memref_squeeze %dma_start3A_77 : memref<1x40x125xi32, #tpu.memory_space<hbm>> -> memref<40x125xi32, #tpu.memory_space<hbm>>
      tpu.enqueue_dma source(%dma_start3A_78 : memref<40x125xi32, #tpu.memory_space<hbm>>) target(%arg7 : memref<40x125xi32, #tpu.memory_space<vmem>>) target_semaphore(%run_scoped3A : memref<!tpu.dma_semaphore, #tpu.memory_space<semaphore_mem>>)
      %dma_wait3A_79 = arith.constant 0 : i32
      %dma_wait3A_80 = arith.constant 0 : i32
      %dma_wait3A_81 = tpu.memref_slice %arg3[%add3A, %dma_wait3A_79, %dma_wait3A_80] : memref<64x40x125xi32, #tpu.memory_space<hbm>> -> memref<1x40x125xi32, #tpu.memory_space<hbm>>
      %dma_wait3A_82 = tpu.memref_squeeze %dma_wait3A_81 : memref<1x40x125xi32, #tpu.memory_space<hbm>> -> memref<40x125xi32, #tpu.memory_space<hbm>>
      %dma_wait3A_83 = arith.constant 0 : i32
      %dma_wait3A_84 = arith.constant 0 : i32
      %dma_wait3A_85 = tpu.memref_slice %arg3[%add3A, %dma_wait3A_83, %dma_wait3A_84] : memref<64x40x125xi32, #tpu.memory_space<hbm>> -> memref<1x40x125xi32, #tpu.memory_space<hbm>>
      %dma_wait3A_86 = tpu.memref_squeeze %dma_wait3A_85 : memref<1x40x125xi32, #tpu.memory_space<hbm>> -> memref<40x125xi32, #tpu.memory_space<hbm>>
      tpu.wait_dma2 semaphore(%run_scoped3A : memref<!tpu.dma_semaphore, #tpu.memory_space<semaphore_mem>>) src(%dma_wait3A_86 : memref<40x125xi32, #tpu.memory_space<hbm>>) dst(%arg7 : memref<40x125xi32, #tpu.memory_space<vmem>>)
      tpu.yield
    }) : () -> ()
    "tpu.region"() ({
      %run_scoped3A = tpu.sem_alloc : memref<!tpu.dma_semaphore, #tpu.memory_space<semaphore_mem>>
      %dma_start3A_71 = arith.constant 0 : i32
      %dma_start3A_72 = arith.constant 0 : i32
      %dma_start3A_73 = tpu.memref_slice %arg4[%add3A, %dma_start3A_71, %dma_start3A_72] : memref<64x40x125xi32, #tpu.memory_space<hbm>> -> memref<1x40x125xi32, #tpu.memory_space<hbm>>
      %dma_start3A_74 = tpu.memref_squeeze %dma_start3A_73 : memref<1x40x125xi32, #tpu.memory_space<hbm>> -> memref<40x125xi32, #tpu.memory_space<hbm>>
      %dma_start3A_75 = arith.constant 0 : i32
      %dma_start3A_76 = arith.constant 0 : i32
      %dma_start3A_77 = tpu.memref_slice %arg4[%add3A, %dma_start3A_75, %dma_start3A_76] : memref<64x40x125xi32, #tpu.memory_space<hbm>> -> memref<1x40x125xi32, #tpu.memory_space<hbm>>
      %dma_start3A_78 = tpu.memref_squeeze %dma_start3A_77 : memref<1x40x125xi32, #tpu.memory_space<hbm>> -> memref<40x125xi32, #tpu.memory_space<hbm>>
      tpu.enqueue_dma source(%dma_start3A_78 : memref<40x125xi32, #tpu.memory_space<hbm>>) target(%arg8 : memref<40x125xi32, #tpu.memory_space<vmem>>) target_semaphore(%run_scoped3A : memref<!tpu.dma_semaphore, #tpu.memory_space<semaphore_mem>>)
      %dma_wait3A_79 = arith.constant 0 : i32
      %dma_wait3A_80 = arith.constant 0 : i32
      %dma_wait3A_81 = tpu.memref_slice %arg4[%add3A, %dma_wait3A_79, %dma_wait3A_80] : memref<64x40x125xi32, #tpu.memory_space<hbm>> -> memref<1x40x125xi32, #tpu.memory_space<hbm>>
      %dma_wait3A_82 = tpu.memref_squeeze %dma_wait3A_81 : memref<1x40x125xi32, #tpu.memory_space<hbm>> -> memref<40x125xi32, #tpu.memory_space<hbm>>
      %dma_wait3A_83 = arith.constant 0 : i32
      %dma_wait3A_84 = arith.constant 0 : i32
      %dma_wait3A_85 = tpu.memref_slice %arg4[%add3A, %dma_wait3A_83, %dma_wait3A_84] : memref<64x40x125xi32, #tpu.memory_space<hbm>> -> memref<1x40x125xi32, #tpu.memory_space<hbm>>
      %dma_wait3A_86 = tpu.memref_squeeze %dma_wait3A_85 : memref<1x40x125xi32, #tpu.memory_space<hbm>> -> memref<40x125xi32, #tpu.memory_space<hbm>>
      tpu.wait_dma2 semaphore(%run_scoped3A : memref<!tpu.dma_semaphore, #tpu.memory_space<semaphore_mem>>) src(%dma_wait3A_86 : memref<40x125xi32, #tpu.memory_space<hbm>>) dst(%arg8 : memref<40x125xi32, #tpu.memory_space<vmem>>)
      tpu.yield
    }) : () -> ()
    %lt3A = arith.constant 15 : i32
    %lt3A_1 = arith.cmpi slt, %arg1, %lt3A : i32
    %convert_element_type3A = arith.extui %lt3A_1 : i1 to i32
    %cond3A = arith.constant 0 : i32
    %cond3A_2 = arith.cmpi ne, %convert_element_type3A, %cond3A : i32
    scf.if %cond3A_2 {
      %mul3A_71 = arith.constant 624 : i32
      %mul3A_72 = arith.muli %arg1, %mul3A_71 : i32
      "tpu.region"() ({
        %run_scoped3A = tpu.sem_alloc : memref<!tpu.dma_semaphore, #tpu.memory_space<semaphore_mem>>
        %dma_start3A_73 = arith.constant 0 : i32
        %dma_start3A_74 = tpu.memref_slice %arg13[%mul3A_72, %dma_start3A_73] : memref<10000x128xf32, #tpu.memory_space<vmem_shared>> -> memref<624x128xf32, #tpu.memory_space<vmem_shared>>
        %dma_start3A_75 = arith.constant 0 : i32
        %dma_start3A_76 = arith.constant 0 : i32
        %dma_start3A_77 = tpu.memref_slice %arg5[%dma_start3A_75, %dma_start3A_76] : memref<640x128xf32, #tpu.memory_space<hbm>> -> memref<624x128xf32, #tpu.memory_space<hbm>>
        tpu.enqueue_dma source(%dma_start3A_77 : memref<624x128xf32, #tpu.memory_space<hbm>>) target(%dma_start3A_74 : memref<624x128xf32, #tpu.memory_space<vmem_shared>>) target_semaphore(%run_scoped3A : memref<!tpu.dma_semaphore, #tpu.memory_space<semaphore_mem>>)
        %dma_wait3A_78 = arith.constant 0 : i32
        %dma_wait3A_79 = tpu.memref_slice %arg13[%mul3A_72, %dma_wait3A_78] : memref<10000x128xf32, #tpu.memory_space<vmem_shared>> -> memref<624x128xf32, #tpu.memory_space<vmem_shared>>
        %dma_wait3A_80 = arith.constant 0 : i32
        %dma_wait3A_81 = arith.constant 0 : i32
        %dma_wait3A_82 = tpu.memref_slice %arg5[%dma_wait3A_80, %dma_wait3A_81] : memref<640x128xf32, #tpu.memory_space<hbm>> -> memref<624x128xf32, #tpu.memory_space<hbm>>
        tpu.wait_dma2 semaphore(%run_scoped3A : memref<!tpu.dma_semaphore, #tpu.memory_space<semaphore_mem>>) src(%dma_wait3A_82 : memref<624x128xf32, #tpu.memory_space<hbm>>) dst(%dma_wait3A_79 : memref<624x128xf32, #tpu.memory_space<vmem_shared>>)
        tpu.yield
      }) : () -> ()
    } else {
    }
    %eq3A = arith.constant 15 : i32
    %eq3A_3 = arith.cmpi eq, %arg1, %eq3A : i32
    %convert_element_type3A_4 = arith.extui %eq3A_3 : i1 to i32
    %cond3A_5 = arith.constant 0 : i32
    %cond3A_6 = arith.cmpi ne, %convert_element_type3A_4, %cond3A_5 : i32
    scf.if %cond3A_6 {
      %mul3A_71 = arith.constant 624 : i32
      %mul3A_72 = arith.muli %arg1, %mul3A_71 : i32
      "tpu.region"() ({
        %run_scoped3A = tpu.sem_alloc : memref<!tpu.dma_semaphore, #tpu.memory_space<semaphore_mem>>
        %dma_start3A_73 = arith.constant 0 : i32
        %dma_start3A_74 = tpu.memref_slice %arg13[%mul3A_72, %dma_start3A_73] : memref<10000x128xf32, #tpu.memory_space<vmem_shared>> -> memref<640x128xf32, #tpu.memory_space<vmem_shared>>
        tpu.enqueue_dma source(%arg5 : memref<640x128xf32, #tpu.memory_space<hbm>>) target(%dma_start3A_74 : memref<640x128xf32, #tpu.memory_space<vmem_shared>>) target_semaphore(%run_scoped3A : memref<!tpu.dma_semaphore, #tpu.memory_space<semaphore_mem>>)
        %dma_wait3A_75 = arith.constant 0 : i32
        %dma_wait3A_76 = tpu.memref_slice %arg13[%mul3A_72, %dma_wait3A_75] : memref<10000x128xf32, #tpu.memory_space<vmem_shared>> -> memref<640x128xf32, #tpu.memory_space<vmem_shared>>
        tpu.wait_dma2 semaphore(%run_scoped3A : memref<!tpu.dma_semaphore, #tpu.memory_space<semaphore_mem>>) src(%arg5 : memref<640x128xf32, #tpu.memory_space<hbm>>) dst(%dma_wait3A_76 : memref<640x128xf32, #tpu.memory_space<vmem_shared>>)
        tpu.yield
      }) : () -> ()
    } else {
    }
    %barrier3A = arith.constant 0 : index
    tpu.barrier barrier_id(%barrier3A)
    %mul3A_7 = arith.constant 2 : i32
    %mul3A_8 = arith.muli %add3A, %mul3A_7 : i32
    %add3A_9 = arith.constant 0 : i32
    %add3A_10 = arith.addi %mul3A_8, %add3A_9 : i32
    "tpu.region"() ({
      %run_scoped3A = tpu.sem_alloc : memref<!tpu.dma_semaphore, #tpu.memory_space<semaphore_mem>>
      %dma_start3A_71 = arith.constant 0 : i32
      %dma_start3A_72 = arith.constant 0 : i32
      %dma_start3A_73 = tpu.memref_slice %arg3[%add3A_10, %dma_start3A_71, %dma_start3A_72] : memref<64x40x125xi32, #tpu.memory_space<hbm>> -> memref<1x40x125xi32, #tpu.memory_space<hbm>>
      %dma_start3A_74 = tpu.memref_squeeze %dma_start3A_73 : memref<1x40x125xi32, #tpu.memory_space<hbm>> -> memref<40x125xi32, #tpu.memory_space<hbm>>
      %dma_start3A_75 = arith.constant 0 : i32
      %dma_start3A_76 = arith.constant 0 : i32
      %dma_start3A_77 = tpu.memref_slice %arg3[%add3A_10, %dma_start3A_75, %dma_start3A_76] : memref<64x40x125xi32, #tpu.memory_space<hbm>> -> memref<1x40x125xi32, #tpu.memory_space<hbm>>
      %dma_start3A_78 = tpu.memref_squeeze %dma_start3A_77 : memref<1x40x125xi32, #tpu.memory_space<hbm>> -> memref<40x125xi32, #tpu.memory_space<hbm>>
      tpu.enqueue_dma source(%dma_start3A_78 : memref<40x125xi32, #tpu.memory_space<hbm>>) target(%arg7 : memref<40x125xi32, #tpu.memory_space<vmem>>) target_semaphore(%run_scoped3A : memref<!tpu.dma_semaphore, #tpu.memory_space<semaphore_mem>>)
      %dma_wait3A_79 = arith.constant 0 : i32
      %dma_wait3A_80 = arith.constant 0 : i32
      %dma_wait3A_81 = tpu.memref_slice %arg3[%add3A_10, %dma_wait3A_79, %dma_wait3A_80] : memref<64x40x125xi32, #tpu.memory_space<hbm>> -> memref<1x40x125xi32, #tpu.memory_space<hbm>>
      %dma_wait3A_82 = tpu.memref_squeeze %dma_wait3A_81 : memref<1x40x125xi32, #tpu.memory_space<hbm>> -> memref<40x125xi32, #tpu.memory_space<hbm>>
      %dma_wait3A_83 = arith.constant 0 : i32
      %dma_wait3A_84 = arith.constant 0 : i32
      %dma_wait3A_85 = tpu.memref_slice %arg3[%add3A_10, %dma_wait3A_83, %dma_wait3A_84] : memref<64x40x125xi32, #tpu.memory_space<hbm>> -> memref<1x40x125xi32, #tpu.memory_space<hbm>>
      %dma_wait3A_86 = tpu.memref_squeeze %dma_wait3A_85 : memref<1x40x125xi32, #tpu.memory_space<hbm>> -> memref<40x125xi32, #tpu.memory_space<hbm>>
      tpu.wait_dma2 semaphore(%run_scoped3A : memref<!tpu.dma_semaphore, #tpu.memory_space<semaphore_mem>>) src(%dma_wait3A_86 : memref<40x125xi32, #tpu.memory_space<hbm>>) dst(%arg7 : memref<40x125xi32, #tpu.memory_space<vmem>>)
      tpu.yield
    }) : () -> ()
    %mul3A_11 = arith.constant 2 : i32
    %mul3A_12 = arith.muli %add3A, %mul3A_11 : i32
    %add3A_13 = arith.constant 0 : i32
    %add3A_14 = arith.addi %mul3A_12, %add3A_13 : i32
    "tpu.region"() ({
      %run_scoped3A = tpu.sem_alloc : memref<!tpu.dma_semaphore, #tpu.memory_space<semaphore_mem>>
      %dma_start3A_71 = arith.constant 0 : i32
      %dma_start3A_72 = arith.constant 0 : i32
      %dma_start3A_73 = tpu.memref_slice %arg4[%add3A_14, %dma_start3A_71, %dma_start3A_72] : memref<64x40x125xi32, #tpu.memory_space<hbm>> -> memref<1x40x125xi32, #tpu.memory_space<hbm>>
      %dma_start3A_74 = tpu.memref_squeeze %dma_start3A_73 : memref<1x40x125xi32, #tpu.memory_space<hbm>> -> memref<40x125xi32, #tpu.memory_space<hbm>>
      %dma_start3A_75 = arith.constant 0 : i32
      %dma_start3A_76 = arith.constant 0 : i32
      %dma_start3A_77 = tpu.memref_slice %arg4[%add3A_14, %dma_start3A_75, %dma_start3A_76] : memref<64x40x125xi32, #tpu.memory_space<hbm>> -> memref<1x40x125xi32, #tpu.memory_space<hbm>>
      %dma_start3A_78 = tpu.memref_squeeze %dma_start3A_77 : memref<1x40x125xi32, #tpu.memory_space<hbm>> -> memref<40x125xi32, #tpu.memory_space<hbm>>
      tpu.enqueue_dma source(%dma_start3A_78 : memref<40x125xi32, #tpu.memory_space<hbm>>) target(%arg8 : memref<40x125xi32, #tpu.memory_space<vmem>>) target_semaphore(%run_scoped3A : memref<!tpu.dma_semaphore, #tpu.memory_space<semaphore_mem>>)
      %dma_wait3A_79 = arith.constant 0 : i32
      %dma_wait3A_80 = arith.constant 0 : i32
      %dma_wait3A_81 = tpu.memref_slice %arg4[%add3A_14, %dma_wait3A_79, %dma_wait3A_80] : memref<64x40x125xi32, #tpu.memory_space<hbm>> -> memref<1x40x125xi32, #tpu.memory_space<hbm>>
      %dma_wait3A_82 = tpu.memref_squeeze %dma_wait3A_81 : memref<1x40x125xi32, #tpu.memory_space<hbm>> -> memref<40x125xi32, #tpu.memory_space<hbm>>
      %dma_wait3A_83 = arith.constant 0 : i32
      %dma_wait3A_84 = arith.constant 0 : i32
      %dma_wait3A_85 = tpu.memref_slice %arg4[%add3A_14, %dma_wait3A_83, %dma_wait3A_84] : memref<64x40x125xi32, #tpu.memory_space<hbm>> -> memref<1x40x125xi32, #tpu.memory_space<hbm>>
      %dma_wait3A_86 = tpu.memref_squeeze %dma_wait3A_85 : memref<1x40x125xi32, #tpu.memory_space<hbm>> -> memref<40x125xi32, #tpu.memory_space<hbm>>
      tpu.wait_dma2 semaphore(%run_scoped3A : memref<!tpu.dma_semaphore, #tpu.memory_space<semaphore_mem>>) src(%dma_wait3A_86 : memref<40x125xi32, #tpu.memory_space<hbm>>) dst(%arg8 : memref<40x125xi32, #tpu.memory_space<vmem>>)
      tpu.yield
    }) : () -> ()
    %dma_start3A = arith.constant 0 : i32
    %dma_start3A_15 = arith.constant 0 : i32
    %dma_start3A_16 = tpu.memref_slice %arg7[%dma_start3A, %dma_start3A_15] : memref<40x125xi32, #tpu.memory_space<vmem>> -> memref<1x125xi32, #tpu.memory_space<vmem>>
    %dma_start3A_17 = tpu.memref_squeeze %dma_start3A_16 : memref<1x125xi32, #tpu.memory_space<vmem>> -> memref<125xi32, #tpu.memory_space<vmem>>
    %dma_start3A_18 = arith.constant 0 : i32
    %dma_start3A_19 = arith.constant 0 : i32
    %dma_start3A_20 = tpu.memref_slice %arg2[%dma_start3A_18, %dma_start3A_19] : memref<10000x128xf32, #tpu.memory_space<hbm>> -> memref<10000x128xf32, #tpu.memory_space<hbm>>
    tpu.enqueue_indirect_dma source(%dma_start3A_20 : memref<10000x128xf32, #tpu.memory_space<hbm>>) target(%arg9 : memref<125x128xf32, #tpu.memory_space<vmem>>) offsets(%dma_start3A_17 : memref<125xi32, #tpu.memory_space<vmem>>) semaphore(%arg11 : memref<!tpu.dma_semaphore, #tpu.memory_space<semaphore_mem>>)
    %scan3A = arith.constant 0 : i32
    %scan3A_21 = arith.constant 0 : i32
    %scan3A_22 = arith.constant 20 : i32
    %scan3A_23 = arith.addi %scan3A_21, %scan3A_22 : i32
    %scan3A_24 = arith.constant 1 : i32
    scf.for %scan3A_71 = %scan3A_21 to %scan3A_23 step %scan3A_24  : i32 {
      %mul3A_72 = arith.constant 2 : i32
      %mul3A_73 = arith.muli %mul3A_72, %scan3A_71 : i32
      %mul3A_74 = arith.constant 2 : i32
      %mul3A_75 = arith.muli %mul3A_74, %scan3A_71 : i32
      %add3A_76 = arith.constant 1 : i32
      %add3A_77 = arith.addi %mul3A_75, %add3A_76 : i32
      %mul3A_78 = arith.constant 2 : i32
      %mul3A_79 = arith.muli %mul3A_78, %scan3A_71 : i32
      %add3A_80 = arith.constant 2 : i32
      %add3A_81 = arith.addi %mul3A_79, %add3A_80 : i32
      %min3A = arith.constant 39 : i32
      %min3A_82 = arith.minsi %add3A_81, %min3A : i32
      %dma_start3A_83 = arith.constant 0 : i32
      %dma_start3A_84 = tpu.memref_slice %arg7[%add3A_77, %dma_start3A_83] : memref<40x125xi32, #tpu.memory_space<vmem>> -> memref<1x125xi32, #tpu.memory_space<vmem>>
      %dma_start3A_85 = tpu.memref_squeeze %dma_start3A_84 : memref<1x125xi32, #tpu.memory_space<vmem>> -> memref<125xi32, #tpu.memory_space<vmem>>
      %dma_start3A_86 = arith.constant 0 : i32
      %dma_start3A_87 = arith.constant 0 : i32
      %dma_start3A_88 = tpu.memref_slice %arg2[%dma_start3A_86, %dma_start3A_87] : memref<10000x128xf32, #tpu.memory_space<hbm>> -> memref<10000x128xf32, #tpu.memory_space<hbm>>
      tpu.enqueue_indirect_dma source(%dma_start3A_88 : memref<10000x128xf32, #tpu.memory_space<hbm>>) target(%arg10 : memref<125x128xf32, #tpu.memory_space<vmem>>) offsets(%dma_start3A_85 : memref<125xi32, #tpu.memory_space<vmem>>) semaphore(%arg12 : memref<!tpu.dma_semaphore, #tpu.memory_space<semaphore_mem>>)
      %dma_wait3A_89 = arith.constant 0 : i32
      %dma_wait3A_90 = tpu.memref_slice %arg7[%mul3A_73, %dma_wait3A_89] : memref<40x125xi32, #tpu.memory_space<vmem>> -> memref<1x125xi32, #tpu.memory_space<vmem>>
      %dma_wait3A_91 = tpu.memref_squeeze %dma_wait3A_90 : memref<1x125xi32, #tpu.memory_space<vmem>> -> memref<125xi32, #tpu.memory_space<vmem>>
      %dma_wait3A_92 = arith.constant 0 : i32
      %dma_wait3A_93 = arith.constant 0 : i32
      %dma_wait3A_94 = tpu.memref_slice %arg2[%dma_wait3A_92, %dma_wait3A_93] : memref<10000x128xf32, #tpu.memory_space<hbm>> -> memref<10000x128xf32, #tpu.memory_space<hbm>>
      tpu.wait_indirect_dma semaphore(%arg11 : memref<!tpu.dma_semaphore, #tpu.memory_space<semaphore_mem>>) src(%dma_wait3A_94 : memref<10000x128xf32, #tpu.memory_space<hbm>>) dst(%arg9 : memref<125x128xf32, #tpu.memory_space<vmem>>)
      "tpu.region"() ({
        %run_scoped3A = tpu.sem_alloc : memref<!tpu.dma_semaphore, #tpu.memory_space<semaphore_mem>>
        %dma_start3A_107 = arith.constant 0 : i32
        %dma_start3A_108 = tpu.memref_slice %arg8[%mul3A_73, %dma_start3A_107] : memref<40x125xi32, #tpu.memory_space<vmem>> -> memref<1x125xi32, #tpu.memory_space<vmem>>
        %dma_start3A_109 = tpu.memref_squeeze %dma_start3A_108 : memref<1x125xi32, #tpu.memory_space<vmem>> -> memref<125xi32, #tpu.memory_space<vmem>>
        %dma_start3A_110 = arith.constant 0 : i32
        %dma_start3A_111 = arith.constant 0 : i32
        %dma_start3A_112 = tpu.memref_slice %arg13[%dma_start3A_110, %dma_start3A_111] : memref<10000x128xf32, #tpu.memory_space<vmem_shared>> -> memref<10000x128xf32, #tpu.memory_space<vmem_shared>>
        tpu.enqueue_indirect_dma source(%arg9 : memref<125x128xf32, #tpu.memory_space<vmem>>) target(%dma_start3A_112 : memref<10000x128xf32, #tpu.memory_space<vmem_shared>>) offsets(%dma_start3A_109 : memref<125xi32, #tpu.memory_space<vmem>>) semaphore(%run_scoped3A : memref<!tpu.dma_semaphore, #tpu.memory_space<semaphore_mem>>) {add = true}
        %dma_wait3A_113 = arith.constant 0 : i32
        %dma_wait3A_114 = tpu.memref_slice %arg8[%mul3A_73, %dma_wait3A_113] : memref<40x125xi32, #tpu.memory_space<vmem>> -> memref<1x125xi32, #tpu.memory_space<vmem>>
        %dma_wait3A_115 = tpu.memref_squeeze %dma_wait3A_114 : memref<1x125xi32, #tpu.memory_space<vmem>> -> memref<125xi32, #tpu.memory_space<vmem>>
        %dma_wait3A_116 = arith.constant 0 : i32
        %dma_wait3A_117 = arith.constant 0 : i32
        %dma_wait3A_118 = tpu.memref_slice %arg13[%dma_wait3A_116, %dma_wait3A_117] : memref<10000x128xf32, #tpu.memory_space<vmem_shared>> -> memref<10000x128xf32, #tpu.memory_space<vmem_shared>>
        tpu.wait_indirect_dma semaphore(%run_scoped3A : memref<!tpu.dma_semaphore, #tpu.memory_space<semaphore_mem>>) src(%arg9 : memref<125x128xf32, #tpu.memory_space<vmem>>) dst(%dma_wait3A_118 : memref<10000x128xf32, #tpu.memory_space<vmem_shared>>)
        tpu.yield
      }) : () -> ()
      %dma_start3A_95 = arith.constant 0 : i32
      %dma_start3A_96 = tpu.memref_slice %arg7[%min3A_82, %dma_start3A_95] : memref<40x125xi32, #tpu.memory_space<vmem>> -> memref<1x125xi32, #tpu.memory_space<vmem>>
      %dma_start3A_97 = tpu.memref_squeeze %dma_start3A_96 : memref<1x125xi32, #tpu.memory_space<vmem>> -> memref<125xi32, #tpu.memory_space<vmem>>
      %dma_start3A_98 = arith.constant 0 : i32
      %dma_start3A_99 = arith.constant 0 : i32
      %dma_start3A_100 = tpu.memref_slice %arg2[%dma_start3A_98, %dma_start3A_99] : memref<10000x128xf32, #tpu.memory_space<hbm>> -> memref<10000x128xf32, #tpu.memory_space<hbm>>
      tpu.enqueue_indirect_dma source(%dma_start3A_100 : memref<10000x128xf32, #tpu.memory_space<hbm>>) target(%arg9 : memref<125x128xf32, #tpu.memory_space<vmem>>) offsets(%dma_start3A_97 : memref<125xi32, #tpu.memory_space<vmem>>) semaphore(%arg11 : memref<!tpu.dma_semaphore, #tpu.memory_space<semaphore_mem>>)
      %dma_wait3A_101 = arith.constant 0 : i32
      %dma_wait3A_102 = tpu.memref_slice %arg7[%add3A_77, %dma_wait3A_101] : memref<40x125xi32, #tpu.memory_space<vmem>> -> memref<1x125xi32, #tpu.memory_space<vmem>>
      %dma_wait3A_103 = tpu.memref_squeeze %dma_wait3A_102 : memref<1x125xi32, #tpu.memory_space<vmem>> -> memref<125xi32, #tpu.memory_space<vmem>>
      %dma_wait3A_104 = arith.constant 0 : i32
      %dma_wait3A_105 = arith.constant 0 : i32
      %dma_wait3A_106 = tpu.memref_slice %arg2[%dma_wait3A_104, %dma_wait3A_105] : memref<10000x128xf32, #tpu.memory_space<hbm>> -> memref<10000x128xf32, #tpu.memory_space<hbm>>
      tpu.wait_indirect_dma semaphore(%arg12 : memref<!tpu.dma_semaphore, #tpu.memory_space<semaphore_mem>>) src(%dma_wait3A_106 : memref<10000x128xf32, #tpu.memory_space<hbm>>) dst(%arg10 : memref<125x128xf32, #tpu.memory_space<vmem>>)
      "tpu.region"() ({
        %run_scoped3A = tpu.sem_alloc : memref<!tpu.dma_semaphore, #tpu.memory_space<semaphore_mem>>
        %dma_start3A_107 = arith.constant 0 : i32
        %dma_start3A_108 = tpu.memref_slice %arg8[%add3A_77, %dma_start3A_107] : memref<40x125xi32, #tpu.memory_space<vmem>> -> memref<1x125xi32, #tpu.memory_space<vmem>>
        %dma_start3A_109 = tpu.memref_squeeze %dma_start3A_108 : memref<1x125xi32, #tpu.memory_space<vmem>> -> memref<125xi32, #tpu.memory_space<vmem>>
        %dma_start3A_110 = arith.constant 0 : i32
        %dma_start3A_111 = arith.constant 0 : i32
        %dma_start3A_112 = tpu.memref_slice %arg13[%dma_start3A_110, %dma_start3A_111] : memref<10000x128xf32, #tpu.memory_space<vmem_shared>> -> memref<10000x128xf32, #tpu.memory_space<vmem_shared>>
        tpu.enqueue_indirect_dma source(%arg10 : memref<125x128xf32, #tpu.memory_space<vmem>>) target(%dma_start3A_112 : memref<10000x128xf32, #tpu.memory_space<vmem_shared>>) offsets(%dma_start3A_109 : memref<125xi32, #tpu.memory_space<vmem>>) semaphore(%run_scoped3A : memref<!tpu.dma_semaphore, #tpu.memory_space<semaphore_mem>>) {add = true}
        %dma_wait3A_113 = arith.constant 0 : i32
        %dma_wait3A_114 = tpu.memref_slice %arg8[%add3A_77, %dma_wait3A_113] : memref<40x125xi32, #tpu.memory_space<vmem>> -> memref<1x125xi32, #tpu.memory_space<vmem>>
        %dma_wait3A_115 = tpu.memref_squeeze %dma_wait3A_114 : memref<1x125xi32, #tpu.memory_space<vmem>> -> memref<125xi32, #tpu.memory_space<vmem>>
        %dma_wait3A_116 = arith.constant 0 : i32
        %dma_wait3A_117 = arith.constant 0 : i32
        %dma_wait3A_118 = tpu.memref_slice %arg13[%dma_wait3A_116, %dma_wait3A_117] : memref<10000x128xf32, #tpu.memory_space<vmem_shared>> -> memref<10000x128xf32, #tpu.memory_space<vmem_shared>>
        tpu.wait_indirect_dma semaphore(%run_scoped3A : memref<!tpu.dma_semaphore, #tpu.memory_space<semaphore_mem>>) src(%arg10 : memref<125x128xf32, #tpu.memory_space<vmem>>) dst(%dma_wait3A_118 : memref<10000x128xf32, #tpu.memory_space<vmem_shared>>)
        tpu.yield
      }) : () -> ()
    }
    %scan3A_25 = arith.constant 20 : i32
    %dma_wait3A = arith.constant 39 : i32
    %dma_wait3A_26 = arith.constant 0 : i32
    %dma_wait3A_27 = tpu.memref_slice %arg7[%dma_wait3A, %dma_wait3A_26] : memref<40x125xi32, #tpu.memory_space<vmem>> -> memref<1x125xi32, #tpu.memory_space<vmem>>
    %dma_wait3A_28 = tpu.memref_squeeze %dma_wait3A_27 : memref<1x125xi32, #tpu.memory_space<vmem>> -> memref<125xi32, #tpu.memory_space<vmem>>
    %dma_wait3A_29 = arith.constant 0 : i32
    %dma_wait3A_30 = arith.constant 0 : i32
    %dma_wait3A_31 = tpu.memref_slice %arg2[%dma_wait3A_29, %dma_wait3A_30] : memref<10000x128xf32, #tpu.memory_space<hbm>> -> memref<10000x128xf32, #tpu.memory_space<hbm>>
    tpu.wait_indirect_dma semaphore(%arg11 : memref<!tpu.dma_semaphore, #tpu.memory_space<semaphore_mem>>) src(%dma_wait3A_31 : memref<10000x128xf32, #tpu.memory_space<hbm>>) dst(%arg9 : memref<125x128xf32, #tpu.memory_space<vmem>>)
    %mul3A_32 = arith.constant 2 : i32
    %mul3A_33 = arith.muli %add3A, %mul3A_32 : i32
    %add3A_34 = arith.constant 1 : i32
    %add3A_35 = arith.addi %mul3A_33, %add3A_34 : i32
    "tpu.region"() ({
      %run_scoped3A = tpu.sem_alloc : memref<!tpu.dma_semaphore, #tpu.memory_space<semaphore_mem>>
      %dma_start3A_71 = arith.constant 0 : i32
      %dma_start3A_72 = arith.constant 0 : i32
      %dma_start3A_73 = tpu.memref_slice %arg3[%add3A_35, %dma_start3A_71, %dma_start3A_72] : memref<64x40x125xi32, #tpu.memory_space<hbm>> -> memref<1x40x125xi32, #tpu.memory_space<hbm>>
      %dma_start3A_74 = tpu.memref_squeeze %dma_start3A_73 : memref<1x40x125xi32, #tpu.memory_space<hbm>> -> memref<40x125xi32, #tpu.memory_space<hbm>>
      %dma_start3A_75 = arith.constant 0 : i32
      %dma_start3A_76 = arith.constant 0 : i32
      %dma_start3A_77 = tpu.memref_slice %arg3[%add3A_35, %dma_start3A_75, %dma_start3A_76] : memref<64x40x125xi32, #tpu.memory_space<hbm>> -> memref<1x40x125xi32, #tpu.memory_space<hbm>>
      %dma_start3A_78 = tpu.memref_squeeze %dma_start3A_77 : memref<1x40x125xi32, #tpu.memory_space<hbm>> -> memref<40x125xi32, #tpu.memory_space<hbm>>
      tpu.enqueue_dma source(%dma_start3A_78 : memref<40x125xi32, #tpu.memory_space<hbm>>) target(%arg7 : memref<40x125xi32, #tpu.memory_space<vmem>>) target_semaphore(%run_scoped3A : memref<!tpu.dma_semaphore, #tpu.memory_space<semaphore_mem>>)
      %dma_wait3A_79 = arith.constant 0 : i32
      %dma_wait3A_80 = arith.constant 0 : i32
      %dma_wait3A_81 = tpu.memref_slice %arg3[%add3A_35, %dma_wait3A_79, %dma_wait3A_80] : memref<64x40x125xi32, #tpu.memory_space<hbm>> -> memref<1x40x125xi32, #tpu.memory_space<hbm>>
      %dma_wait3A_82 = tpu.memref_squeeze %dma_wait3A_81 : memref<1x40x125xi32, #tpu.memory_space<hbm>> -> memref<40x125xi32, #tpu.memory_space<hbm>>
      %dma_wait3A_83 = arith.constant 0 : i32
      %dma_wait3A_84 = arith.constant 0 : i32
      %dma_wait3A_85 = tpu.memref_slice %arg3[%add3A_35, %dma_wait3A_83, %dma_wait3A_84] : memref<64x40x125xi32, #tpu.memory_space<hbm>> -> memref<1x40x125xi32, #tpu.memory_space<hbm>>
      %dma_wait3A_86 = tpu.memref_squeeze %dma_wait3A_85 : memref<1x40x125xi32, #tpu.memory_space<hbm>> -> memref<40x125xi32, #tpu.memory_space<hbm>>
      tpu.wait_dma2 semaphore(%run_scoped3A : memref<!tpu.dma_semaphore, #tpu.memory_space<semaphore_mem>>) src(%dma_wait3A_86 : memref<40x125xi32, #tpu.memory_space<hbm>>) dst(%arg7 : memref<40x125xi32, #tpu.memory_space<vmem>>)
      tpu.yield
    }) : () -> ()
    %mul3A_36 = arith.constant 2 : i32
    %mul3A_37 = arith.muli %add3A, %mul3A_36 : i32
    %add3A_38 = arith.constant 1 : i32
    %add3A_39 = arith.addi %mul3A_37, %add3A_38 : i32
    "tpu.region"() ({
      %run_scoped3A = tpu.sem_alloc : memref<!tpu.dma_semaphore, #tpu.memory_space<semaphore_mem>>
      %dma_start3A_71 = arith.constant 0 : i32
      %dma_start3A_72 = arith.constant 0 : i32
      %dma_start3A_73 = tpu.memref_slice %arg4[%add3A_39, %dma_start3A_71, %dma_start3A_72] : memref<64x40x125xi32, #tpu.memory_space<hbm>> -> memref<1x40x125xi32, #tpu.memory_space<hbm>>
      %dma_start3A_74 = tpu.memref_squeeze %dma_start3A_73 : memref<1x40x125xi32, #tpu.memory_space<hbm>> -> memref<40x125xi32, #tpu.memory_space<hbm>>
      %dma_start3A_75 = arith.constant 0 : i32
      %dma_start3A_76 = arith.constant 0 : i32
      %dma_start3A_77 = tpu.memref_slice %arg4[%add3A_39, %dma_start3A_75, %dma_start3A_76] : memref<64x40x125xi32, #tpu.memory_space<hbm>> -> memref<1x40x125xi32, #tpu.memory_space<hbm>>
      %dma_start3A_78 = tpu.memref_squeeze %dma_start3A_77 : memref<1x40x125xi32, #tpu.memory_space<hbm>> -> memref<40x125xi32, #tpu.memory_space<hbm>>
      tpu.enqueue_dma source(%dma_start3A_78 : memref<40x125xi32, #tpu.memory_space<hbm>>) target(%arg8 : memref<40x125xi32, #tpu.memory_space<vmem>>) target_semaphore(%run_scoped3A : memref<!tpu.dma_semaphore, #tpu.memory_space<semaphore_mem>>)
      %dma_wait3A_79 = arith.constant 0 : i32
      %dma_wait3A_80 = arith.constant 0 : i32
      %dma_wait3A_81 = tpu.memref_slice %arg4[%add3A_39, %dma_wait3A_79, %dma_wait3A_80] : memref<64x40x125xi32, #tpu.memory_space<hbm>> -> memref<1x40x125xi32, #tpu.memory_space<hbm>>
      %dma_wait3A_82 = tpu.memref_squeeze %dma_wait3A_81 : memref<1x40x125xi32, #tpu.memory_space<hbm>> -> memref<40x125xi32, #tpu.memory_space<hbm>>
      %dma_wait3A_83 = arith.constant 0 : i32
      %dma_wait3A_84 = arith.constant 0 : i32
      %dma_wait3A_85 = tpu.memref_slice %arg4[%add3A_39, %dma_wait3A_83, %dma_wait3A_84] : memref<64x40x125xi32, #tpu.memory_space<hbm>> -> memref<1x40x125xi32, #tpu.memory_space<hbm>>
      %dma_wait3A_86 = tpu.memref_squeeze %dma_wait3A_85 : memref<1x40x125xi32, #tpu.memory_space<hbm>> -> memref<40x125xi32, #tpu.memory_space<hbm>>
      tpu.wait_dma2 semaphore(%run_scoped3A : memref<!tpu.dma_semaphore, #tpu.memory_space<semaphore_mem>>) src(%dma_wait3A_86 : memref<40x125xi32, #tpu.memory_space<hbm>>) dst(%arg8 : memref<40x125xi32, #tpu.memory_space<vmem>>)
      tpu.yield
    }) : () -> ()
    %dma_start3A_40 = arith.constant 0 : i32
    %dma_start3A_41 = arith.constant 0 : i32
    %dma_start3A_42 = tpu.memref_slice %arg7[%dma_start3A_40, %dma_start3A_41] : memref<40x125xi32, #tpu.memory_space<vmem>> -> memref<1x125xi32, #tpu.memory_space<vmem>>
    %dma_start3A_43 = tpu.memref_squeeze %dma_start3A_42 : memref<1x125xi32, #tpu.memory_space<vmem>> -> memref<125xi32, #tpu.memory_space<vmem>>
    %dma_start3A_44 = arith.constant 0 : i32
    %dma_start3A_45 = arith.constant 0 : i32
    %dma_start3A_46 = tpu.memref_slice %arg2[%dma_start3A_44, %dma_start3A_45] : memref<10000x128xf32, #tpu.memory_space<hbm>> -> memref<10000x128xf32, #tpu.memory_space<hbm>>
    tpu.enqueue_indirect_dma source(%dma_start3A_46 : memref<10000x128xf32, #tpu.memory_space<hbm>>) target(%arg9 : memref<125x128xf32, #tpu.memory_space<vmem>>) offsets(%dma_start3A_43 : memref<125xi32, #tpu.memory_space<vmem>>) semaphore(%arg11 : memref<!tpu.dma_semaphore, #tpu.memory_space<semaphore_mem>>)
    %scan3A_47 = arith.constant 0 : i32
    %scan3A_48 = arith.constant 0 : i32
    %scan3A_49 = arith.constant 20 : i32
    %scan3A_50 = arith.addi %scan3A_48, %scan3A_49 : i32
    %scan3A_51 = arith.constant 1 : i32
    scf.for %scan3A_71 = %scan3A_48 to %scan3A_50 step %scan3A_51  : i32 {
      %mul3A_72 = arith.constant 2 : i32
      %mul3A_73 = arith.muli %mul3A_72, %scan3A_71 : i32
      %mul3A_74 = arith.constant 2 : i32
      %mul3A_75 = arith.muli %mul3A_74, %scan3A_71 : i32
      %add3A_76 = arith.constant 1 : i32
      %add3A_77 = arith.addi %mul3A_75, %add3A_76 : i32
      %mul3A_78 = arith.constant 2 : i32
      %mul3A_79 = arith.muli %mul3A_78, %scan3A_71 : i32
      %add3A_80 = arith.constant 2 : i32
      %add3A_81 = arith.addi %mul3A_79, %add3A_80 : i32
      %min3A = arith.constant 39 : i32
      %min3A_82 = arith.minsi %add3A_81, %min3A : i32
      %dma_start3A_83 = arith.constant 0 : i32
      %dma_start3A_84 = tpu.memref_slice %arg7[%add3A_77, %dma_start3A_83] : memref<40x125xi32, #tpu.memory_space<vmem>> -> memref<1x125xi32, #tpu.memory_space<vmem>>
      %dma_start3A_85 = tpu.memref_squeeze %dma_start3A_84 : memref<1x125xi32, #tpu.memory_space<vmem>> -> memref<125xi32, #tpu.memory_space<vmem>>
      %dma_start3A_86 = arith.constant 0 : i32
      %dma_start3A_87 = arith.constant 0 : i32
      %dma_start3A_88 = tpu.memref_slice %arg2[%dma_start3A_86, %dma_start3A_87] : memref<10000x128xf32, #tpu.memory_space<hbm>> -> memref<10000x128xf32, #tpu.memory_space<hbm>>
      tpu.enqueue_indirect_dma source(%dma_start3A_88 : memref<10000x128xf32, #tpu.memory_space<hbm>>) target(%arg10 : memref<125x128xf32, #tpu.memory_space<vmem>>) offsets(%dma_start3A_85 : memref<125xi32, #tpu.memory_space<vmem>>) semaphore(%arg12 : memref<!tpu.dma_semaphore, #tpu.memory_space<semaphore_mem>>)
      %dma_wait3A_89 = arith.constant 0 : i32
      %dma_wait3A_90 = tpu.memref_slice %arg7[%mul3A_73, %dma_wait3A_89] : memref<40x125xi32, #tpu.memory_space<vmem>> -> memref<1x125xi32, #tpu.memory_space<vmem>>
      %dma_wait3A_91 = tpu.memref_squeeze %dma_wait3A_90 : memref<1x125xi32, #tpu.memory_space<vmem>> -> memref<125xi32, #tpu.memory_space<vmem>>
      %dma_wait3A_92 = arith.constant 0 : i32
      %dma_wait3A_93 = arith.constant 0 : i32
      %dma_wait3A_94 = tpu.memref_slice %arg2[%dma_wait3A_92, %dma_wait3A_93] : memref<10000x128xf32, #tpu.memory_space<hbm>> -> memref<10000x128xf32, #tpu.memory_space<hbm>>
      tpu.wait_indirect_dma semaphore(%arg11 : memref<!tpu.dma_semaphore, #tpu.memory_space<semaphore_mem>>) src(%dma_wait3A_94 : memref<10000x128xf32, #tpu.memory_space<hbm>>) dst(%arg9 : memref<125x128xf32, #tpu.memory_space<vmem>>)
      "tpu.region"() ({
        %run_scoped3A = tpu.sem_alloc : memref<!tpu.dma_semaphore, #tpu.memory_space<semaphore_mem>>
        %dma_start3A_107 = arith.constant 0 : i32
        %dma_start3A_108 = tpu.memref_slice %arg8[%mul3A_73, %dma_start3A_107] : memref<40x125xi32, #tpu.memory_space<vmem>> -> memref<1x125xi32, #tpu.memory_space<vmem>>
        %dma_start3A_109 = tpu.memref_squeeze %dma_start3A_108 : memref<1x125xi32, #tpu.memory_space<vmem>> -> memref<125xi32, #tpu.memory_space<vmem>>
        %dma_start3A_110 = arith.constant 0 : i32
        %dma_start3A_111 = arith.constant 0 : i32
        %dma_start3A_112 = tpu.memref_slice %arg13[%dma_start3A_110, %dma_start3A_111] : memref<10000x128xf32, #tpu.memory_space<vmem_shared>> -> memref<10000x128xf32, #tpu.memory_space<vmem_shared>>
        tpu.enqueue_indirect_dma source(%arg9 : memref<125x128xf32, #tpu.memory_space<vmem>>) target(%dma_start3A_112 : memref<10000x128xf32, #tpu.memory_space<vmem_shared>>) offsets(%dma_start3A_109 : memref<125xi32, #tpu.memory_space<vmem>>) semaphore(%run_scoped3A : memref<!tpu.dma_semaphore, #tpu.memory_space<semaphore_mem>>) {add = true}
        %dma_wait3A_113 = arith.constant 0 : i32
        %dma_wait3A_114 = tpu.memref_slice %arg8[%mul3A_73, %dma_wait3A_113] : memref<40x125xi32, #tpu.memory_space<vmem>> -> memref<1x125xi32, #tpu.memory_space<vmem>>
        %dma_wait3A_115 = tpu.memref_squeeze %dma_wait3A_114 : memref<1x125xi32, #tpu.memory_space<vmem>> -> memref<125xi32, #tpu.memory_space<vmem>>
        %dma_wait3A_116 = arith.constant 0 : i32
        %dma_wait3A_117 = arith.constant 0 : i32
        %dma_wait3A_118 = tpu.memref_slice %arg13[%dma_wait3A_116, %dma_wait3A_117] : memref<10000x128xf32, #tpu.memory_space<vmem_shared>> -> memref<10000x128xf32, #tpu.memory_space<vmem_shared>>
        tpu.wait_indirect_dma semaphore(%run_scoped3A : memref<!tpu.dma_semaphore, #tpu.memory_space<semaphore_mem>>) src(%arg9 : memref<125x128xf32, #tpu.memory_space<vmem>>) dst(%dma_wait3A_118 : memref<10000x128xf32, #tpu.memory_space<vmem_shared>>)
        tpu.yield
      }) : () -> ()
      %dma_start3A_95 = arith.constant 0 : i32
      %dma_start3A_96 = tpu.memref_slice %arg7[%min3A_82, %dma_start3A_95] : memref<40x125xi32, #tpu.memory_space<vmem>> -> memref<1x125xi32, #tpu.memory_space<vmem>>
      %dma_start3A_97 = tpu.memref_squeeze %dma_start3A_96 : memref<1x125xi32, #tpu.memory_space<vmem>> -> memref<125xi32, #tpu.memory_space<vmem>>
      %dma_start3A_98 = arith.constant 0 : i32
      %dma_start3A_99 = arith.constant 0 : i32
      %dma_start3A_100 = tpu.memref_slice %arg2[%dma_start3A_98, %dma_start3A_99] : memref<10000x128xf32, #tpu.memory_space<hbm>> -> memref<10000x128xf32, #tpu.memory_space<hbm>>
      tpu.enqueue_indirect_dma source(%dma_start3A_100 : memref<10000x128xf32, #tpu.memory_space<hbm>>) target(%arg9 : memref<125x128xf32, #tpu.memory_space<vmem>>) offsets(%dma_start3A_97 : memref<125xi32, #tpu.memory_space<vmem>>) semaphore(%arg11 : memref<!tpu.dma_semaphore, #tpu.memory_space<semaphore_mem>>)
      %dma_wait3A_101 = arith.constant 0 : i32
      %dma_wait3A_102 = tpu.memref_slice %arg7[%add3A_77, %dma_wait3A_101] : memref<40x125xi32, #tpu.memory_space<vmem>> -> memref<1x125xi32, #tpu.memory_space<vmem>>
      %dma_wait3A_103 = tpu.memref_squeeze %dma_wait3A_102 : memref<1x125xi32, #tpu.memory_space<vmem>> -> memref<125xi32, #tpu.memory_space<vmem>>
      %dma_wait3A_104 = arith.constant 0 : i32
      %dma_wait3A_105 = arith.constant 0 : i32
      %dma_wait3A_106 = tpu.memref_slice %arg2[%dma_wait3A_104, %dma_wait3A_105] : memref<10000x128xf32, #tpu.memory_space<hbm>> -> memref<10000x128xf32, #tpu.memory_space<hbm>>
      tpu.wait_indirect_dma semaphore(%arg12 : memref<!tpu.dma_semaphore, #tpu.memory_space<semaphore_mem>>) src(%dma_wait3A_106 : memref<10000x128xf32, #tpu.memory_space<hbm>>) dst(%arg10 : memref<125x128xf32, #tpu.memory_space<vmem>>)
      "tpu.region"() ({
        %run_scoped3A = tpu.sem_alloc : memref<!tpu.dma_semaphore, #tpu.memory_space<semaphore_mem>>
        %dma_start3A_107 = arith.constant 0 : i32
        %dma_start3A_108 = tpu.memref_slice %arg8[%add3A_77, %dma_start3A_107] : memref<40x125xi32, #tpu.memory_space<vmem>> -> memref<1x125xi32, #tpu.memory_space<vmem>>
        %dma_start3A_109 = tpu.memref_squeeze %dma_start3A_108 : memref<1x125xi32, #tpu.memory_space<vmem>> -> memref<125xi32, #tpu.memory_space<vmem>>
        %dma_start3A_110 = arith.constant 0 : i32
        %dma_start3A_111 = arith.constant 0 : i32
        %dma_start3A_112 = tpu.memref_slice %arg13[%dma_start3A_110, %dma_start3A_111] : memref<10000x128xf32, #tpu.memory_space<vmem_shared>> -> memref<10000x128xf32, #tpu.memory_space<vmem_shared>>
        tpu.enqueue_indirect_dma source(%arg10 : memref<125x128xf32, #tpu.memory_space<vmem>>) target(%dma_start3A_112 : memref<10000x128xf32, #tpu.memory_space<vmem_shared>>) offsets(%dma_start3A_109 : memref<125xi32, #tpu.memory_space<vmem>>) semaphore(%run_scoped3A : memref<!tpu.dma_semaphore, #tpu.memory_space<semaphore_mem>>) {add = true}
        %dma_wait3A_113 = arith.constant 0 : i32
        %dma_wait3A_114 = tpu.memref_slice %arg8[%add3A_77, %dma_wait3A_113] : memref<40x125xi32, #tpu.memory_space<vmem>> -> memref<1x125xi32, #tpu.memory_space<vmem>>
        %dma_wait3A_115 = tpu.memref_squeeze %dma_wait3A_114 : memref<1x125xi32, #tpu.memory_space<vmem>> -> memref<125xi32, #tpu.memory_space<vmem>>
        %dma_wait3A_116 = arith.constant 0 : i32
        %dma_wait3A_117 = arith.constant 0 : i32
        %dma_wait3A_118 = tpu.memref_slice %arg13[%dma_wait3A_116, %dma_wait3A_117] : memref<10000x128xf32, #tpu.memory_space<vmem_shared>> -> memref<10000x128xf32, #tpu.memory_space<vmem_shared>>
        tpu.wait_indirect_dma semaphore(%run_scoped3A : memref<!tpu.dma_semaphore, #tpu.memory_space<semaphore_mem>>) src(%arg10 : memref<125x128xf32, #tpu.memory_space<vmem>>) dst(%dma_wait3A_118 : memref<10000x128xf32, #tpu.memory_space<vmem_shared>>)
        tpu.yield
      }) : () -> ()
    }
    %scan3A_52 = arith.constant 20 : i32
    %dma_wait3A_53 = arith.constant 39 : i32
    %dma_wait3A_54 = arith.constant 0 : i32
    %dma_wait3A_55 = tpu.memref_slice %arg7[%dma_wait3A_53, %dma_wait3A_54] : memref<40x125xi32, #tpu.memory_space<vmem>> -> memref<1x125xi32, #tpu.memory_space<vmem>>
    %dma_wait3A_56 = tpu.memref_squeeze %dma_wait3A_55 : memref<1x125xi32, #tpu.memory_space<vmem>> -> memref<125xi32, #tpu.memory_space<vmem>>
    %dma_wait3A_57 = arith.constant 0 : i32
    %dma_wait3A_58 = arith.constant 0 : i32
    %dma_wait3A_59 = tpu.memref_slice %arg2[%dma_wait3A_57, %dma_wait3A_58] : memref<10000x128xf32, #tpu.memory_space<hbm>> -> memref<10000x128xf32, #tpu.memory_space<hbm>>
    tpu.wait_indirect_dma semaphore(%arg11 : memref<!tpu.dma_semaphore, #tpu.memory_space<semaphore_mem>>) src(%dma_wait3A_59 : memref<10000x128xf32, #tpu.memory_space<hbm>>) dst(%arg9 : memref<125x128xf32, #tpu.memory_space<vmem>>)
    %barrier3A_60 = arith.constant 0 : index
    tpu.barrier barrier_id(%barrier3A_60)
    %lt3A_61 = arith.constant 15 : i32
    %lt3A_62 = arith.cmpi slt, %arg1, %lt3A_61 : i32
    %convert_element_type3A_63 = arith.extui %lt3A_62 : i1 to i32
    %cond3A_64 = arith.constant 0 : i32
    %cond3A_65 = arith.cmpi ne, %convert_element_type3A_63, %cond3A_64 : i32
    scf.if %cond3A_65 {
      %mul3A_71 = arith.constant 624 : i32
      %mul3A_72 = arith.muli %arg1, %mul3A_71 : i32
      %mul3A_73 = arith.constant 10000 : i32
      %mul3A_74 = arith.muli %arg0, %mul3A_73 : i32
      %mul3A_75 = arith.constant 624 : i32
      %mul3A_76 = arith.muli %arg1, %mul3A_75 : i32
      %add3A_77 = arith.addi %mul3A_74, %mul3A_76 : i32
      "tpu.region"() ({
        %run_scoped3A = tpu.sem_alloc : memref<!tpu.dma_semaphore, #tpu.memory_space<semaphore_mem>>
        %dma_start3A_78 = arith.constant 0 : i32
        %dma_start3A_79 = tpu.memref_slice %arg6[%add3A_77, %dma_start3A_78] : memref<20000x128xf32, #tpu.memory_space<hbm>> -> memref<624x128xf32, #tpu.memory_space<hbm>>
        %dma_start3A_80 = arith.constant 0 : i32
        %dma_start3A_81 = tpu.memref_slice %arg13[%mul3A_72, %dma_start3A_80] : memref<10000x128xf32, #tpu.memory_space<vmem_shared>> -> memref<624x128xf32, #tpu.memory_space<vmem_shared>>
        tpu.enqueue_dma source(%dma_start3A_81 : memref<624x128xf32, #tpu.memory_space<vmem_shared>>) target(%dma_start3A_79 : memref<624x128xf32, #tpu.memory_space<hbm>>) target_semaphore(%run_scoped3A : memref<!tpu.dma_semaphore, #tpu.memory_space<semaphore_mem>>)
        %dma_wait3A_82 = arith.constant 0 : i32
        %dma_wait3A_83 = tpu.memref_slice %arg6[%add3A_77, %dma_wait3A_82] : memref<20000x128xf32, #tpu.memory_space<hbm>> -> memref<624x128xf32, #tpu.memory_space<hbm>>
        %dma_wait3A_84 = arith.constant 0 : i32
        %dma_wait3A_85 = tpu.memref_slice %arg13[%mul3A_72, %dma_wait3A_84] : memref<10000x128xf32, #tpu.memory_space<vmem_shared>> -> memref<624x128xf32, #tpu.memory_space<vmem_shared>>
        tpu.wait_dma2 semaphore(%run_scoped3A : memref<!tpu.dma_semaphore, #tpu.memory_space<semaphore_mem>>) src(%dma_wait3A_85 : memref<624x128xf32, #tpu.memory_space<vmem_shared>>) dst(%dma_wait3A_83 : memref<624x128xf32, #tpu.memory_space<hbm>>)
        tpu.yield
      }) : () -> ()
    } else {
    }
    %eq3A_66 = arith.constant 15 : i32
    %eq3A_67 = arith.cmpi eq, %arg1, %eq3A_66 : i32
    %convert_element_type3A_68 = arith.extui %eq3A_67 : i1 to i32
    %cond3A_69 = arith.constant 0 : i32
    %cond3A_70 = arith.cmpi ne, %convert_element_type3A_68, %cond3A_69 : i32
    scf.if %cond3A_70 {
      %mul3A_71 = arith.constant 624 : i32
      %mul3A_72 = arith.muli %arg1, %mul3A_71 : i32
      %mul3A_73 = arith.constant 10000 : i32
      %mul3A_74 = arith.muli %arg0, %mul3A_73 : i32
      %mul3A_75 = arith.constant 624 : i32
      %mul3A_76 = arith.muli %arg1, %mul3A_75 : i32
      %add3A_77 = arith.addi %mul3A_74, %mul3A_76 : i32
      "tpu.region"() ({
        %run_scoped3A = tpu.sem_alloc : memref<!tpu.dma_semaphore, #tpu.memory_space<semaphore_mem>>
        %dma_start3A_78 = arith.constant 0 : i32
        %dma_start3A_79 = tpu.memref_slice %arg6[%add3A_77, %dma_start3A_78] : memref<20000x128xf32, #tpu.memory_space<hbm>> -> memref<640x128xf32, #tpu.memory_space<hbm>>
        %dma_start3A_80 = arith.constant 0 : i32
        %dma_start3A_81 = tpu.memref_slice %arg13[%mul3A_72, %dma_start3A_80] : memref<10000x128xf32, #tpu.memory_space<vmem_shared>> -> memref<640x128xf32, #tpu.memory_space<vmem_shared>>
        tpu.enqueue_dma source(%dma_start3A_81 : memref<640x128xf32, #tpu.memory_space<vmem_shared>>) target(%dma_start3A_79 : memref<640x128xf32, #tpu.memory_space<hbm>>) target_semaphore(%run_scoped3A : memref<!tpu.dma_semaphore, #tpu.memory_space<semaphore_mem>>)
        %dma_wait3A_82 = arith.constant 0 : i32
        %dma_wait3A_83 = tpu.memref_slice %arg6[%add3A_77, %dma_wait3A_82] : memref<20000x128xf32, #tpu.memory_space<hbm>> -> memref<640x128xf32, #tpu.memory_space<hbm>>
        %dma_wait3A_84 = arith.constant 0 : i32
        %dma_wait3A_85 = tpu.memref_slice %arg13[%mul3A_72, %dma_wait3A_84] : memref<10000x128xf32, #tpu.memory_space<vmem_shared>> -> memref<640x128xf32, #tpu.memory_space<vmem_shared>>
        tpu.wait_dma2 semaphore(%run_scoped3A : memref<!tpu.dma_semaphore, #tpu.memory_space<semaphore_mem>>) src(%dma_wait3A_85 : memref<640x128xf32, #tpu.memory_space<vmem_shared>>) dst(%dma_wait3A_83 : memref<640x128xf32, #tpu.memory_space<hbm>>)
        tpu.yield
      }) : () -> ()
    } else {
    }
    return
  }
}

module attributes {stable_mosaic.version = 14 : i64} {
  func.func @_first_body(%arg0: i32, %arg1: memref<1000x128xf32, #tpu.memory_space<vmem>>, %arg2: memref<2x1000x128xf32, #tpu.memory_space<vmem>>, %arg3: memref<128x128xf32, #tpu.memory_space<vmem>>, %arg4: memref<128xf32, #tpu.memory_space<vmem>>, %arg5: memref<128x128xf32, #tpu.memory_space<vmem>>, %arg6: memref<1000x128xf32, #tpu.memory_space<vmem>>, %arg7: memref<1000x1xf32, #tpu.memory_space<vmem>>) attributes {dimension_semantics = [#tpu.dimension_semantics<arbitrary>], iteration_bounds = array<i64: 10>, scalar_prefetch = 0 : i64, scratch_operands = 0 : i64, tpu.core_type = #tpu.core_type<tc>, window_params = [{transform_indices = @transform_0, window_bounds = array<i64: 1000, 128>}, {transform_indices = @transform_1, window_bounds = array<i64: 2, 1000, 128>}, {pipeline_mode = #tpu.pipeline_mode<synchronous>, transform_indices = @transform_2, window_bounds = array<i64: 128, 128>}, {pipeline_mode = #tpu.pipeline_mode<synchronous>, transform_indices = @transform_3, window_bounds = array<i64: 128>}, {pipeline_mode = #tpu.pipeline_mode<synchronous>, transform_indices = @transform_4, window_bounds = array<i64: 128, 128>}, {transform_indices = @transform_5, window_bounds = array<i64: 1000, 128>}, {transform_indices = @transform_6, window_bounds = array<i64: 1000, 1>}]} {
    %get3A = arith.constant 0 : index
    %get3A_0 = arith.constant 0 : index
    %get3A_1 = arith.constant 0 : index
    %get3A_2 = vector.load %arg2[%get3A, %get3A_0, %get3A_1] : memref<2x1000x128xf32, #tpu.memory_space<vmem>>, vector<2x1000x128xf32>
    %slice3A = vector.extract_strided_slice %get3A_2 {offsets = [0, 0, 0], sizes = [1, 1000, 1], strides = [1, 1, 1]} : vector<2x1000x128xf32> to vector<1x1000x1xf32>
    %squeeze3A = vector.shape_cast %slice3A : vector<1x1000x1xf32> to vector<1000x1xf32>
    %add3A = arith.constant 1.000000e+00 : f32
    %add3A_3 = vector.broadcast %add3A : f32 to vector<1000x1xf32>
    %add3A_4 = arith.addf %add3A_3, %squeeze3A : vector<1000x1xf32>
    %slice3A_5 = vector.extract_strided_slice %get3A_2 {offsets = [1, 0, 0], sizes = [1, 1000, 1], strides = [1, 1, 1]} : vector<2x1000x128xf32> to vector<1x1000x1xf32>
    %squeeze3A_6 = vector.shape_cast %slice3A_5 : vector<1x1000x1xf32> to vector<1000x1xf32>
    %add3A_7 = arith.addf %add3A_4, %squeeze3A_6 : vector<1000x1xf32>
    %gt3A = arith.constant 0.000000e+00 : f32
    %gt3A_8 = vector.broadcast %gt3A : f32 to vector<1000x1xf32>
    %gt3A_9 = arith.cmpf ogt, %add3A_7, %gt3A_8 : vector<1000x1xf32>
    %rsqrt3A = math.rsqrt %add3A_7 : vector<1000x1xf32>
    %jit3A = arith.constant 0.000000e+00 : f32
    %broadcast_in_dim3A = vector.broadcast %jit3A : f32 to vector<1000x1xf32>
    %select_n3A = arith.select %gt3A_9, %rsqrt3A, %broadcast_in_dim3A : vector<1000x1xi1>, vector<1000x1xf32>
    %get3A_10 = arith.constant 0 : index
    %get3A_11 = arith.constant 0 : index
    %get3A_12 = vector.load %arg1[%get3A_10, %get3A_11] : memref<1000x128xf32, #tpu.memory_space<vmem>>, vector<1000x128xf32>
    %get3A_13 = arith.constant 0 : index
    %get3A_14 = arith.constant 0 : index
    %get3A_15 = vector.load %arg3[%get3A_13, %get3A_14] : memref<128x128xf32, #tpu.memory_space<vmem>>, vector<128x128xf32>
    %dot_general3A = arith.constant dense<0.000000e+00> : vector<1000x128xf32>
    %dot_general3A_16 = tpu.matmul %get3A_12, %get3A_15, %dot_general3A {dimension_numbers = #tpu.dot_dimension_numbers<[1], [0], [0], [1], [0, 0, 1, 1], [], []>, transpose_lhs_hint = false} : vector<1000x128xf32>, vector<128x128xf32>, vector<1000x128xf32> -> vector<1000x128xf32>
    %get3A_17 = arith.constant 0 : index
    %get3A_18 = vector.load %arg4[%get3A_17] : memref<128xf32, #tpu.memory_space<vmem>>, vector<128xf32>
    %broadcast_in_dim3A_19 = vector.shape_cast %get3A_18 : vector<128xf32> to vector<1x128xf32>
    %add3A_20 = vector.broadcast %broadcast_in_dim3A_19 : vector<1x128xf32> to vector<1000x128xf32>
    %add3A_21 = arith.addf %dot_general3A_16, %add3A_20 : vector<1000x128xf32>
    %max3A = arith.constant 0.000000e+00 : f32
    %max3A_22 = vector.broadcast %max3A : f32 to vector<1000x128xf32>
    %max3A_23 = arith.maximumf %add3A_21, %max3A_22 : vector<1000x128xf32>
    %get3A_24 = arith.constant 0 : index
    %get3A_25 = arith.constant 0 : index
    %get3A_26 = vector.load %arg5[%get3A_24, %get3A_25] : memref<128x128xf32, #tpu.memory_space<vmem>>, vector<128x128xf32>
    %dot_general3A_27 = arith.constant dense<0.000000e+00> : vector<1000x128xf32>
    %dot_general3A_28 = tpu.matmul %max3A_23, %get3A_26, %dot_general3A_27 {dimension_numbers = #tpu.dot_dimension_numbers<[1], [0], [0], [1], [0, 0, 1, 1], [], []>, transpose_lhs_hint = false} : vector<1000x128xf32>, vector<128x128xf32>, vector<1000x128xf32> -> vector<1000x128xf32>
    %mul3A = vector.broadcast %select_n3A : vector<1000x1xf32> to vector<1000x128xf32>
    %mul3A_29 = arith.mulf %mul3A, %dot_general3A_28 : vector<1000x128xf32>
    %swap3A = arith.constant 0 : index
    %swap3A_30 = arith.constant 0 : index
    %swap3A_31 = vector.load %arg6[%swap3A, %swap3A_30] : memref<1000x128xf32, #tpu.memory_space<vmem>>, vector<1000x128xf32>
    tpu.vector_store %arg6[%swap3A, %swap3A_30], %mul3A_29 {strides = array<i32>} : memref<1000x128xf32, #tpu.memory_space<vmem>>, vector<1000x128xf32>,
    %swap3A_32 = arith.constant 0 : index
    %swap3A_33 = arith.constant 0 : index
    %swap3A_34 = vector.load %arg7[%swap3A_32, %swap3A_33] : memref<1000x1xf32, #tpu.memory_space<vmem>>, vector<1000x1xf32>
    tpu.vector_store %arg7[%swap3A_32, %swap3A_33], %select_n3A {strides = array<i32>} : memref<1000x1xf32, #tpu.memory_space<vmem>>, vector<1000x1xf32>,
    return
  }
  func.func @transform_0(%arg0: i32) -> (i32, i32) {
    %c0_i32 = arith.constant 0 : i32
    %c0_i32_0 = arith.constant 0 : i32
    return %arg0, %c0_i32 : i32, i32
  }
  func.func @transform_1(%arg0: i32) -> (i32, i32, i32) {
    %c0_i32 = arith.constant 0 : i32
    %c0_i32_0 = arith.constant 0 : i32
    %c0_i32_1 = arith.constant 0 : i32
    return %c0_i32, %arg0, %c0_i32_0 : i32, i32, i32
  }
  func.func @transform_2(%arg0: i32) -> (i32, i32) {
    %c0_i32 = arith.constant 0 : i32
    %c0_i32_0 = arith.constant 0 : i32
    %c0_i32_1 = arith.constant 0 : i32
    return %c0_i32, %c0_i32_0 : i32, i32
  }
  func.func @transform_3(%arg0: i32) -> i32 {
    %c0_i32 = arith.constant 0 : i32
    %c0_i32_0 = arith.constant 0 : i32
    return %c0_i32 : i32
  }
  func.func @transform_4(%arg0: i32) -> (i32, i32) {
    %c0_i32 = arith.constant 0 : i32
    %c0_i32_0 = arith.constant 0 : i32
    %c0_i32_1 = arith.constant 0 : i32
    return %c0_i32, %c0_i32_0 : i32, i32
  }
  func.func @transform_5(%arg0: i32) -> (i32, i32) {
    %c0_i32 = arith.constant 0 : i32
    %c0_i32_0 = arith.constant 0 : i32
    return %arg0, %c0_i32 : i32, i32
  }
  func.func @transform_6(%arg0: i32) -> (i32, i32) {
    %c0_i32 = arith.constant 0 : i32
    %c0_i32_0 = arith.constant 0 : i32
    return %arg0, %c0_i32 : i32, i32
  }
}

module attributes {stable_mosaic.version = 14 : i64} {
  func.func @_combine_body(%arg0: i32, %arg1: memref<2x1000x128xf32, #tpu.memory_space<vmem>>, %arg2: memref<1000x128xf32, #tpu.memory_space<vmem>>, %arg3: memref<1000x1xf32, #tpu.memory_space<vmem>>, %arg4: memref<128xf32, #tpu.memory_space<vmem>>, %arg5: memref<1000x128xf32, #tpu.memory_space<vmem>>, %arg6: memref<1x1x2xf32, #tpu.memory_space<vmem>>) attributes {dimension_semantics = [#tpu.dimension_semantics<arbitrary>], iteration_bounds = array<i64: 10>, scalar_prefetch = 0 : i64, scratch_operands = 0 : i64, tpu.core_type = #tpu.core_type<tc>, window_params = [{transform_indices = @transform_0, window_bounds = array<i64: 2, 1000, 128>}, {transform_indices = @transform_1, window_bounds = array<i64: 1000, 128>}, {transform_indices = @transform_2, window_bounds = array<i64: 1000, 1>}, {pipeline_mode = #tpu.pipeline_mode<synchronous>, transform_indices = @transform_3, window_bounds = array<i64: 128>}, {transform_indices = @transform_4, window_bounds = array<i64: 1000, 128>}, {transform_indices = @transform_5, window_bounds = array<i64: 1, 1, 2>}]} {
    %get3A = arith.constant 0 : index
    %get3A_0 = arith.constant 0 : index
    %get3A_1 = arith.constant 0 : index
    %get3A_2 = vector.load %arg1[%get3A, %get3A_0, %get3A_1] : memref<2x1000x128xf32, #tpu.memory_space<vmem>>, vector<1x1000x128xf32>
    %get3A_3 = vector.shape_cast %get3A_2 : vector<1x1000x128xf32> to vector<1000x128xf32>
    %get3A_4 = arith.constant 1 : index
    %get3A_5 = arith.constant 0 : index
    %get3A_6 = arith.constant 0 : index
    %get3A_7 = vector.load %arg1[%get3A_4, %get3A_5, %get3A_6] : memref<2x1000x128xf32, #tpu.memory_space<vmem>>, vector<1x1000x128xf32>
    %get3A_8 = vector.shape_cast %get3A_7 : vector<1x1000x128xf32> to vector<1000x128xf32>
    %add3A = arith.addf %get3A_3, %get3A_8 : vector<1000x128xf32>
    %get3A_9 = arith.constant 0 : index
    %get3A_10 = arith.constant 0 : index
    %get3A_11 = vector.load %arg2[%get3A_9, %get3A_10] : memref<1000x128xf32, #tpu.memory_space<vmem>>, vector<1000x128xf32>
    %add3A_12 = arith.addf %add3A, %get3A_11 : vector<1000x128xf32>
    %get3A_13 = arith.constant 0 : index
    %get3A_14 = arith.constant 0 : index
    %get3A_15 = vector.load %arg3[%get3A_13, %get3A_14] : memref<1000x1xf32, #tpu.memory_space<vmem>>, vector<1000x1xf32>
    %mul3A = vector.broadcast %get3A_15 : vector<1000x1xf32> to vector<1000x128xf32>
    %mul3A_16 = arith.mulf %mul3A, %add3A_12 : vector<1000x128xf32>
    %get3A_17 = arith.constant 0 : index
    %get3A_18 = vector.load %arg4[%get3A_17] : memref<128xf32, #tpu.memory_space<vmem>>, vector<128xf32>
    %broadcast_in_dim3A = vector.shape_cast %get3A_18 : vector<128xf32> to vector<1x128xf32>
    %add3A_19 = vector.broadcast %broadcast_in_dim3A : vector<1x128xf32> to vector<1000x128xf32>
    %add3A_20 = arith.addf %mul3A_16, %add3A_19 : vector<1000x128xf32>
    %max3A = arith.constant 0.000000e+00 : f32
    %max3A_21 = vector.broadcast %max3A : f32 to vector<1000x128xf32>
    %max3A_22 = arith.maximumf %add3A_20, %max3A_21 : vector<1000x128xf32>
    %swap3A = arith.constant 0 : index
    %swap3A_23 = arith.constant 0 : index
    %swap3A_24 = vector.load %arg5[%swap3A, %swap3A_23] : memref<1000x128xf32, #tpu.memory_space<vmem>>, vector<1000x128xf32>
    tpu.vector_store %arg5[%swap3A, %swap3A_23], %max3A_22 {strides = array<i32>} : memref<1000x128xf32, #tpu.memory_space<vmem>>, vector<1000x128xf32>,
    %reduce_sum3A = vector.shape_cast %max3A_22 : vector<1000x128xf32> to vector<1x1000x128xf32>
    %reduce_sum3A_25 = arith.constant dense<0.000000e+00> : vector<1xf32>
    %reduce_sum3A_26 = vector.multi_reduction <add>, %reduce_sum3A, %reduce_sum3A_25 [1, 2] : vector<1x1000x128xf32> to vector<1xf32>
    %reduce_sum3A_27 = vector.shape_cast %reduce_sum3A_26 : vector<1xf32> to vector<1x1x1xf32>
    %reduce_sum3A_28 = vector.extract %reduce_sum3A_27[0, 0, 0] : f32 from vector<1x1x1xf32>
    %mul3A_29 = arith.mulf %max3A_22, %max3A_22 : vector<1000x128xf32>
    %reduce_sum3A_30 = vector.shape_cast %mul3A_29 : vector<1000x128xf32> to vector<1x1000x128xf32>
    %reduce_sum3A_31 = arith.constant dense<0.000000e+00> : vector<1xf32>
    %reduce_sum3A_32 = vector.multi_reduction <add>, %reduce_sum3A_30, %reduce_sum3A_31 [1, 2] : vector<1x1000x128xf32> to vector<1xf32>
    %reduce_sum3A_33 = vector.shape_cast %reduce_sum3A_32 : vector<1xf32> to vector<1x1x1xf32>
    %reduce_sum3A_34 = vector.extract %reduce_sum3A_33[0, 0, 0] : f32 from vector<1x1x1xf32>
    %stack3A = vector.broadcast %reduce_sum3A_28 : f32 to vector<1xf32>
    %stack3A_35 = vector.broadcast %reduce_sum3A_34 : f32 to vector<1xf32>
    %stack3A_36 = tpu.concatenate %stack3A, %stack3A_35 in 0 : vector<1xf32>, vector<1xf32> -> vector<2xf32>
    %reshape3A = vector.shape_cast %stack3A_36 : vector<2xf32> to vector<1x1x2xf32>
    %swap3A_37 = arith.constant 0 : index
    %swap3A_38 = arith.constant 0 : index
    %swap3A_39 = arith.constant 0 : index
    %swap3A_40 = vector.load %arg6[%swap3A_37, %swap3A_38, %swap3A_39] : memref<1x1x2xf32, #tpu.memory_space<vmem>>, vector<1x1x2xf32>
    tpu.vector_store %arg6[%swap3A_37, %swap3A_38, %swap3A_39], %reshape3A {strides = array<i32>} : memref<1x1x2xf32, #tpu.memory_space<vmem>>, vector<1x1x2xf32>,
    return
  }
  func.func @transform_0(%arg0: i32) -> (i32, i32, i32) {
    %c0_i32 = arith.constant 0 : i32
    %c0_i32_0 = arith.constant 0 : i32
    %c0_i32_1 = arith.constant 0 : i32
    return %c0_i32, %arg0, %c0_i32_0 : i32, i32, i32
  }
  func.func @transform_1(%arg0: i32) -> (i32, i32) {
    %c0_i32 = arith.constant 0 : i32
    %c0_i32_0 = arith.constant 0 : i32
    return %arg0, %c0_i32 : i32, i32
  }
  func.func @transform_2(%arg0: i32) -> (i32, i32) {
    %c0_i32 = arith.constant 0 : i32
    %c0_i32_0 = arith.constant 0 : i32
    return %arg0, %c0_i32 : i32, i32
  }
  func.func @transform_3(%arg0: i32) -> i32 {
    %c0_i32 = arith.constant 0 : i32
    %c0_i32_0 = arith.constant 0 : i32
    return %c0_i32 : i32
  }
  func.func @transform_4(%arg0: i32) -> (i32, i32) {
    %c0_i32 = arith.constant 0 : i32
    %c0_i32_0 = arith.constant 0 : i32
    return %arg0, %c0_i32 : i32, i32
  }
  func.func @transform_5(%arg0: i32) -> (i32, i32, i32) {
    %c0_i32 = arith.constant 0 : i32
    %c0_i32_0 = arith.constant 0 : i32
    %c0_i32_1 = arith.constant 0 : i32
    return %arg0, %c0_i32, %c0_i32_0 : i32, i32, i32
  }
}

module attributes {stable_mosaic.version = 14 : i64} {
  func.func @_next_body(%arg0: i32, %arg1: memref<1000x128xf32, #tpu.memory_space<vmem>>, %arg2: memref<10x1x2xf32, #tpu.memory_space<vmem>>, %arg3: memref<1000x1xf32, #tpu.memory_space<vmem>>, %arg4: memref<128x128xf32, #tpu.memory_space<vmem>>, %arg5: memref<1000x128xf32, #tpu.memory_space<vmem>>) attributes {dimension_semantics = [#tpu.dimension_semantics<arbitrary>], iteration_bounds = array<i64: 10>, scalar_prefetch = 0 : i64, scratch_operands = 0 : i64, tpu.core_type = #tpu.core_type<tc>, window_params = [{transform_indices = @transform_0, window_bounds = array<i64: 1000, 128>}, {pipeline_mode = #tpu.pipeline_mode<synchronous>, transform_indices = @transform_1, window_bounds = array<i64: 10, 1, 2>}, {transform_indices = @transform_2, window_bounds = array<i64: 1000, 1>}, {pipeline_mode = #tpu.pipeline_mode<synchronous>, transform_indices = @transform_3, window_bounds = array<i64: 128, 128>}, {transform_indices = @transform_4, window_bounds = array<i64: 1000, 128>}]} {
    %get3A = arith.constant 0 : index
    %get3A_0 = arith.constant 0 : index
    %get3A_1 = arith.constant 0 : index
    %get3A_2 = vector.load %arg2[%get3A, %get3A_0, %get3A_1] : memref<10x1x2xf32, #tpu.memory_space<vmem>>, vector<10x1x2xf32>
    %reduce_sum3A = arith.constant dense<0.000000e+00> : vector<2xf32>
    %reduce_sum3A_3 = vector.multi_reduction <add>, %get3A_2, %reduce_sum3A [0, 1] : vector<10x1x2xf32> to vector<2xf32>
    %slice3A = vector.extract_strided_slice %reduce_sum3A_3 {offsets = [0], sizes = [1], strides = [1]} : vector<2xf32> to vector<1xf32>
    %squeeze3A = vector.extract %slice3A[0] : f32 from vector<1xf32>
    %div3A = arith.constant 1.280000e+06 : f32
    %div3A_4 = arith.divf %squeeze3A, %div3A : f32
    %slice3A_5 = vector.extract_strided_slice %reduce_sum3A_3 {offsets = [1], sizes = [1], strides = [1]} : vector<2xf32> to vector<1xf32>
    %squeeze3A_6 = vector.extract %slice3A_5[0] : f32 from vector<1xf32>
    %div3A_7 = arith.constant 1.280000e+06 : f32
    %div3A_8 = arith.divf %squeeze3A_6, %div3A_7 : f32
    %mul3A = arith.mulf %div3A_4, %div3A_4 : f32
    %sub3A = arith.subf %div3A_8, %mul3A : f32
    %add3A = arith.constant 9.99999974E-6 : f32
    %add3A_9 = arith.addf %sub3A, %add3A : f32
    %rsqrt3A = math.rsqrt %add3A_9 : f32
    %get3A_10 = arith.constant 0 : index
    %get3A_11 = arith.constant 0 : index
    %get3A_12 = vector.load %arg1[%get3A_10, %get3A_11] : memref<1000x128xf32, #tpu.memory_space<vmem>>, vector<1000x128xf32>
    %sub3A_13 = vector.broadcast %div3A_4 : f32 to vector<1000x128xf32>
    %sub3A_14 = arith.subf %get3A_12, %sub3A_13 : vector<1000x128xf32>
    %mul3A_15 = vector.broadcast %rsqrt3A : f32 to vector<1000x128xf32>
    %mul3A_16 = arith.mulf %sub3A_14, %mul3A_15 : vector<1000x128xf32>
    %get3A_17 = arith.constant 0 : index
    %get3A_18 = arith.constant 0 : index
    %get3A_19 = vector.load %arg3[%get3A_17, %get3A_18] : memref<1000x1xf32, #tpu.memory_space<vmem>>, vector<1000x1xf32>
    %get3A_20 = arith.constant 0 : index
    %get3A_21 = arith.constant 0 : index
    %get3A_22 = vector.load %arg4[%get3A_20, %get3A_21] : memref<128x128xf32, #tpu.memory_space<vmem>>, vector<128x128xf32>
    %dot_general3A = arith.constant dense<0.000000e+00> : vector<1000x128xf32>
    %dot_general3A_23 = tpu.matmul %mul3A_16, %get3A_22, %dot_general3A {dimension_numbers = #tpu.dot_dimension_numbers<[1], [0], [0], [1], [0, 0, 1, 1], [], []>, transpose_lhs_hint = false} : vector<1000x128xf32>, vector<128x128xf32>, vector<1000x128xf32> -> vector<1000x128xf32>
    %mul3A_24 = vector.broadcast %get3A_19 : vector<1000x1xf32> to vector<1000x128xf32>
    %mul3A_25 = arith.mulf %mul3A_24, %dot_general3A_23 : vector<1000x128xf32>
    %swap3A = arith.constant 0 : index
    %swap3A_26 = arith.constant 0 : index
    %swap3A_27 = vector.load %arg5[%swap3A, %swap3A_26] : memref<1000x128xf32, #tpu.memory_space<vmem>>, vector<1000x128xf32>
    tpu.vector_store %arg5[%swap3A, %swap3A_26], %mul3A_25 {strides = array<i32>} : memref<1000x128xf32, #tpu.memory_space<vmem>>, vector<1000x128xf32>,
    return
  }
  func.func @transform_0(%arg0: i32) -> (i32, i32) {
    %c0_i32 = arith.constant 0 : i32
    %c0_i32_0 = arith.constant 0 : i32
    return %arg0, %c0_i32 : i32, i32
  }
  func.func @transform_1(%arg0: i32) -> (i32, i32, i32) {
    %c0_i32 = arith.constant 0 : i32
    %c0_i32_0 = arith.constant 0 : i32
    %c0_i32_1 = arith.constant 0 : i32
    %c0_i32_2 = arith.constant 0 : i32
    return %c0_i32, %c0_i32_0, %c0_i32_1 : i32, i32, i32
  }
  func.func @transform_2(%arg0: i32) -> (i32, i32) {
    %c0_i32 = arith.constant 0 : i32
    %c0_i32_0 = arith.constant 0 : i32
    return %arg0, %c0_i32 : i32, i32
  }
  func.func @transform_3(%arg0: i32) -> (i32, i32) {
    %c0_i32 = arith.constant 0 : i32
    %c0_i32_0 = arith.constant 0 : i32
    %c0_i32_1 = arith.constant 0 : i32
    return %c0_i32, %c0_i32_0 : i32, i32
  }
  func.func @transform_4(%arg0: i32) -> (i32, i32) {
    %c0_i32 = arith.constant 0 : i32
    %c0_i32_0 = arith.constant 0 : i32
    return %arg0, %c0_i32 : i32, i32
  }
}

module attributes {stable_mosaic.version = 14 : i64} {
  func.func @_head_body(%arg0: memref<10000x128xf32, #tpu.memory_space<vmem>>, %arg1: memref<10x1x2xf32, #tpu.memory_space<vmem>>, %arg2: memref<10x1000xi32, #tpu.memory_space<vmem>>, %arg3: memref<128x128xf32, #tpu.memory_space<vmem>>, %arg4: memref<128xf32, #tpu.memory_space<vmem>>, %arg5: memref<128x10xf32, #tpu.memory_space<vmem>>, %arg6: memref<10xf32, #tpu.memory_space<vmem>>, %arg7: memref<64x10xf32, #tpu.memory_space<vmem>>) attributes {dimension_semantics = [], scalar_prefetch = 0 : i64, scratch_operands = 0 : i64, tpu.core_type = #tpu.core_type<tc>} {
    %get3A = arith.constant 0 : index
    %get3A_0 = arith.constant 0 : index
    %get3A_1 = arith.constant 0 : index
    %get3A_2 = vector.load %arg1[%get3A, %get3A_0, %get3A_1] : memref<10x1x2xf32, #tpu.memory_space<vmem>>, vector<10x1x2xf32>
    %reduce_sum3A = arith.constant dense<0.000000e+00> : vector<2xf32>
    %reduce_sum3A_3 = vector.multi_reduction <add>, %get3A_2, %reduce_sum3A [0, 1] : vector<10x1x2xf32> to vector<2xf32>
    %slice3A = vector.extract_strided_slice %reduce_sum3A_3 {offsets = [0], sizes = [1], strides = [1]} : vector<2xf32> to vector<1xf32>
    %squeeze3A = vector.extract %slice3A[0] : f32 from vector<1xf32>
    %div3A = arith.constant 1.280000e+06 : f32
    %div3A_4 = arith.divf %squeeze3A, %div3A : f32
    %slice3A_5 = vector.extract_strided_slice %reduce_sum3A_3 {offsets = [1], sizes = [1], strides = [1]} : vector<2xf32> to vector<1xf32>
    %squeeze3A_6 = vector.extract %slice3A_5[0] : f32 from vector<1xf32>
    %div3A_7 = arith.constant 1.280000e+06 : f32
    %div3A_8 = arith.divf %squeeze3A_6, %div3A_7 : f32
    %mul3A = arith.mulf %div3A_4, %div3A_4 : f32
    %sub3A = arith.subf %div3A_8, %mul3A : f32
    %add3A = arith.constant 9.99999974E-6 : f32
    %add3A_9 = arith.addf %sub3A, %add3A : f32
    %rsqrt3A = math.rsqrt %add3A_9 : f32
    %broadcast_in_dim3A = arith.constant 0.000000e+00 : f32
    %broadcast_in_dim3A_10 = vector.broadcast %broadcast_in_dim3A : f32 to vector<64x128xf32>
    %broadcast_in_dim3A_11 = arith.constant 0.000000e+00 : f32
    %broadcast_in_dim3A_12 = vector.broadcast %broadcast_in_dim3A_11 : f32 to vector<64x1xf32>
    %scan3A = arith.constant 0 : i32
    %scan3A_13 = arith.constant 10 : i32
    %scan3A_14 = arith.addi %scan3A, %scan3A_13 : i32
    %scan3A_15 = arith.constant 1 : i32
    %scan3A_16:2 = scf.for %scan3A_56 = %scan3A to %scan3A_14 step %scan3A_15 iter_args(%scan3A_57 = %broadcast_in_dim3A_10, %scan3A_58 = %broadcast_in_dim3A_12) -> (vector<64x128xf32>, vector<64x1xf32>)  : i32 {
      %mul3A_59 = arith.constant 1000 : i32
      %mul3A_60 = arith.muli %scan3A_56, %mul3A_59 : i32
      %get3A_61 = arith.index_cast %mul3A_60 : i32 to index
      %get3A_62 = arith.constant 0 : index
      %get3A_63 = vector.load %arg0[%get3A_61, %get3A_62] : memref<10000x128xf32, #tpu.memory_space<vmem>>, vector<1000x128xf32>
      %sub3A_64 = vector.broadcast %div3A_4 : f32 to vector<1000x128xf32>
      %sub3A_65 = arith.subf %get3A_63, %sub3A_64 : vector<1000x128xf32>
      %mul3A_66 = vector.broadcast %rsqrt3A : f32 to vector<1000x128xf32>
      %mul3A_67 = arith.mulf %sub3A_65, %mul3A_66 : vector<1000x128xf32>
      %get3A_68 = arith.index_cast %scan3A_56 : i32 to index
      %get3A_69 = arith.constant 0 : index
      %get3A_70 = vector.load %arg2[%get3A_68, %get3A_69] : memref<10x1000xi32, #tpu.memory_space<vmem>>, vector<1x1000xi32>
      %get3A_71 = vector.shape_cast %get3A_70 : vector<1x1000xi32> to vector<1000xi32>
      %iota3A = tpu.iota {dimensions = array<i32: 0>} : vector<64x1000xi32>
      %broadcast_in_dim3A_72 = vector.shape_cast %get3A_71 : vector<1000xi32> to vector<1x1000xi32>
      %eq3A = vector.broadcast %broadcast_in_dim3A_72 : vector<1x1000xi32> to vector<64x1000xi32>
      %eq3A_73 = arith.cmpi eq, %eq3A, %iota3A : vector<64x1000xi32>
      %convert_element_type3A = arith.extui %eq3A_73 : vector<64x1000xi1> to vector<64x1000xi32>
      %convert_element_type3A_74 = arith.sitofp %convert_element_type3A : vector<64x1000xi32> to vector<64x1000xf32>
      %dot_general3A_75 = arith.constant dense<0.000000e+00> : vector<64x128xf32>
      %dot_general3A_76 = tpu.matmul %convert_element_type3A_74, %mul3A_67, %dot_general3A_75 {dimension_numbers = #tpu.dot_dimension_numbers<[1], [0], [0], [1], [0, 0, 1, 1], [], []>, transpose_lhs_hint = false} : vector<64x1000xf32>, vector<1000x128xf32>, vector<64x128xf32> -> vector<64x128xf32>
      %add3A_77 = arith.addf %scan3A_57, %dot_general3A_76 : vector<64x128xf32>
      %reduce_sum3A_78 = arith.constant dense<0.000000e+00> : vector<64xf32>
      %reduce_sum3A_79 = vector.multi_reduction <add>, %convert_element_type3A_74, %reduce_sum3A_78 [1] : vector<64x1000xf32> to vector<64xf32>
      %broadcast_in_dim3A_80 = vector.shape_cast %reduce_sum3A_79 : vector<64xf32> to vector<64x1xf32>
      %add3A_81 = arith.addf %scan3A_58, %broadcast_in_dim3A_80 : vector<64x1xf32>
      scf.yield %add3A_77, %add3A_81 : vector<64x128xf32>, vector<64x1xf32>
    }
    %scan3A_17 = arith.constant 10 : i32
    %max3A = arith.constant 1.000000e+00 : f32
    %max3A_18 = vector.broadcast %max3A : f32 to vector<64x1xf32>
    %max3A_19 = arith.maximumf %scan3A_16#1, %max3A_18 : vector<64x1xf32>
    %div3A_20 = vector.broadcast %max3A_19 : vector<64x1xf32> to vector<64x128xf32>
    %div3A_21 = arith.divf %scan3A_16#0, %div3A_20 : vector<64x128xf32>
    %get3A_22 = arith.constant 0 : index
    %get3A_23 = arith.constant 0 : index
    %get3A_24 = vector.load %arg3[%get3A_22, %get3A_23] : memref<128x128xf32, #tpu.memory_space<vmem>>, vector<128x128xf32>
    %dot_general3A = arith.constant dense<0.000000e+00> : vector<64x128xf32>
    %dot_general3A_25 = tpu.matmul %div3A_21, %get3A_24, %dot_general3A {dimension_numbers = #tpu.dot_dimension_numbers<[1], [0], [0], [1], [0, 0, 1, 1], [], []>, transpose_lhs_hint = false} : vector<64x128xf32>, vector<128x128xf32>, vector<64x128xf32> -> vector<64x128xf32>
    %get3A_26 = arith.constant 0 : index
    %get3A_27 = vector.load %arg4[%get3A_26] : memref<128xf32, #tpu.memory_space<vmem>>, vector<128xf32>
    %broadcast_in_dim3A_28 = vector.shape_cast %get3A_27 : vector<128xf32> to vector<1x128xf32>
    %add3A_29 = vector.broadcast %broadcast_in_dim3A_28 : vector<1x128xf32> to vector<64x128xf32>
    %add3A_30 = arith.addf %dot_general3A_25, %add3A_29 : vector<64x128xf32>
    %max3A_31 = arith.constant 0.000000e+00 : f32
    %max3A_32 = vector.broadcast %max3A_31 : f32 to vector<64x128xf32>
    %max3A_33 = arith.maximumf %add3A_30, %max3A_32 : vector<64x128xf32>
    %get3A_34 = arith.constant 0 : index
    %get3A_35 = arith.constant 0 : index
    %get3A_36 = vector.load %arg5[%get3A_34, %get3A_35] : memref<128x10xf32, #tpu.memory_space<vmem>>, vector<128x10xf32>
    %dot_general3A_37 = arith.constant dense<0.000000e+00> : vector<64x10xf32>
    %dot_general3A_38 = tpu.matmul %max3A_33, %get3A_36, %dot_general3A_37 {dimension_numbers = #tpu.dot_dimension_numbers<[1], [0], [0], [1], [0, 0, 1, 1], [], []>, transpose_lhs_hint = false} : vector<64x128xf32>, vector<128x10xf32>, vector<64x10xf32> -> vector<64x10xf32>
    %get3A_39 = arith.constant 0 : index
    %get3A_40 = vector.load %arg6[%get3A_39] : memref<10xf32, #tpu.memory_space<vmem>>, vector<10xf32>
    %broadcast_in_dim3A_41 = vector.shape_cast %get3A_40 : vector<10xf32> to vector<1x10xf32>
    %add3A_42 = vector.broadcast %broadcast_in_dim3A_41 : vector<1x10xf32> to vector<64x10xf32>
    %add3A_43 = arith.addf %dot_general3A_38, %add3A_42 : vector<64x10xf32>
    %reduce_max3A = arith.constant dense<0xFF800000> : vector<64xf32>
    %reduce_max3A_44 = vector.multi_reduction <maximumf>, %add3A_43, %reduce_max3A [1] : vector<64x10xf32> to vector<64xf32>
    %broadcast_in_dim3A_45 = vector.shape_cast %reduce_max3A_44 : vector<64xf32> to vector<64x1xf32>
    %sub3A_46 = vector.broadcast %broadcast_in_dim3A_45 : vector<64x1xf32> to vector<64x10xf32>
    %sub3A_47 = arith.subf %add3A_43, %sub3A_46 : vector<64x10xf32>
    %exp3A = math.exp %sub3A_47 : vector<64x10xf32>
    %reduce_sum3A_48 = arith.constant dense<0.000000e+00> : vector<64xf32>
    %reduce_sum3A_49 = vector.multi_reduction <add>, %exp3A, %reduce_sum3A_48 [1] : vector<64x10xf32> to vector<64xf32>
    %broadcast_in_dim3A_50 = vector.shape_cast %reduce_sum3A_49 : vector<64xf32> to vector<64x1xf32>
    %log3A = math.log %broadcast_in_dim3A_50 : vector<64x1xf32>
    %add3A_51 = arith.addf %log3A, %broadcast_in_dim3A_45 : vector<64x1xf32>
    %sub3A_52 = vector.broadcast %add3A_51 : vector<64x1xf32> to vector<64x10xf32>
    %sub3A_53 = arith.subf %add3A_43, %sub3A_52 : vector<64x10xf32>
    %swap3A = arith.constant 0 : index
    %swap3A_54 = arith.constant 0 : index
    %swap3A_55 = vector.load %arg7[%swap3A, %swap3A_54] : memref<64x10xf32, #tpu.memory_space<vmem>>, vector<64x10xf32>
    tpu.vector_store %arg7[%swap3A, %swap3A_54], %sub3A_53 {strides = array<i32>} : memref<64x10xf32, #tpu.memory_space<vmem>>, vector<64x10xf32>,
    return
  }
}

</mosaic_0001>

<sc_bundles>
// kernel: kernel.13.cloned.1.call-start
scs
__scs_entry_jumppad:
0x0: {  	(pc) =	sbr.rel $0x88, $3  }
0x1: {  	(tag) =	ssettag $0x0;
	lr =	simm.s32 $0x1  }
0x2: {  	[smem:$0x3F92] =	sst lr;
	_ =	strace $0xD0000000  }
0x3: {  	_ = 	snop  }
0x4: {  	_ = 	snop  }
0x5: {  	_ = 	snop  }
0x6: {  	_ = 	snop  }
0x7: {  	_ = 	snop  }
__scs_overlays_trampoline_lowered:
0x8: {  	[smem:$0x3FA1] =	sst s0  }
0x9: {  	[smem:$0x3FA2] =	sst s1  }
0xa: {  	[smem:$0x3FA3] =	sst s2  }
0xb: {  	[smem:$0x3FA4] =	sst s3  }
0xc: {  	[smem:$0x3FA5] =	sst s4  }
0xd: {  	[smem:$0x3FA6] =	sst s5  }
0xe: {  	[smem:$0x3FA7] =	sst s6  }
0xf: {  	[smem:$0x3FA8] =	sst s7  }
0x10: {  	[smem:$0x3FA9] =	sst s8  }
0x11: {  	[smem:$0x3FAA] =	sst s9;
	s0 =	simm.s32 @!p0 $0x0  }
0x12: {  	s1 =	sld [smem:$0x3F90];
	s0 =	simm.s32 @p0 $0x1  }
0x13: {  	[smem:$0x3FAB] =	sst s0;
	s0 =	simm.s32 @!p1 $0x0  }
0x14: {  	s2 =	sld [smem:$0x3F8F];
	s0 =	simm.s32 @p1 $0x1  }
0x15: {  	[smem:$0x3FAC] =	sst s0;
	s0 =	simm.s32 @!p2 $0x0  }
0x16: {  	s3 =	sld [smem:$0x3FDB];
	s0 =	simm.s32 @p2 $0x1  }
0x17: {  	s4 =	simm.s32 $0x1BF5;
	[smem:$0x3FAE] =	sst s0  }
0x18: {  	s0 =	sld [smem:$0x3F91];
	_ =	swait.ge [sflag:s4], $0x0  }
0x19: {  	s7 =	sld [smem:$0x3F92]  }
0x1a: {  	s8 =	sadd.s32 $0xFFFFE003, lr  }
0x1b: {  	s9 =	sadd.s32 $0xFFFFFEF7, lr;
	s5 =	simm.s32 $0xFFFFFFFF;
	p2 =	slt.u32 s8, $0xFFFFF086  }
0x1c: {  	p1 =	slt.u32 s9, $0xF7A;
	s5 =	simm.s32 @!p2 $0x0  }
0x1d: {  	s5 =	simm.s32 @p1 $0x1;
	p0 =	seq.s32 s7, s2  }
0x1e: {  	s7 =	smul.u32 @!p0 $0xF7A, s2;
	p2 =	seq.s32 @!p0 s5, $0x0  }
0x1f: {  	s9 =	smul.u32 $0xF7A, s1;
	s8 =	simm.s32 @!p0 $0x1BF5;
	p2 =	por !p2, p0  }
0x20: {  	[sflag:s8] =	ssyncset.s32 @!p0 $0xFFFFF086;
	s6 =	sadd.s32 @!p0 s3, s7;
	s7 =	simm.s32 @!p0 $0x108  }
0x21: {  	s3 =	sadd.s32 s3, s9;
	s6 =	sadd.s32 @!p0 $0x88, s6;
	s7 =	simm.s32 @p2 $0x1082  }
0x22: {  	[simem:s7], [sflag:s8] =	dma.local @!p0 [hbm:s6], $0xF7A  }
0x23: {  	s9 =	sor.u32 $0xD0000000, s2;
	s6 =	simm.s32 $0x108;
	_ =	swait.ge @!p0 [sflag:s8], $0x0  }
0x24: {  	s3 =	sadd.s32 $0x88, s3;
	s6 =	simm.s32 @!p1 $0x1082;
	[sflag:s4] =	ssyncset.s32 $0xFFFFF086  }
0x25: {  	[simem:s6], [sflag:s4] =	dma.local [hbm:s3], $0xF7A  }
0x26: {  	[smem:$0x3F92] =	sst s1;
	(tag) =	ssettag s2;
	_ =	strace s9  }
0x27: {  	s1 =	sld [smem:$0x3FA2]  }
0x28: {  	s2 =	sld [smem:$0x3FA3]  }
0x29: {  	s4 =	sld [smem:$0x3FA5]  }
0x2a: {  	p0 =	seq.s32 s5, $0x0;
	s5 =	sld [smem:$0x3FA6]  }
0x2b: {  	s6 =	sld [smem:$0x3FA7]  }
0x2c: {  	s7 =	sld [smem:$0x3FA8]  }
0x2d: {  	s3 =	simm.s32 $0x108;
	s8 =	sld [smem:$0x3FA9]  }
0x2e: {  	s3 =	simm.s32 @!p0 $0x1082;
	s9 =	sld [smem:$0x3FAA]  }
0x2f: {  	lr =	sadd.s32 s0, s3;
	s0 =	sld [smem:$0x3FA1]  }
0x30: {  	s3 =	sld [smem:$0x3FA4]  }
0x31: {  	[smem:$0x3FAD] =	sst s10  }
0x32: {  	s10 =	sld [smem:$0x3FAB];
	_ =	sdelay $0x3  }
0x33: {  	p0 =	seq.s32 s10, $0x1;
	s10 =	sld [smem:$0x3FAD];
	_ =	sdelay $0x3  }
0x34: {  	[smem:$0x3FAD] =	sst s10  }
0x35: {  	s10 =	sld [smem:$0x3FAC];
	_ =	sdelay $0x3  }
0x36: {  	p1 =	seq.s32 s10, $0x1;
	s10 =	sld [smem:$0x3FAD];
	_ =	sdelay $0x3  }
0x37: {  	[smem:$0x3FAD] =	sst s10  }
0x38: {  	s10 =	sld [smem:$0x3FAE]  }
0x39: {  	_ = 	snop;
	(pc) =	sbr.ind lr, $3  }
0x3a: {  	_ = 	snop  }
0x3b: {  	_ = 	snop  }
0x3c: {  	p2 =	seq.s32 s10, $0x1;
	s10 =	sld [smem:$0x3FAD]  }
0x3d: {  	_ =	shalt  }
0x3e: {  	_ =	shalt  }
0x3f: {  	_ =	shalt  }
0x40: {  	_ =	shalt  }
0x41: {  	_ =	shalt  }
0x42: {  	_ =	shalt  }
0x43: {  	_ =	shalt  }
0x44: {  	_ =	shalt  }
0x45: {  	_ =	shalt  }
0x46: {  	_ =	shalt  }
0x47: {  	_ =	shalt  }
0x48: {  	_ =	shalt  }
0x49: {  	_ =	shalt  }
0x4a: {  	_ =	shalt  }
0x4b: {  	_ =	shalt  }
0x4c: {  	_ =	shalt  }
0x4d: {  	_ =	shalt  }
0x4e: {  	_ =	shalt  }
0x4f: {  	_ =	shalt  }
0x50: {  	_ =	shalt  }
0x51: {  	_ =	shalt  }
0x52: {  	_ =	shalt  }
0x53: {  	_ =	shalt  }
0x54: {  	_ =	shalt  }
0x55: {  	_ =	shalt  }
0x56: {  	_ =	shalt  }
0x57: {  	_ =	shalt  }
0x58: {  	_ =	shalt  }
0x59: {  	_ =	shalt  }
0x5a: {  	_ =	shalt  }
0x5b: {  	_ =	shalt  }
0x5c: {  	_ =	shalt  }
0x5d: {  	_ =	shalt  }
0x5e: {  	_ =	shalt  }
0x5f: {  	_ =	shalt  }
0x60: {  	_ =	shalt  }
0x61: {  	_ =	shalt  }
0x62: {  	_ =	shalt  }
0x63: {  	_ =	shalt  }
0x64: {  	_ =	shalt  }
0x65: {  	_ =	shalt  }
0x66: {  	_ =	shalt  }
0x67: {  	_ =	shalt  }
0x68: {  	_ =	shalt  }
0x69: {  	_ =	shalt  }
0x6a: {  	_ =	shalt  }
0x6b: {  	_ =	shalt  }
0x6c: {  	_ =	shalt  }
0x6d: {  	_ =	shalt  }
0x6e: {  	_ =	shalt  }
0x6f: {  	_ =	shalt  }
0x70: {  	_ =	shalt  }
0x71: {  	_ =	shalt  }
0x72: {  	_ =	shalt  }
0x73: {  	_ =	shalt  }
0x74: {  	_ =	shalt  }
0x75: {  	_ =	shalt  }
0x76: {  	_ =	shalt  }
0x77: {  	_ =	shalt  }
0x78: {  	_ =	shalt  }
0x79: {  	_ =	shalt  }
0x7a: {  	_ =	shalt  }
0x7b: {  	_ =	shalt  }
0x7c: {  	_ =	shalt  }
0x7d: {  	_ =	shalt  }
0x7e: {  	_ =	shalt  }
0x7f: {  	_ =	shalt  }
0x80: {  	_ =	shalt  }
0x81: {  	_ =	shalt  }
0x82: {  	_ =	shalt  }
0x83: {  	_ =	shalt  }
0x84: {  	_ =	shalt  }
0x85: {  	_ =	shalt  }
0x86: {  	_ =	shalt  }
0x87: {  	_ =	shalt  }
.Lfunc_end0:
.L_simem_size_0:
called_computation_lowered:
.L_overlay_start_0:
0x88: {  	s2 =	sld [smem:$0x3FD9]  }
0x89: {  	s3 =	sld [smem:$0x3FFE];
	_ =	sdelay $0x1  }
0x8a: {  	s1 =	srdreg.scid  }
0x8b: {  	s0 =	sand.u32 $0x1, s1  }
0x8c: {  	s16 =	sshll.u32 s0, $0xA;
	s2 =	sadd.s32 s3, s2  }
0x8d: {  	s2 =	sadd.s32 s2, s16  }
0x8e: {  	[smem:$0x3FB9] =	sst s2  }
0x8f: {  	_ = 	snop  }
0x90: {  	(tm) =	ssettm $0x1  }
0x91: {  	s17 =	sld [smem:$0x3FFB];
	_ =	sdelay $0x3  }
0x92: {  	_ =	strace s17  }
0x93: {  	s2 =	sld [smem:$0x3FFC];
	_ =	sdelay $0x3  }
0x94: {  	_ =	strace s2  }
0x95: {  	s2 =	sld [smem:$0x3FFD];
	_ =	sdelay $0x3  }
0x96: {  	_ =	strace s2  }
0x97: {  	_ =	strace $0x8FFFFFFF  }
0x98: {  	s18 =	sld [smem:$0x3FDB];
	_ =	sdelay $0x1  }
0x99: {  	s19 =	simm.s32 $_scs_section_size  }
0x9a: {  	s4 =	simm.s32 $_size__tile_overlayer_lowered;
	s5 =	simm.s32 $_tile_overlayer_lowered  }
0x9b: {  	s22 =	simm.s32 $0x1BFF;
	s21 =	sshll.u32 s5, $0x1;
	s2 =	sadd.s32 s19, s18  }
0x9c: {  	s6 =	simm.s32 $0x0;
	s20 =	sshll.u32 s4, $0x1;
	s4 =	sadd.s32 s21, s2  }
0x9d: {  	[timem:s6], [sflag:s22] =	dma.local [hbm:s4], s20  }
0x9e: {  	_ =	swait.ge [sflag:s22], s20  }
0x9f: {  	s3 =	ssub.s32 $0x0, s20;
	[sflag:s22] =	ssyncset.done $0x0  }
0xa0: {  	[sflag:s22] =	ssyncadd.s32 s3;
	_ =	sdelay $0x1  }
0xa1: {  	s23 =	simm.s32 $0x1B8B  }
0xa2: {  	_ =	swait.ge [sflag:s23], $0x1  }
0xa3: {  	[sflag:s23] =	ssyncset.done $0x0  }
0xa4: {  	s25 =	simm.s32 $0x1B8E;
	s24 =	sld [smem:$0x3FFE];
	[sflag:s23] =	ssyncadd.s32 $0xFFFFFFFF  }
0xa5: {  	s26 =	simm.s32 $execute0_lowered;
	[smem:$0x3FD2] =	sst s25  }
0xa6: {  	s4 =	sshll.u32 s26, $0x1;
	_ =	strace $0x80000046;
	[dreg:$0x1] =	wrdreg $0xFFFFFFFF  }
0xa7: {  	s28 =	simm.s32 $_size_execute0_lowered;
	s2 =	sadd.s32 s2, s4;
	[dreg:$0x0] =	wrdreg $0x0  }
0xa8: {  	s4 =	sshll.u32 s28, $0x1;
	[dreg:$0x2] =	wrdreg s2  }
0xa9: {  	[dreg:$0x3] =	wrdreg s4  }
0xaa: {  	[dreg:$0x4] =	wrdreg $0xC0  }
0xab: {  	_ =	task [dreg:s6], $0x5FFFF  }
0xac: {  	[dreg:$0x1] =	wrdreg $0xFFFFFFFF  }
0xad: {  	[dreg:$0x0] =	wrdreg $0x60  }
0xae: {  	[dreg:$0x2] =	wrdreg s24  }
0xaf: {  	[dreg:$0x3] =	wrdreg $0x68000  }
0xb0: {  	[dreg:$0x4] =	wrdreg $0x9  }
0xb1: {  	_ =	task.clear_ibuf [dreg:s6], $0x5FFFF;
	_ =	strace $0x90000046  }
0xb2: {  	s29 =	simm.s32 $0x9;
	_ =	strace $0x80000048  }
0xb3: {  	_ =	swait.ge [sflag:s29], $0x1  }
0xb4: {  	[sflag:s29] =	ssyncadd.s32 $0xFFFFFFFF  }
0xb5: {  	_ =	strace $0x90000048  }
0xb6: {  	_ =	sfence  }
0xb7: {  	s30 =	sld [smem:$0x0];
	_ =	sdelay $0x2  }
0xb8: {  	s31 =	sshll.u32 s1, $0xD;
	s1 =	sshrl.u32 s1, $0x2  }
0xb9: {  	s3 =	sand.u32 $0x4000, s31;
	s1 =	sadd.s32 s1, s30  }
0xba: {  	s0 =	sor.u32 s3, s0;
	s1 =	sshll.u32 s1, $0x11  }
0xbb: {  	s0 =	sor.u32 s1, s0  }
0xbc: {  	s0 =	sadd.s32 $0x8F2B, s0  }
0xbd: {  	[sflag:s0] =	ssyncadd.remote.s32 $0x1  }
0xbe: {  	_ =	sfence.sel $0xFFFF  }
0xbf: {  	[dreg:$0x0] =	wrdreg $0xFFFFFFFF;
	(pc) =	sbr.abs _section_cstart, $3  }
0xc0: {  	[dreg:$0x1] =	wrdreg $0xFFFFFFFF  }
0xc1: {  	_ =	task.clear_ibuf [dreg:s6], $0x2FFFF;
	_ =	strace $0x9FFFFFFF  }
0xc2: {  	(tm) =	ssettm $0x7FFFFFFF  }
0xc3: {  	_ =	shalt  }
tec
execute0_lowered:
.L_overlay_start_1:
0x0: {  	(tag) =	ssettag $0x1  }
0x1: {  	s0 =	srdreg.scid;
	s6 =	rddreg [dreg:$0x0]  }
0x2: {  	s2 =	rddreg [dreg:$0x1];
	s1 =	stileid.u32  }
0x3: {  	s3 =	simm.s32 $0x0;
	s15 =	simm.s32 $0x7D;
	s16 =	simm.s32 $0x1  }
0x4: {  	s17 =	simm.s32 $0x0;
	s7 =	sand.u32 $0x1, s0;
	s0 =	rddreg [dreg:$0x2]  }
0x5: {  	[smem:$0x7FF] =	sst s3;
	s8 =	smul.u32 $0x4E000, s1;
	s5 =	sadd.s32 $0xDE00, s6  }
0x6: {  	s12 =	smul.u32 $0x2700, s1;
	s13 =	sadd.s32 $0x10E00, s6;
	p0 =	seq.s32 s1, $0xF  }
0x7: {  	s4 =	sshll.u32 s7, $0x4;
	_ =	strace $0x80000047;
	s10 =	smul.u32 $0x27100, s7  }
0x8: {  	s11 =	ssub.s32 $0x2, s7;
	s7 =	smul.u32 $0x138800, s7;
	s4 =	sor.u32 s1, s4  }
0x9: {  	s28 =	sshrl.u32 s11, $0x1;
	s8 =	sshrl.u32 s8, $0x2;
	s4 =	smul.u32 $0x500, s4  }
0xa: {  	s11 =	ssub.s32 s11, s28;
	s14 =	sadd.s32 s8, s2;
	s29 =	sadd.s32 s12, s10  }
0xb: {  	s30 =	sshrl.u32 s7, $0x3;
	s12 =	sadd.s32 $0x124800, s2;
	s10 =	simm.s32 $0x2  }
0xc: {  	s7 =	sadd.s32 s13, s29;
	s31 =	sadd.s32 s13, s30;
	s13 =	sshll.u32 @!p0 s1, $0x6  }
0xd: {  	s12 =	sshrl.u32 @p0 s12, $0x3;
	s14 =	sshrl.u32 @!p0 s14, $0x3;
	s9 =	sadd.s32 s4, s6  }
0xe: {  	s4 =	sadd.s32 $0x10600, s6;
	s8 =	sadd.s32 $0x24900, s31;
	s13 =	sor.u32 @!p0 $0x1C02, s13  }
0xf: {  	s6 =	sadd.s32 $0x3E00, s9;
	s9 =	smax.u32 s11, $0x1;
	s11 =	simm.s32 $0x2800  }
.LBB2_1:
0x10: {  	[tilespmem:s3], [sflag:$0x2] =	stream.linear.gather [hbm4b:s6+s3], $0x2800, $0x38;
	[tilespmem:$0x1A080] =	vst v63  }
0x11: {  	_ =	swait.ge [sflag:s10], $0x2800  }
0x12: {  	[sflag:s10] =	ssyncset.done $0x0  }
0x13: {  	[sflag:s10] =	ssyncadd.s32 $0xFFFFD800  }
0x14: {  	[tilespmem:s11], [sflag:$0x2] =	stream.linear.gather [hbm4b:s4+s3], $0x3E80, $0x38;
	[tilespmem:$0x1A080] =	vst v63  }
0x15: {  	_ =	swait.ge [sflag:s10], $0x3E80  }
0x16: {  	[sflag:s10] =	ssyncset.done $0x0  }
0x17: {  	s18 =	simm.s32 @p0 $0x1FC2;
	[sflag:s10] =	ssyncadd.s32 $0xFFFFC180  }
0x18: {  	[spmem:s12], [sflag:s18] =	dma.local @p0 [hbm:s5], $0x2800  }
0x19: {  	s18 =	simm.s32 @p0 $0x2  }
0x1a: {  	_ =	swait.ge @p0 [sflag:s18], $0x2800  }
0x1b: {  	[sflag:s18] =	ssyncset.done @p0 $0x0  }
0x1c: {  	[sflag:s18] =	ssyncadd.s32 @p0 $0xFFFFD800;
	s18 =	simm.s32 @!p0 $0x2  }
0x1d: {  	[spmem:s14], [sflag:s13] =	dma.local @!p0 [hbm:s5], $0x2700  }
0x1e: {  	_ =	swait.ge @!p0 [sflag:s18], $0x2700  }
0x1f: {  	[sflag:s18] =	ssyncset.done @!p0 $0x0  }
0x20: {  	[sflag:s18] =	ssyncadd.s32 @!p0 $0xFFFFD900  }
0x21: {  	s28 =	simm.s32 $0x0;
	[bflag:$0x0] =	sbarrier.arrive $0xFFFF  }
0x22: {  	[spmem:s2] =	stream.indirect.scatter.add.f32 [tilespmem:s11], [sflag:$0x1], $0x80, s28, s15, $0xb8;
	[tilespmem:$0x1A080] =	vst v63  }
0x23: {  	s29 =	simm.s32 $0x80  }
0x24: {  	[spmem:s2] =	stream.indirect.scatter.add.f32 [tilespmem:s11], [sflag:$0x1], $0x80, s29, s15, $0xb8;
	[tilespmem:$0x1A080] =	vst v63  }
0x25: {  	s30 =	simm.s32 $0x100  }
0x26: {  	[spmem:s2] =	stream.indirect.scatter.add.f32 [tilespmem:s11], [sflag:$0x1], $0x80, s30, s15, $0xb8;
	[tilespmem:$0x1A080] =	vst v63  }
0x27: {  	s31 =	simm.s32 $0x180  }
0x28: {  	[spmem:s2] =	stream.indirect.scatter.add.f32 [tilespmem:s11], [sflag:$0x1], $0x80, s31, s15, $0xb8;
	[tilespmem:$0x1A080] =	vst v63  }
0x29: {  	_ =	swait.ge [sflag:s16], $0x3E80  }
0x2a: {  	[sflag:s16] =	ssyncset.done $0x0  }
0x2b: {  	[sflag:s16] =	ssyncadd.s32 $0xFFFFC180  }
0x2c: {  	_ =	swait.ge [sflag:s16], $0x3E80  }
0x2d: {  	[sflag:s16] =	ssyncset.done $0x0  }
0x2e: {  	[sflag:s16] =	ssyncadd.s32 $0xFFFFC180  }
0x2f: {  	_ =	swait.ge [sflag:s16], $0x3E80  }
0x30: {  	[sflag:s16] =	ssyncset.done $0x0  }
0x31: {  	[sflag:s16] =	ssyncadd.s32 $0xFFFFC180  }
0x32: {  	_ =	swait.ge [sflag:s16], $0x3E80  }
0x33: {  	s19 =	simm.s32 $0x1000;
	s18 =	simm.s32 $0x800;
	[sflag:s16] =	ssyncset.done $0x0  }
.LBB2_2:
0x34: {  	s20 =	sshra.s32 s18, $0x2  }
0x35: {  	[sflag:s16] =	ssyncadd.s32 $0xFFFFC180;
	s18 =	smov.u32 s19;
	s21 =	sadd.s32 $0x800, s19  }
0x36: {  	[spmem:s2] =	stream.indirect.scatter.add.f32 [tilespmem:s11], [sflag:$0x1], $0x80, s20, s15, $0xb8;
	[tilespmem:$0x1A080] =	vst v63  }
0x37: {  	p1 =	sne.s32 s19, $0x9800;
	s19 =	sadd.s32 $0x80, s20  }
0x38: {  	[spmem:s2] =	stream.indirect.scatter.add.f32 [tilespmem:s11], [sflag:$0x1], $0x80, s19, s15, $0xb8;
	[tilespmem:$0x1A080] =	vst v63  }
0x39: {  	s19 =	sadd.s32 $0x100, s20  }
0x3a: {  	[spmem:s2] =	stream.indirect.scatter.add.f32 [tilespmem:s11], [sflag:$0x1], $0x80, s19, s15, $0xb8;
	[tilespmem:$0x1A080] =	vst v63  }
0x3b: {  	s19 =	sadd.s32 $0x180, s20  }
0x3c: {  	[spmem:s2] =	stream.indirect.scatter.add.f32 [tilespmem:s11], [sflag:$0x1], $0x80, s19, s15, $0xb8;
	[tilespmem:$0x1A080] =	vst v63  }
0x3d: {  	_ =	swait.ge [sflag:s16], $0x3E80  }
0x3e: {  	[sflag:s16] =	ssyncset.done $0x0  }
0x3f: {  	[sflag:s16] =	ssyncadd.s32 $0xFFFFC180  }
0x40: {  	_ =	swait.ge [sflag:s16], $0x3E80  }
0x41: {  	[sflag:s16] =	ssyncset.done $0x0  }
0x42: {  	[sflag:s16] =	ssyncadd.s32 $0xFFFFC180  }
.Ltmp0:
0x43: {  	_ =	swait.ge [sflag:s16], $0x3E80;
	(pc) =	sbr.rel @p1 .LBB2_2-.Ltmp0, $4  }
0x44: {  	[sflag:s16] =	ssyncset.done $0x0  }
0x45: {  	[sflag:s16] =	ssyncadd.s32 $0xFFFFC180  }
0x46: {  	_ =	swait.ge [sflag:s16], $0x3E80  }
0x47: {  	s19 =	smov.u32 s21;
	[sflag:s16] =	ssyncset.done $0x0  }
0x48: {  	s18 =	sshra.s32 s18, $0x2;
	[sflag:s16] =	ssyncadd.s32 $0xFFFFC180  }
0x49: {  	[spmem:s2] =	stream.indirect.scatter.add.f32 [tilespmem:s11], [sflag:$0x1], $0x80, s18, s15, $0xb8;
	[tilespmem:$0x1A080] =	vst v63  }
0x4a: {  	s19 =	sadd.s32 $0x80, s18  }
0x4b: {  	[spmem:s2] =	stream.indirect.scatter.add.f32 [tilespmem:s11], [sflag:$0x1], $0x80, s19, s15, $0xb8;
	[tilespmem:$0x1A080] =	vst v63  }
0x4c: {  	s31 =	sadd.s32 $0x100, s18  }
0x4d: {  	[spmem:s2] =	stream.indirect.scatter.add.f32 [tilespmem:s11], [sflag:$0x1], $0x80, s31, s15, $0xb8;
	[tilespmem:$0x1A080] =	vst v63  }
0x4e: {  	s18 =	sadd.s32 $0x180, s18  }
0x4f: {  	[spmem:s2] =	stream.indirect.scatter.add.f32 [tilespmem:s11], [sflag:$0x1], $0x80, s18, s15, $0xb8;
	[tilespmem:$0x1A080] =	vst v63  }
0x50: {  	_ =	swait.ge [sflag:s16], $0x3E80  }
0x51: {  	[sflag:s16] =	ssyncset.done $0x0  }
0x52: {  	[sflag:s16] =	ssyncadd.s32 $0xFFFFC180  }
0x53: {  	_ =	swait.ge [sflag:s16], $0x3E80  }
0x54: {  	[sflag:s16] =	ssyncset.done $0x0  }
0x55: {  	[sflag:s16] =	ssyncadd.s32 $0xFFFFC180  }
0x56: {  	_ =	swait.ge [sflag:s16], $0x3E80  }
0x57: {  	[sflag:s16] =	ssyncset.done $0x0  }
0x58: {  	[sflag:s16] =	ssyncadd.s32 $0xFFFFC180  }
0x59: {  	_ =	swait.ge [sflag:s16], $0x3E80  }
0x5a: {  	[sflag:s16] =	ssyncset.done $0x0  }
0x5b: {  	[sflag:s16] =	ssyncadd.s32 $0xFFFFC180  }
0x5c: {  	s18 =	simm.s32 @p0 $0x1FC2;
	[bflag:$0x0] =	sbarrier.arrive $0xFFFF  }
0x5d: {  	[hbm:s8], [sflag:s18] =	dma.local @p0 [spmem:s12], $0x2800  }
0x5e: {  	s18 =	simm.s32 @p0 $0x2  }
0x5f: {  	s17 =	sadd.s32 $0x1, s17;
	_ =	swait.ge @p0 [sflag:s18], $0x2800  }
0x60: {  	p1 =	sne.s32 s17, s9;
	[sflag:s18] =	ssyncset.done @p0 $0x0  }
.Ltmp1:
0x61: {  	[sflag:s18] =	ssyncadd.s32 @p0 $0xFFFFD800;
	s18 =	simm.s32 @!p0 $0x2;
	(pc) =	sbr.rel @p1 .LBB2_1-.Ltmp1, $4  }
0x62: {  	[hbm:s7], [sflag:s13] =	dma.local @!p0 [spmem:s14], $0x2700  }
0x63: {  	_ =	swait.ge @!p0 [sflag:s18], $0x2700  }
0x64: {  	[sflag:s18] =	ssyncset.done @!p0 $0x0  }
0x65: {  	[sflag:s18] =	ssyncadd.s32 @!p0 $0xFFFFD900  }
0x66: {  	_ =	sfence.sel $0x180000  }
0x67: {  	[bflag:$0x0] =	sbarrier.arrive $0xFFFF  }
0x68: {  	p0 =	sne.s32 s1, $0x0;
	_ =	strace $0x90000047  }
0x69: {  	s0 =	sadd.s32 @!p0 $0x100000, s0;
	[bflag:$0x2] =	sbarrier.arrive $0xFFFF  }
0x6a: {  	[sflag:s0] =	ssyncadd.tile.s32 @!p0 $0x1;
	_ =	shalt  }
.Lfunc_end2:
_tile_overlayer_lowered:
.L_overlay_start_2:
0x6b: {  	(tag) =	ssettag $0x2  }
0x6c: {  	s0 =	rddreg [dreg:$0x0];
	s2 =	stileid.u32  }
0x6d: {  	s1 =	rddreg [dreg:$0x1];
	p0 =	sne.s32 s2, $0x0  }
0x6e: {  	s3 =	rddreg [dreg:$0x2];
	[bflag:$0x3] =	sbarrier.arrive $0xFFFF;
	s2 =	simm.s32 @!p0 $0x1C02  }
0x6f: {  	[timem:s3], [sflag:s2] =	dma.local @!p0 [hbm:s0], s1  }
0x70: {  	s0 =	simm.s32 @!p0 $0x2  }
0x71: {  	_ =	swait.ge @!p0 [sflag:s0], s1  }
0x72: {  	s1 =	ssub.s32 @!p0 $0x0, s1;
	[sflag:s0] =	ssyncset.done @!p0 $0x0  }
0x73: {  	[sflag:s0] =	ssyncadd.s32 @!p0 s1  }
0x74: {  	[bflag:$0x3] =	sbarrier.arrive $0xFFFF  }
0x75: {  	_ =	shalt  }

// kernel: kernel.16.cloned.1.call-start
scs
__scs_entry_jumppad:
0x0: {  	(pc) =	sbr.rel $0x88, $3  }
0x1: {  	(tag) =	ssettag $0x0;
	lr =	simm.s32 $0x1  }
0x2: {  	[smem:$0x3F92] =	sst lr;
	_ =	strace $0xD0000000  }
0x3: {  	_ = 	snop  }
0x4: {  	_ = 	snop  }
0x5: {  	_ = 	snop  }
0x6: {  	_ = 	snop  }
0x7: {  	_ = 	snop  }
__scs_overlays_trampoline_lowered:
0x8: {  	[smem:$0x3FA1] =	sst s0  }
0x9: {  	[smem:$0x3FA2] =	sst s1  }
0xa: {  	[smem:$0x3FA3] =	sst s2  }
0xb: {  	[smem:$0x3FA4] =	sst s3  }
0xc: {  	[smem:$0x3FA5] =	sst s4  }
0xd: {  	[smem:$0x3FA6] =	sst s5  }
0xe: {  	[smem:$0x3FA7] =	sst s6  }
0xf: {  	[smem:$0x3FA8] =	sst s7  }
0x10: {  	[smem:$0x3FA9] =	sst s8  }
0x11: {  	[smem:$0x3FAA] =	sst s9;
	s0 =	simm.s32 @!p0 $0x0  }
0x12: {  	s1 =	sld [smem:$0x3F90];
	s0 =	simm.s32 @p0 $0x1  }
0x13: {  	[smem:$0x3FAB] =	sst s0;
	s0 =	simm.s32 @!p1 $0x0  }
0x14: {  	s2 =	sld [smem:$0x3F8F];
	s0 =	simm.s32 @p1 $0x1  }
0x15: {  	[smem:$0x3FAC] =	sst s0;
	s0 =	simm.s32 @!p2 $0x0  }
0x16: {  	s3 =	sld [smem:$0x3FDB];
	s0 =	simm.s32 @p2 $0x1  }
0x17: {  	s4 =	simm.s32 $0x1BF5;
	[smem:$0x3FAE] =	sst s0  }
0x18: {  	s0 =	sld [smem:$0x3F91];
	_ =	swait.ge [sflag:s4], $0x0  }
0x19: {  	s7 =	sld [smem:$0x3F92]  }
0x1a: {  	s8 =	sadd.s32 $0xFFFFE003, lr  }
0x1b: {  	s9 =	sadd.s32 $0xFFFFFEF7, lr;
	s5 =	simm.s32 $0xFFFFFFFF;
	p2 =	slt.u32 s8, $0xFFFFF086  }
0x1c: {  	p1 =	slt.u32 s9, $0xF7A;
	s5 =	simm.s32 @!p2 $0x0  }
0x1d: {  	s5 =	simm.s32 @p1 $0x1;
	p0 =	seq.s32 s7, s2  }
0x1e: {  	s7 =	smul.u32 @!p0 $0xF7A, s2;
	p2 =	seq.s32 @!p0 s5, $0x0  }
0x1f: {  	s9 =	smul.u32 $0xF7A, s1;
	s8 =	simm.s32 @!p0 $0x1BF5;
	p2 =	por !p2, p0  }
0x20: {  	[sflag:s8] =	ssyncset.s32 @!p0 $0xFFFFF086;
	s6 =	sadd.s32 @!p0 s3, s7;
	s7 =	simm.s32 @!p0 $0x108  }
0x21: {  	s3 =	sadd.s32 s3, s9;
	s6 =	sadd.s32 @!p0 $0x88, s6;
	s7 =	simm.s32 @p2 $0x1082  }
0x22: {  	[simem:s7], [sflag:s8] =	dma.local @!p0 [hbm:s6], $0xF7A  }
0x23: {  	s9 =	sor.u32 $0xD0000000, s2;
	s6 =	simm.s32 $0x108;
	_ =	swait.ge @!p0 [sflag:s8], $0x0  }
0x24: {  	s3 =	sadd.s32 $0x88, s3;
	s6 =	simm.s32 @!p1 $0x1082;
	[sflag:s4] =	ssyncset.s32 $0xFFFFF086  }
0x25: {  	[simem:s6], [sflag:s4] =	dma.local [hbm:s3], $0xF7A  }
0x26: {  	[smem:$0x3F92] =	sst s1;
	(tag) =	ssettag s2;
	_ =	strace s9  }
0x27: {  	s1 =	sld [smem:$0x3FA2]  }
0x28: {  	s2 =	sld [smem:$0x3FA3]  }
0x29: {  	s4 =	sld [smem:$0x3FA5]  }
0x2a: {  	p0 =	seq.s32 s5, $0x0;
	s5 =	sld [smem:$0x3FA6]  }
0x2b: {  	s6 =	sld [smem:$0x3FA7]  }
0x2c: {  	s7 =	sld [smem:$0x3FA8]  }
0x2d: {  	s3 =	simm.s32 $0x108;
	s8 =	sld [smem:$0x3FA9]  }
0x2e: {  	s3 =	simm.s32 @!p0 $0x1082;
	s9 =	sld [smem:$0x3FAA]  }
0x2f: {  	lr =	sadd.s32 s0, s3;
	s0 =	sld [smem:$0x3FA1]  }
0x30: {  	s3 =	sld [smem:$0x3FA4]  }
0x31: {  	[smem:$0x3FAD] =	sst s10  }
0x32: {  	s10 =	sld [smem:$0x3FAB];
	_ =	sdelay $0x3  }
0x33: {  	p0 =	seq.s32 s10, $0x1;
	s10 =	sld [smem:$0x3FAD];
	_ =	sdelay $0x3  }
0x34: {  	[smem:$0x3FAD] =	sst s10  }
0x35: {  	s10 =	sld [smem:$0x3FAC];
	_ =	sdelay $0x3  }
0x36: {  	p1 =	seq.s32 s10, $0x1;
	s10 =	sld [smem:$0x3FAD];
	_ =	sdelay $0x3  }
0x37: {  	[smem:$0x3FAD] =	sst s10  }
0x38: {  	s10 =	sld [smem:$0x3FAE]  }
0x39: {  	_ = 	snop;
	(pc) =	sbr.ind lr, $3  }
0x3a: {  	_ = 	snop  }
0x3b: {  	_ = 	snop  }
0x3c: {  	p2 =	seq.s32 s10, $0x1;
	s10 =	sld [smem:$0x3FAD]  }
0x3d: {  	_ =	shalt  }
0x3e: {  	_ =	shalt  }
0x3f: {  	_ =	shalt  }
0x40: {  	_ =	shalt  }
0x41: {  	_ =	shalt  }
0x42: {  	_ =	shalt  }
0x43: {  	_ =	shalt  }
0x44: {  	_ =	shalt  }
0x45: {  	_ =	shalt  }
0x46: {  	_ =	shalt  }
0x47: {  	_ =	shalt  }
0x48: {  	_ =	shalt  }
0x49: {  	_ =	shalt  }
0x4a: {  	_ =	shalt  }
0x4b: {  	_ =	shalt  }
0x4c: {  	_ =	shalt  }
0x4d: {  	_ =	shalt  }
0x4e: {  	_ =	shalt  }
0x4f: {  	_ =	shalt  }
0x50: {  	_ =	shalt  }
0x51: {  	_ =	shalt  }
0x52: {  	_ =	shalt  }
0x53: {  	_ =	shalt  }
0x54: {  	_ =	shalt  }
0x55: {  	_ =	shalt  }
0x56: {  	_ =	shalt  }
0x57: {  	_ =	shalt  }
0x58: {  	_ =	shalt  }
0x59: {  	_ =	shalt  }
0x5a: {  	_ =	shalt  }
0x5b: {  	_ =	shalt  }
0x5c: {  	_ =	shalt  }
0x5d: {  	_ =	shalt  }
0x5e: {  	_ =	shalt  }
0x5f: {  	_ =	shalt  }
0x60: {  	_ =	shalt  }
0x61: {  	_ =	shalt  }
0x62: {  	_ =	shalt  }
0x63: {  	_ =	shalt  }
0x64: {  	_ =	shalt  }
0x65: {  	_ =	shalt  }
0x66: {  	_ =	shalt  }
0x67: {  	_ =	shalt  }
0x68: {  	_ =	shalt  }
0x69: {  	_ =	shalt  }
0x6a: {  	_ =	shalt  }
0x6b: {  	_ =	shalt  }
0x6c: {  	_ =	shalt  }
0x6d: {  	_ =	shalt  }
0x6e: {  	_ =	shalt  }
0x6f: {  	_ =	shalt  }
0x70: {  	_ =	shalt  }
0x71: {  	_ =	shalt  }
0x72: {  	_ =	shalt  }
0x73: {  	_ =	shalt  }
0x74: {  	_ =	shalt  }
0x75: {  	_ =	shalt  }
0x76: {  	_ =	shalt  }
0x77: {  	_ =	shalt  }
0x78: {  	_ =	shalt  }
0x79: {  	_ =	shalt  }
0x7a: {  	_ =	shalt  }
0x7b: {  	_ =	shalt  }
0x7c: {  	_ =	shalt  }
0x7d: {  	_ =	shalt  }
0x7e: {  	_ =	shalt  }
0x7f: {  	_ =	shalt  }
0x80: {  	_ =	shalt  }
0x81: {  	_ =	shalt  }
0x82: {  	_ =	shalt  }
0x83: {  	_ =	shalt  }
0x84: {  	_ =	shalt  }
0x85: {  	_ =	shalt  }
0x86: {  	_ =	shalt  }
0x87: {  	_ =	shalt  }
.Lfunc_end0:
.L_simem_size_0:
called_computation.1_lowered:
.L_overlay_start_0:
0x88: {  	s2 =	sld [smem:$0x3FD9]  }
0x89: {  	s3 =	sld [smem:$0x3FFE];
	_ =	sdelay $0x1  }
0x8a: {  	s1 =	srdreg.scid  }
0x8b: {  	s0 =	sand.u32 $0x1, s1  }
0x8c: {  	s16 =	sshll.u32 s0, $0xA;
	s2 =	sadd.s32 s3, s2  }
0x8d: {  	s2 =	sadd.s32 s2, s16  }
0x8e: {  	[smem:$0x3FB9] =	sst s2  }
0x8f: {  	_ = 	snop  }
0x90: {  	(tm) =	ssettm $0x1  }
0x91: {  	s17 =	sld [smem:$0x3FFB];
	_ =	sdelay $0x3  }
0x92: {  	_ =	strace s17  }
0x93: {  	s2 =	sld [smem:$0x3FFC];
	_ =	sdelay $0x3  }
0x94: {  	_ =	strace s2  }
0x95: {  	s2 =	sld [smem:$0x3FFD];
	_ =	sdelay $0x3  }
0x96: {  	_ =	strace s2  }
0x97: {  	_ =	strace $0x8FFFFFFF  }
0x98: {  	s18 =	sld [smem:$0x3FDB];
	_ =	sdelay $0x1  }
0x99: {  	s19 =	simm.s32 $_scs_section_size  }
0x9a: {  	s4 =	simm.s32 $_size__tile_overlayer_lowered;
	s5 =	simm.s32 $_tile_overlayer_lowered  }
0x9b: {  	s22 =	simm.s32 $0x1BFF;
	s21 =	sshll.u32 s5, $0x1;
	s2 =	sadd.s32 s19, s18  }
0x9c: {  	s6 =	simm.s32 $0x0;
	s20 =	sshll.u32 s4, $0x1;
	s4 =	sadd.s32 s21, s2  }
0x9d: {  	[timem:s6], [sflag:s22] =	dma.local [hbm:s4], s20  }
0x9e: {  	_ =	swait.ge [sflag:s22], s20  }
0x9f: {  	s3 =	ssub.s32 $0x0, s20;
	[sflag:s22] =	ssyncset.done $0x0  }
0xa0: {  	[sflag:s22] =	ssyncadd.s32 s3;
	_ =	sdelay $0x1  }
0xa1: {  	s23 =	simm.s32 $0x1B8B  }
0xa2: {  	_ =	swait.ge [sflag:s23], $0x1  }
0xa3: {  	[sflag:s23] =	ssyncset.done $0x0  }
0xa4: {  	s25 =	simm.s32 $0x1B8E;
	s24 =	sld [smem:$0x3FFE];
	[sflag:s23] =	ssyncadd.s32 $0xFFFFFFFF  }
0xa5: {  	s26 =	simm.s32 $execute0_lowered;
	[smem:$0x3FD2] =	sst s25  }
0xa6: {  	s4 =	sshll.u32 s26, $0x1;
	_ =	strace $0x80000049;
	[dreg:$0x1] =	wrdreg $0xFFFFFFFF  }
0xa7: {  	s28 =	simm.s32 $_size_execute0_lowered;
	s2 =	sadd.s32 s2, s4;
	[dreg:$0x0] =	wrdreg $0x0  }
0xa8: {  	s4 =	sshll.u32 s28, $0x1;
	[dreg:$0x2] =	wrdreg s2  }
0xa9: {  	[dreg:$0x3] =	wrdreg s4  }
0xaa: {  	[dreg:$0x4] =	wrdreg $0xC0  }
0xab: {  	_ =	task [dreg:s6], $0x5FFFF  }
0xac: {  	[dreg:$0x1] =	wrdreg $0xFFFFFFFF  }
0xad: {  	[dreg:$0x0] =	wrdreg $0x60  }
0xae: {  	[dreg:$0x2] =	wrdreg s24  }
0xaf: {  	[dreg:$0x3] =	wrdreg $0xA8000  }
0xb0: {  	[dreg:$0x4] =	wrdreg $0x9  }
0xb1: {  	_ =	task.clear_ibuf [dreg:s6], $0x5FFFF;
	_ =	strace $0x90000049  }
0xb2: {  	s29 =	simm.s32 $0x9;
	_ =	strace $0x8000004B  }
0xb3: {  	_ =	swait.ge [sflag:s29], $0x1  }
0xb4: {  	[sflag:s29] =	ssyncadd.s32 $0xFFFFFFFF  }
0xb5: {  	_ =	strace $0x9000004B  }
0xb6: {  	_ =	sfence  }
0xb7: {  	s30 =	sld [smem:$0x0];
	_ =	sdelay $0x2  }
0xb8: {  	s31 =	sshll.u32 s1, $0xD;
	s1 =	sshrl.u32 s1, $0x2  }
0xb9: {  	s3 =	sand.u32 $0x4000, s31;
	s1 =	sadd.s32 s1, s30  }
0xba: {  	s0 =	sor.u32 s3, s0;
	s1 =	sshll.u32 s1, $0x11  }
0xbb: {  	s0 =	sor.u32 s1, s0  }
0xbc: {  	s0 =	sadd.s32 $0x8F2B, s0  }
0xbd: {  	[sflag:s0] =	ssyncadd.remote.s32 $0x1  }
0xbe: {  	_ =	sfence.sel $0xFFFF  }
0xbf: {  	[dreg:$0x0] =	wrdreg $0xFFFFFFFF;
	(pc) =	sbr.abs _section_cstart, $3  }
0xc0: {  	[dreg:$0x1] =	wrdreg $0xFFFFFFFF  }
0xc1: {  	_ =	task.clear_ibuf [dreg:s6], $0x2FFFF;
	_ =	strace $0x9FFFFFFF  }
0xc2: {  	(tm) =	ssettm $0x7FFFFFFF  }
0xc3: {  	_ =	shalt  }
tec
execute0_lowered:
.L_overlay_start_1:
0x0: {  	(tag) =	ssettag $0x1  }
0x1: {  	s0 =	rddreg [dreg:$0x0]  }
0x2: {  	s1 =	rddreg [dreg:$0x1]  }
0x3: {  	s2 =	simm.s32 $0x0;
	s3 =	srdreg.scid;
	s20 =	simm.s32 $0x7D  }
0x4: {  	s21 =	simm.s32 $0x2800;
	s22 =	simm.s32 $0x6800;
	s23 =	simm.s32 $0x1  }
0x5: {  	s28 =	simm.s32 $0x2780;
	s29 =	simm.s32 $0x0;
	[smem:$0x7FF] =	sst s2  }
0x6: {  	s9 =	sand.u32 $0x1, s3;
	s3 =	stileid.u32;
	s4 =	sadd.s32 $0x10600, s0  }
0x7: {  	s11 =	sadd.s32 $0x69000, s0;
	s18 =	sadd.s32 $0x124800, s1;
	s13 =	smul.u32 $0x4E000, s3  }
0x8: {  	s12 =	sadd.s32 $0x5F000, s0;
	_ =	strace $0x8000004A;
	s30 =	smul.u32 $0x27100, s9  }
0x9: {  	s5 =	sshll.u32 s9, $0x4;
	s6 =	ssub.s32 $0x2, s9;
	s16 =	smul.u32 $0x138800, s9  }
0xa: {  	s17 =	smul.u32 $0x2700, s3;
	p0 =	seq.s32 s3, $0xF;
	s7 =	sor.u32 s3, s5  }
0xb: {  	s5 =	sadd.s32 $0xDE00, s0;
	s10 =	sshrl.u32 s6, $0x1;
	s0 =	sadd.s32 $0x73000, s0  }
0xc: {  	s18 =	sshrl.u32 @p0 s18, $0x3;
	s8 =	smul.u32 $0x280, s7;
	s15 =	ssub.s32 s6, s10  }
0xd: {  	s24 =	smul.u32 $0x500, s7;
	s13 =	sshrl.u32 s13, $0x2;
	s16 =	sshrl.u32 s16, $0x3  }
0xe: {  	s14 =	smul.u32 $0x2800, s7;
	s31 =	sadd.s32 s0, s16;
	s15 =	smax.u32 s15, $0x1  }
0xf: {  	s16 =	simm.s32 $0x3;
	s25 =	sadd.s32 s11, s8;
	s26 =	sadd.s32 s12, s8  }
0x10: {  	s8 =	sadd.s32 s13, s1;
	s14 =	sshrl.u32 s14, $0x3;
	s9 =	sadd.s32 s11, s24  }
0x11: {  	s10 =	sadd.s32 s12, s24;
	s13 =	sadd.s32 s17, s30;
	[dreg:$0x3] =	wrdreg s25  }
0x12: {  	s17 =	simm.s32 $0x1400;
	s24 =	simm.s32 $0x2;
	[dreg:$0x4] =	wrdreg s26  }
0x13: {  	s14 =	sadd.s32 $0x280, s14;
	s13 =	sadd.s32 s0, s13;
	s0 =	sshll.u32 @!p0 s3, $0x6  }
0x14: {  	s25 =	simm.s32 $0x1380;
	s26 =	simm.s32 $0x2700;
	s11 =	sadd.s32 s11, s14  }
0x15: {  	s12 =	sadd.s32 s12, s14;
	s14 =	sadd.s32 $0x24900, s31;
	s19 =	sor.u32 @!p0 $0x1C03, s0  }
.LBB2_1:
0x16: {  	s0 =	rddreg [dreg:$0x3]  }
0x17: {  	[tilespmem:s2], [sflag:$0x3] =	stream.linear.gather [hbm4b:s0+s2], $0x1400, $0x38;
	[tilespmem:$0x1E080] =	vst v63  }
0x18: {  	_ =	swait.ge [sflag:s16], $0x1400  }
0x19: {  	[sflag:s16] =	ssyncset.done $0x0  }
0x1a: {  	s6 =	rddreg [dreg:$0x4];
	[sflag:s16] =	ssyncadd.s32 $0xFFFFEC00  }
0x1b: {  	[tilespmem:s17], [sflag:$0x3] =	stream.linear.gather [hbm4b:s6+s2], $0x1400, $0x38;
	[tilespmem:$0x1E080] =	vst v63  }
0x1c: {  	_ =	swait.ge [sflag:s16], $0x1400  }
0x1d: {  	[sflag:s16] =	ssyncset.done $0x0  }
0x1e: {  	s0 =	simm.s32 @p0 $0x1FC3;
	[sflag:s16] =	ssyncadd.s32 $0xFFFFEC00  }
0x1f: {  	[spmem:s18], [sflag:s0] =	dma.local @p0 [hbm:s5], $0x2800  }
0x20: {  	s0 =	simm.s32 @p0 $0x3  }
0x21: {  	_ =	swait.ge @p0 [sflag:s0], $0x2800  }
0x22: {  	[sflag:s0] =	ssyncset.done @p0 $0x0  }
0x23: {  	s30 =	sshrl.u32 @!p0 s8, $0x3;
	[sflag:s0] =	ssyncadd.s32 @p0 $0xFFFFD800;
	s0 =	simm.s32 @!p0 $0x3  }
0x24: {  	[spmem:s30], [sflag:s19] =	dma.local @!p0 [hbm:s5], $0x2700  }
0x25: {  	_ =	swait.ge @!p0 [sflag:s0], $0x2700  }
0x26: {  	[sflag:s0] =	ssyncset.done @!p0 $0x0  }
0x27: {  	[sflag:s0] =	ssyncadd.s32 @!p0 $0xFFFFD900  }
0x28: {  	[bflag:$0x0] =	sbarrier.arrive $0xFFFF  }
0x29: {  	[tilespmem:s2], [sflag:$0x3] =	stream.linear.gather [hbm4b:s9+s2], $0x1400, $0x38;
	[tilespmem:$0x1E080] =	vst v63  }
0x2a: {  	_ =	swait.ge [sflag:s16], $0x1400  }
0x2b: {  	[sflag:s16] =	ssyncset.done $0x0  }
0x2c: {  	[sflag:s16] =	ssyncadd.s32 $0xFFFFEC00  }
0x2d: {  	[tilespmem:s17], [sflag:$0x3] =	stream.linear.gather [hbm4b:s10+s2], $0x1400, $0x38;
	[tilespmem:$0x1E080] =	vst v63  }
0x2e: {  	_ =	swait.ge [sflag:s16], $0x1400  }
0x2f: {  	[sflag:s16] =	ssyncset.done $0x0  }
0x30: {  	[sflag:s16] =	ssyncadd.s32 $0xFFFFEC00  }
0x31: {  	[tilespmem:s21], [sflag:$0x1] =	stream.indirect.gather [hbm4b:s4+s20], $0x80, s2, s20, $0xb8;
	[tilespmem:$0x1E080] =	vst v63  }
0x32: {  	s7 =	simm.s32 $0x80  }
0x33: {  	[tilespmem:s22], [sflag:$0x2] =	stream.indirect.gather [hbm4b:s4+s20], $0x80, s7, s20, $0xb8;
	[tilespmem:$0x1E080] =	vst v63  }
0x34: {  	_ =	swait.ge [sflag:s23], $0x3E80  }
0x35: {  	[sflag:s23] =	ssyncset.done $0x0  }
0x36: {  	s3 =	simm.s32 $0x1400;
	[sflag:s23] =	ssyncadd.s32 $0xFFFFC180  }
0x37: {  	[spmem:s1] =	stream.indirect.scatter.add.f32 [tilespmem:s21], [sflag:$0x3], $0x80, s3, s20, $0xb8;
	[tilespmem:$0x1E080] =	vst v63  }
0x38: {  	_ =	swait.ge [sflag:s16], $0x3E80  }
0x39: {  	[sflag:s16] =	ssyncset.done $0x0  }
0x3a: {  	s6 =	simm.s32 $0x100;
	[sflag:s16] =	ssyncadd.s32 $0xFFFFC180  }
0x3b: {  	[tilespmem:s21], [sflag:$0x1] =	stream.indirect.gather [hbm4b:s4+s20], $0x80, s6, s20, $0xb8;
	[tilespmem:$0x1E080] =	vst v63  }
0x3c: {  	_ =	swait.ge [sflag:s24], $0x3E80  }
0x3d: {  	[sflag:s24] =	ssyncset.done $0x0  }
0x3e: {  	s7 =	simm.s32 $0x1480;
	[sflag:s24] =	ssyncadd.s32 $0xFFFFC180  }
0x3f: {  	[spmem:s1] =	stream.indirect.scatter.add.f32 [tilespmem:s22], [sflag:$0x3], $0x80, s7, s20, $0xb8;
	[tilespmem:$0x1E080] =	vst v63  }
0x40: {  	_ =	swait.ge [sflag:s16], $0x3E80  }
0x41: {  	s31 =	simm.s32 $0x100;
	s0 =	simm.s32 $0x800;
	[sflag:s16] =	ssyncset.done $0x0  }
.LBB2_2:
0x42: {  	s3 =	sadd.s32 $0x80, s31  }
0x43: {  	[sflag:s16] =	ssyncadd.s32 $0xFFFFC180;
	s6 =	smov.u32 s0;
	s7 =	sadd.s32 $0x400, s0  }
0x44: {  	[tilespmem:s22], [sflag:$0x2] =	stream.indirect.gather [hbm4b:s4+s20], $0x80, s3, s20, $0xb8;
	[tilespmem:$0x1E080] =	vst v63  }
0x45: {  	p1 =	sne.s32 s0, $0x4800;
	_ =	swait.ge [sflag:s23], $0x3E80  }
0x46: {  	[sflag:s23] =	ssyncset.done $0x0  }
0x47: {  	s0 =	sadd.s32 $0x1400, s31;
	[sflag:s23] =	ssyncadd.s32 $0xFFFFC180  }
0x48: {  	[spmem:s1] =	stream.indirect.scatter.add.f32 [tilespmem:s21], [sflag:$0x3], $0x80, s0, s20, $0xb8;
	[tilespmem:$0x1E080] =	vst v63  }
0x49: {  	_ =	swait.ge [sflag:s16], $0x3E80  }
0x4a: {  	[sflag:s16] =	ssyncset.done $0x0  }
0x4b: {  	s0 =	sadd.s32 $0x100, s31;
	[sflag:s16] =	ssyncadd.s32 $0xFFFFC180  }
0x4c: {  	[tilespmem:s21], [sflag:$0x1] =	stream.indirect.gather [hbm4b:s4+s20], $0x80, s0, s20, $0xb8;
	[tilespmem:$0x1E080] =	vst v63  }
0x4d: {  	_ =	swait.ge [sflag:s24], $0x3E80  }
.Ltmp0:
0x4e: {  	[sflag:s24] =	ssyncset.done $0x0;
	(pc) =	sbr.rel @p1 .LBB2_2-.Ltmp0, $4  }
0x4f: {  	s0 =	sadd.s32 $0x1480, s31;
	[sflag:s24] =	ssyncadd.s32 $0xFFFFC180  }
0x50: {  	[spmem:s1] =	stream.indirect.scatter.add.f32 [tilespmem:s22], [sflag:$0x3], $0x80, s0, s20, $0xb8;
	[tilespmem:$0x1E080] =	vst v63  }
0x51: {  	_ =	swait.ge [sflag:s16], $0x3E80  }
0x52: {  	s31 =	sshra.s32 s6, $0x2;
	s0 =	smov.u32 s7;
	[sflag:s16] =	ssyncset.done $0x0  }
0x53: {  	s0 =	sadd.s32 $0x80, s31;
	[sflag:s16] =	ssyncadd.s32 $0xFFFFC180  }
0x54: {  	[tilespmem:s22], [sflag:$0x2] =	stream.indirect.gather [hbm4b:s4+s20], $0x80, s0, s20, $0xb8;
	[tilespmem:$0x1E080] =	vst v63  }
0x55: {  	_ =	swait.ge [sflag:s23], $0x3E80  }
0x56: {  	[sflag:s23] =	ssyncset.done $0x0  }
0x57: {  	s6 =	sadd.s32 $0x1400, s31;
	[sflag:s23] =	ssyncadd.s32 $0xFFFFC180  }
0x58: {  	[spmem:s1] =	stream.indirect.scatter.add.f32 [tilespmem:s21], [sflag:$0x3], $0x80, s6, s20, $0xb8;
	[tilespmem:$0x1E080] =	vst v63  }
0x59: {  	_ =	swait.ge [sflag:s16], $0x3E80  }
0x5a: {  	[sflag:s16] =	ssyncset.done $0x0  }
0x5b: {  	s7 =	sadd.s32 $0x100, s31;
	[sflag:s16] =	ssyncadd.s32 $0xFFFFC180  }
0x5c: {  	[tilespmem:s21], [sflag:$0x1] =	stream.indirect.gather [hbm4b:s4+s20], $0x80, s7, s20, $0xb8;
	[tilespmem:$0x1E080] =	vst v63  }
0x5d: {  	_ =	swait.ge [sflag:s24], $0x3E80  }
0x5e: {  	[sflag:s24] =	ssyncset.done $0x0  }
0x5f: {  	s3 =	sadd.s32 $0x1480, s31;
	[sflag:s24] =	ssyncadd.s32 $0xFFFFC180  }
0x60: {  	[spmem:s1] =	stream.indirect.scatter.add.f32 [tilespmem:s22], [sflag:$0x3], $0x80, s3, s20, $0xb8;
	[tilespmem:$0x1E080] =	vst v63  }
0x61: {  	_ =	swait.ge [sflag:s16], $0x3E80  }
0x62: {  	[sflag:s16] =	ssyncset.done $0x0  }
0x63: {  	[sflag:s16] =	ssyncadd.s32 $0xFFFFC180  }
0x64: {  	[tilespmem:s22], [sflag:$0x2] =	stream.indirect.gather [hbm4b:s4+s20], $0x80, s25, s20, $0xb8;
	[tilespmem:$0x1E080] =	vst v63  }
0x65: {  	_ =	swait.ge [sflag:s23], $0x3E80  }
0x66: {  	[sflag:s23] =	ssyncset.done $0x0  }
0x67: {  	[sflag:s23] =	ssyncadd.s32 $0xFFFFC180  }
0x68: {  	[spmem:s1] =	stream.indirect.scatter.add.f32 [tilespmem:s21], [sflag:$0x3], $0x80, s26, s20, $0xb8;
	[tilespmem:$0x1E080] =	vst v63  }
0x69: {  	_ =	swait.ge [sflag:s16], $0x3E80  }
0x6a: {  	[sflag:s16] =	ssyncset.done $0x0  }
0x6b: {  	[sflag:s16] =	ssyncadd.s32 $0xFFFFC180  }
0x6c: {  	[tilespmem:s21], [sflag:$0x1] =	stream.indirect.gather [hbm4b:s4+s20], $0x80, s25, s20, $0xb8;
	[tilespmem:$0x1E080] =	vst v63  }
0x6d: {  	_ =	swait.ge [sflag:s24], $0x3E80  }
0x6e: {  	[sflag:s24] =	ssyncset.done $0x0  }
0x6f: {  	[sflag:s24] =	ssyncadd.s32 $0xFFFFC180  }
0x70: {  	[spmem:s1] =	stream.indirect.scatter.add.f32 [tilespmem:s22], [sflag:$0x3], $0x80, s28, s20, $0xb8;
	[tilespmem:$0x1E080] =	vst v63  }
0x71: {  	_ =	swait.ge [sflag:s16], $0x3E80  }
0x72: {  	[sflag:s16] =	ssyncset.done $0x0  }
0x73: {  	[sflag:s16] =	ssyncadd.s32 $0xFFFFC180  }
0x74: {  	_ =	swait.ge [sflag:s23], $0x3E80  }
0x75: {  	[sflag:s23] =	ssyncset.done $0x0  }
0x76: {  	s6 =	simm.s32 $0x0;
	[sflag:s23] =	ssyncadd.s32 $0xFFFFC180  }
0x77: {  	[tilespmem:s6], [sflag:$0x3] =	stream.linear.gather [hbm4b:s11+s6], $0x1400, $0x38;
	[tilespmem:$0x1E080] =	vst v63  }
0x78: {  	_ =	swait.ge [sflag:s16], $0x1400  }
0x79: {  	[sflag:s16] =	ssyncset.done $0x0  }
0x7a: {  	[sflag:s16] =	ssyncadd.s32 $0xFFFFEC00  }
0x7b: {  	[tilespmem:s17], [sflag:$0x3] =	stream.linear.gather [hbm4b:s12+s6], $0x1400, $0x38;
	[tilespmem:$0x1E080] =	vst v63  }
0x7c: {  	_ =	swait.ge [sflag:s16], $0x1400  }
0x7d: {  	[sflag:s16] =	ssyncset.done $0x0  }
0x7e: {  	[sflag:s16] =	ssyncadd.s32 $0xFFFFEC00  }
0x7f: {  	[tilespmem:s21], [sflag:$0x1] =	stream.indirect.gather [hbm4b:s4+s20], $0x80, s6, s20, $0xb8;
	[tilespmem:$0x1E080] =	vst v63  }
0x80: {  	s7 =	simm.s32 $0x80  }
0x81: {  	[tilespmem:s22], [sflag:$0x2] =	stream.indirect.gather [hbm4b:s4+s20], $0x80, s7, s20, $0xb8;
	[tilespmem:$0x1E080] =	vst v63  }
0x82: {  	_ =	swait.ge [sflag:s23], $0x3E80  }
0x83: {  	[sflag:s23] =	ssyncset.done $0x0  }
0x84: {  	s3 =	simm.s32 $0x1400;
	[sflag:s23] =	ssyncadd.s32 $0xFFFFC180  }
0x85: {  	[spmem:s1] =	stream.indirect.scatter.add.f32 [tilespmem:s21], [sflag:$0x3], $0x80, s3, s20, $0xb8;
	[tilespmem:$0x1E080] =	vst v63  }
0x86: {  	_ =	swait.ge [sflag:s16], $0x3E80  }
0x87: {  	[sflag:s16] =	ssyncset.done $0x0  }
0x88: {  	s6 =	simm.s32 $0x100;
	[sflag:s16] =	ssyncadd.s32 $0xFFFFC180  }
0x89: {  	[tilespmem:s21], [sflag:$0x1] =	stream.indirect.gather [hbm4b:s4+s20], $0x80, s6, s20, $0xb8;
	[tilespmem:$0x1E080] =	vst v63  }
0x8a: {  	_ =	swait.ge [sflag:s24], $0x3E80  }
0x8b: {  	[sflag:s24] =	ssyncset.done $0x0  }
0x8c: {  	s7 =	simm.s32 $0x1480;
	[sflag:s24] =	ssyncadd.s32 $0xFFFFC180  }
0x8d: {  	[spmem:s1] =	stream.indirect.scatter.add.f32 [tilespmem:s22], [sflag:$0x3], $0x80, s7, s20, $0xb8;
	[tilespmem:$0x1E080] =	vst v63  }
0x8e: {  	_ =	swait.ge [sflag:s16], $0x3E80  }
0x8f: {  	s31 =	simm.s32 $0x100;
	s0 =	simm.s32 $0x800;
	[sflag:s16] =	ssyncset.done $0x0  }
.LBB2_4:
0x90: {  	s3 =	sadd.s32 $0x80, s31  }
0x91: {  	[sflag:s16] =	ssyncadd.s32 $0xFFFFC180;
	s6 =	smov.u32 s0;
	s7 =	sadd.s32 $0x400, s0  }
0x92: {  	[tilespmem:s22], [sflag:$0x2] =	stream.indirect.gather [hbm4b:s4+s20], $0x80, s3, s20, $0xb8;
	[tilespmem:$0x1E080] =	vst v63  }
0x93: {  	p1 =	sne.s32 s0, $0x4800;
	_ =	swait.ge [sflag:s23], $0x3E80  }
0x94: {  	[sflag:s23] =	ssyncset.done $0x0  }
0x95: {  	s0 =	sadd.s32 $0x1400, s31;
	[sflag:s23] =	ssyncadd.s32 $0xFFFFC180  }
0x96: {  	[spmem:s1] =	stream.indirect.scatter.add.f32 [tilespmem:s21], [sflag:$0x3], $0x80, s0, s20, $0xb8;
	[tilespmem:$0x1E080] =	vst v63  }
0x97: {  	_ =	swait.ge [sflag:s16], $0x3E80  }
0x98: {  	[sflag:s16] =	ssyncset.done $0x0  }
0x99: {  	s0 =	sadd.s32 $0x100, s31;
	[sflag:s16] =	ssyncadd.s32 $0xFFFFC180  }
0x9a: {  	[tilespmem:s21], [sflag:$0x1] =	stream.indirect.gather [hbm4b:s4+s20], $0x80, s0, s20, $0xb8;
	[tilespmem:$0x1E080] =	vst v63  }
0x9b: {  	_ =	swait.ge [sflag:s24], $0x3E80  }
.Ltmp1:
0x9c: {  	[sflag:s24] =	ssyncset.done $0x0;
	(pc) =	sbr.rel @p1 .LBB2_4-.Ltmp1, $4  }
0x9d: {  	s0 =	sadd.s32 $0x1480, s31;
	[sflag:s24] =	ssyncadd.s32 $0xFFFFC180  }
0x9e: {  	[spmem:s1] =	stream.indirect.scatter.add.f32 [tilespmem:s22], [sflag:$0x3], $0x80, s0, s20, $0xb8;
	[tilespmem:$0x1E080] =	vst v63  }
0x9f: {  	_ =	swait.ge [sflag:s16], $0x3E80  }
0xa0: {  	s31 =	sshra.s32 s6, $0x2;
	s0 =	smov.u32 s7;
	[sflag:s16] =	ssyncset.done $0x0  }
0xa1: {  	s0 =	sadd.s32 $0x80, s31;
	[sflag:s16] =	ssyncadd.s32 $0xFFFFC180  }
0xa2: {  	[tilespmem:s22], [sflag:$0x2] =	stream.indirect.gather [hbm4b:s4+s20], $0x80, s0, s20, $0xb8;
	[tilespmem:$0x1E080] =	vst v63  }
0xa3: {  	_ =	swait.ge [sflag:s23], $0x3E80  }
0xa4: {  	[sflag:s23] =	ssyncset.done $0x0  }
0xa5: {  	s6 =	sadd.s32 $0x1400, s31;
	[sflag:s23] =	ssyncadd.s32 $0xFFFFC180  }
0xa6: {  	[spmem:s1] =	stream.indirect.scatter.add.f32 [tilespmem:s21], [sflag:$0x3], $0x80, s6, s20, $0xb8;
	[tilespmem:$0x1E080] =	vst v63  }
0xa7: {  	_ =	swait.ge [sflag:s16], $0x3E80  }
0xa8: {  	[sflag:s16] =	ssyncset.done $0x0  }
0xa9: {  	s7 =	sadd.s32 $0x100, s31;
	[sflag:s16] =	ssyncadd.s32 $0xFFFFC180  }
0xaa: {  	[tilespmem:s21], [sflag:$0x1] =	stream.indirect.gather [hbm4b:s4+s20], $0x80, s7, s20, $0xb8;
	[tilespmem:$0x1E080] =	vst v63  }
0xab: {  	_ =	swait.ge [sflag:s24], $0x3E80  }
0xac: {  	[sflag:s24] =	ssyncset.done $0x0  }
0xad: {  	s31 =	sadd.s32 $0x1480, s31;
	[sflag:s24] =	ssyncadd.s32 $0xFFFFC180  }
0xae: {  	[spmem:s1] =	stream.indirect.scatter.add.f32 [tilespmem:s22], [sflag:$0x3], $0x80, s31, s20, $0xb8;
	[tilespmem:$0x1E080] =	vst v63  }
0xaf: {  	_ =	swait.ge [sflag:s16], $0x3E80  }
0xb0: {  	[sflag:s16] =	ssyncset.done $0x0  }
0xb1: {  	[sflag:s16] =	ssyncadd.s32 $0xFFFFC180  }
0xb2: {  	[tilespmem:s22], [sflag:$0x2] =	stream.indirect.gather [hbm4b:s4+s20], $0x80, s25, s20, $0xb8;
	[tilespmem:$0x1E080] =	vst v63  }
0xb3: {  	_ =	swait.ge [sflag:s23], $0x3E80  }
0xb4: {  	[sflag:s23] =	ssyncset.done $0x0  }
0xb5: {  	[sflag:s23] =	ssyncadd.s32 $0xFFFFC180  }
0xb6: {  	[spmem:s1] =	stream.indirect.scatter.add.f32 [tilespmem:s21], [sflag:$0x3], $0x80, s26, s20, $0xb8;
	[tilespmem:$0x1E080] =	vst v63  }
0xb7: {  	_ =	swait.ge [sflag:s16], $0x3E80  }
0xb8: {  	[sflag:s16] =	ssyncset.done $0x0  }
0xb9: {  	[sflag:s16] =	ssyncadd.s32 $0xFFFFC180  }
0xba: {  	[tilespmem:s21], [sflag:$0x1] =	stream.indirect.gather [hbm4b:s4+s20], $0x80, s25, s20, $0xb8;
	[tilespmem:$0x1E080] =	vst v63  }
0xbb: {  	_ =	swait.ge [sflag:s24], $0x3E80  }
0xbc: {  	[sflag:s24] =	ssyncset.done $0x0  }
0xbd: {  	[sflag:s24] =	ssyncadd.s32 $0xFFFFC180  }
0xbe: {  	[spmem:s1] =	stream.indirect.scatter.add.f32 [tilespmem:s22], [sflag:$0x3], $0x80, s28, s20, $0xb8;
	[tilespmem:$0x1E080] =	vst v63  }
0xbf: {  	_ =	swait.ge [sflag:s16], $0x3E80  }
0xc0: {  	[sflag:s16] =	ssyncset.done $0x0  }
0xc1: {  	[sflag:s16] =	ssyncadd.s32 $0xFFFFC180  }
0xc2: {  	_ =	swait.ge [sflag:s23], $0x3E80  }
0xc3: {  	[sflag:s23] =	ssyncset.done $0x0  }
0xc4: {  	[sflag:s23] =	ssyncadd.s32 $0xFFFFC180  }
0xc5: {  	s0 =	simm.s32 @p0 $0x1FC3;
	[bflag:$0x0] =	sbarrier.arrive $0xFFFF  }
0xc6: {  	[hbm:s14], [sflag:s0] =	dma.local @p0 [spmem:s18], $0x2800  }
0xc7: {  	s0 =	simm.s32 @p0 $0x3  }
0xc8: {  	s29 =	sadd.s32 $0x1, s29;
	_ =	swait.ge @p0 [sflag:s0], $0x2800  }
0xc9: {  	p1 =	sne.s32 s29, s15;
	[sflag:s0] =	ssyncset.done @p0 $0x0  }
.Ltmp2:
0xca: {  	[sflag:s0] =	ssyncadd.s32 @p0 $0xFFFFD800;
	s0 =	simm.s32 @!p0 $0x3;
	(pc) =	sbr.rel @p1 .LBB2_1-.Ltmp2, $4  }
0xcb: {  	[hbm:s13], [sflag:s19] =	dma.local @!p0 [spmem:s30], $0x2700  }
0xcc: {  	_ =	swait.ge @!p0 [sflag:s0], $0x2700  }
0xcd: {  	[sflag:s0] =	ssyncset.done @!p0 $0x0  }
0xce: {  	[sflag:s0] =	ssyncadd.s32 @!p0 $0xFFFFD900  }
0xcf: {  	_ =	sfence.sel $0x180000  }
0xd0: {  	[bflag:$0x0] =	sbarrier.arrive $0xFFFF  }
0xd1: {  	_ =	strace $0x9000004A  }
0xd2: {  	s0 =	stileid.u32;
	[bflag:$0x2] =	sbarrier.arrive $0xFFFF  }
0xd3: {  	p0 =	sne.s32 s0, $0x0;
	s0 =	rddreg [dreg:$0x2]  }
0xd4: {  	s0 =	sadd.s32 @!p0 $0x100000, s0  }
0xd5: {  	[sflag:s0] =	ssyncadd.tile.s32 @!p0 $0x1;
	_ =	shalt  }
.Lfunc_end2:
_tile_overlayer_lowered:
.L_overlay_start_2:
0xd6: {  	(tag) =	ssettag $0x2  }
0xd7: {  	s0 =	rddreg [dreg:$0x0];
	s2 =	stileid.u32  }
0xd8: {  	s1 =	rddreg [dreg:$0x1];
	p0 =	sne.s32 s2, $0x0  }
0xd9: {  	s3 =	rddreg [dreg:$0x2];
	[bflag:$0x3] =	sbarrier.arrive $0xFFFF;
	s2 =	simm.s32 @!p0 $0x1C03  }
0xda: {  	[timem:s3], [sflag:s2] =	dma.local @!p0 [hbm:s0], s1  }
0xdb: {  	s0 =	simm.s32 @!p0 $0x3  }
0xdc: {  	_ =	swait.ge @!p0 [sflag:s0], s1  }
0xdd: {  	s1 =	ssub.s32 @!p0 $0x0, s1;
	[sflag:s0] =	ssyncset.done @!p0 $0x0  }
0xde: {  	[sflag:s0] =	ssyncadd.s32 @!p0 s1  }
0xdf: {  	[bflag:$0x3] =	sbarrier.arrive $0xFFFF  }
0xe0: {  	_ =	shalt  }

// kernel: kernel.19.cloned.1.call-start
scs
__scs_entry_jumppad:
0x0: {  	(pc) =	sbr.rel $0x88, $3  }
0x1: {  	(tag) =	ssettag $0x0;
	lr =	simm.s32 $0x1  }
0x2: {  	[smem:$0x3F92] =	sst lr;
	_ =	strace $0xD0000000  }
0x3: {  	_ = 	snop  }
0x4: {  	_ = 	snop  }
0x5: {  	_ = 	snop  }
0x6: {  	_ = 	snop  }
0x7: {  	_ = 	snop  }
__scs_overlays_trampoline_lowered:
0x8: {  	[smem:$0x3FA1] =	sst s0  }
0x9: {  	[smem:$0x3FA2] =	sst s1  }
0xa: {  	[smem:$0x3FA3] =	sst s2  }
0xb: {  	[smem:$0x3FA4] =	sst s3  }
0xc: {  	[smem:$0x3FA5] =	sst s4  }
0xd: {  	[smem:$0x3FA6] =	sst s5  }
0xe: {  	[smem:$0x3FA7] =	sst s6  }
0xf: {  	[smem:$0x3FA8] =	sst s7  }
0x10: {  	[smem:$0x3FA9] =	sst s8  }
0x11: {  	[smem:$0x3FAA] =	sst s9;
	s0 =	simm.s32 @!p0 $0x0  }
0x12: {  	s1 =	sld [smem:$0x3F90];
	s0 =	simm.s32 @p0 $0x1  }
0x13: {  	[smem:$0x3FAB] =	sst s0;
	s0 =	simm.s32 @!p1 $0x0  }
0x14: {  	s2 =	sld [smem:$0x3F8F];
	s0 =	simm.s32 @p1 $0x1  }
0x15: {  	[smem:$0x3FAC] =	sst s0;
	s0 =	simm.s32 @!p2 $0x0  }
0x16: {  	s3 =	sld [smem:$0x3FDB];
	s0 =	simm.s32 @p2 $0x1  }
0x17: {  	s4 =	simm.s32 $0x1BF5;
	[smem:$0x3FAE] =	sst s0  }
0x18: {  	s0 =	sld [smem:$0x3F91];
	_ =	swait.ge [sflag:s4], $0x0  }
0x19: {  	s7 =	sld [smem:$0x3F92]  }
0x1a: {  	s8 =	sadd.s32 $0xFFFFE003, lr  }
0x1b: {  	s9 =	sadd.s32 $0xFFFFFEF7, lr;
	s5 =	simm.s32 $0xFFFFFFFF;
	p2 =	slt.u32 s8, $0xFFFFF086  }
0x1c: {  	p1 =	slt.u32 s9, $0xF7A;
	s5 =	simm.s32 @!p2 $0x0  }
0x1d: {  	s5 =	simm.s32 @p1 $0x1;
	p0 =	seq.s32 s7, s2  }
0x1e: {  	s7 =	smul.u32 @!p0 $0xF7A, s2;
	p2 =	seq.s32 @!p0 s5, $0x0  }
0x1f: {  	s9 =	smul.u32 $0xF7A, s1;
	s8 =	simm.s32 @!p0 $0x1BF5;
	p2 =	por !p2, p0  }
0x20: {  	[sflag:s8] =	ssyncset.s32 @!p0 $0xFFFFF086;
	s6 =	sadd.s32 @!p0 s3, s7;
	s7 =	simm.s32 @!p0 $0x108  }
0x21: {  	s3 =	sadd.s32 s3, s9;
	s6 =	sadd.s32 @!p0 $0x88, s6;
	s7 =	simm.s32 @p2 $0x1082  }
0x22: {  	[simem:s7], [sflag:s8] =	dma.local @!p0 [hbm:s6], $0xF7A  }
0x23: {  	s9 =	sor.u32 $0xD0000000, s2;
	s6 =	simm.s32 $0x108;
	_ =	swait.ge @!p0 [sflag:s8], $0x0  }
0x24: {  	s3 =	sadd.s32 $0x88, s3;
	s6 =	simm.s32 @!p1 $0x1082;
	[sflag:s4] =	ssyncset.s32 $0xFFFFF086  }
0x25: {  	[simem:s6], [sflag:s4] =	dma.local [hbm:s3], $0xF7A  }
0x26: {  	[smem:$0x3F92] =	sst s1;
	(tag) =	ssettag s2;
	_ =	strace s9  }
0x27: {  	s1 =	sld [smem:$0x3FA2]  }
0x28: {  	s2 =	sld [smem:$0x3FA3]  }
0x29: {  	s4 =	sld [smem:$0x3FA5]  }
0x2a: {  	p0 =	seq.s32 s5, $0x0;
	s5 =	sld [smem:$0x3FA6]  }
0x2b: {  	s6 =	sld [smem:$0x3FA7]  }
0x2c: {  	s7 =	sld [smem:$0x3FA8]  }
0x2d: {  	s3 =	simm.s32 $0x108;
	s8 =	sld [smem:$0x3FA9]  }
0x2e: {  	s3 =	simm.s32 @!p0 $0x1082;
	s9 =	sld [smem:$0x3FAA]  }
0x2f: {  	lr =	sadd.s32 s0, s3;
	s0 =	sld [smem:$0x3FA1]  }
0x30: {  	s3 =	sld [smem:$0x3FA4]  }
0x31: {  	[smem:$0x3FAD] =	sst s10  }
0x32: {  	s10 =	sld [smem:$0x3FAB];
	_ =	sdelay $0x3  }
0x33: {  	p0 =	seq.s32 s10, $0x1;
	s10 =	sld [smem:$0x3FAD];
	_ =	sdelay $0x3  }
0x34: {  	[smem:$0x3FAD] =	sst s10  }
0x35: {  	s10 =	sld [smem:$0x3FAC];
	_ =	sdelay $0x3  }
0x36: {  	p1 =	seq.s32 s10, $0x1;
	s10 =	sld [smem:$0x3FAD];
	_ =	sdelay $0x3  }
0x37: {  	[smem:$0x3FAD] =	sst s10  }
0x38: {  	s10 =	sld [smem:$0x3FAE]  }
0x39: {  	_ = 	snop;
	(pc) =	sbr.ind lr, $3  }
0x3a: {  	_ = 	snop  }
0x3b: {  	_ = 	snop  }
0x3c: {  	p2 =	seq.s32 s10, $0x1;
	s10 =	sld [smem:$0x3FAD]  }
0x3d: {  	_ =	shalt  }
0x3e: {  	_ =	shalt  }
0x3f: {  	_ =	shalt  }
0x40: {  	_ =	shalt  }
0x41: {  	_ =	shalt  }
0x42: {  	_ =	shalt  }
0x43: {  	_ =	shalt  }
0x44: {  	_ =	shalt  }
0x45: {  	_ =	shalt  }
0x46: {  	_ =	shalt  }
0x47: {  	_ =	shalt  }
0x48: {  	_ =	shalt  }
0x49: {  	_ =	shalt  }
0x4a: {  	_ =	shalt  }
0x4b: {  	_ =	shalt  }
0x4c: {  	_ =	shalt  }
0x4d: {  	_ =	shalt  }
0x4e: {  	_ =	shalt  }
0x4f: {  	_ =	shalt  }
0x50: {  	_ =	shalt  }
0x51: {  	_ =	shalt  }
0x52: {  	_ =	shalt  }
0x53: {  	_ =	shalt  }
0x54: {  	_ =	shalt  }
0x55: {  	_ =	shalt  }
0x56: {  	_ =	shalt  }
0x57: {  	_ =	shalt  }
0x58: {  	_ =	shalt  }
0x59: {  	_ =	shalt  }
0x5a: {  	_ =	shalt  }
0x5b: {  	_ =	shalt  }
0x5c: {  	_ =	shalt  }
0x5d: {  	_ =	shalt  }
0x5e: {  	_ =	shalt  }
0x5f: {  	_ =	shalt  }
0x60: {  	_ =	shalt  }
0x61: {  	_ =	shalt  }
0x62: {  	_ =	shalt  }
0x63: {  	_ =	shalt  }
0x64: {  	_ =	shalt  }
0x65: {  	_ =	shalt  }
0x66: {  	_ =	shalt  }
0x67: {  	_ =	shalt  }
0x68: {  	_ =	shalt  }
0x69: {  	_ =	shalt  }
0x6a: {  	_ =	shalt  }
0x6b: {  	_ =	shalt  }
0x6c: {  	_ =	shalt  }
0x6d: {  	_ =	shalt  }
0x6e: {  	_ =	shalt  }
0x6f: {  	_ =	shalt  }
0x70: {  	_ =	shalt  }
0x71: {  	_ =	shalt  }
0x72: {  	_ =	shalt  }
0x73: {  	_ =	shalt  }
0x74: {  	_ =	shalt  }
0x75: {  	_ =	shalt  }
0x76: {  	_ =	shalt  }
0x77: {  	_ =	shalt  }
0x78: {  	_ =	shalt  }
0x79: {  	_ =	shalt  }
0x7a: {  	_ =	shalt  }
0x7b: {  	_ =	shalt  }
0x7c: {  	_ =	shalt  }
0x7d: {  	_ =	shalt  }
0x7e: {  	_ =	shalt  }
0x7f: {  	_ =	shalt  }
0x80: {  	_ =	shalt  }
0x81: {  	_ =	shalt  }
0x82: {  	_ =	shalt  }
0x83: {  	_ =	shalt  }
0x84: {  	_ =	shalt  }
0x85: {  	_ =	shalt  }
0x86: {  	_ =	shalt  }
0x87: {  	_ =	shalt  }
.Lfunc_end0:
.L_simem_size_0:
called_computation.2_lowered:
.L_overlay_start_0:
0x88: {  	s2 =	sld [smem:$0x3FD9]  }
0x89: {  	s3 =	sld [smem:$0x3FFE];
	_ =	sdelay $0x1  }
0x8a: {  	s1 =	srdreg.scid  }
0x8b: {  	s0 =	sand.u32 $0x1, s1  }
0x8c: {  	s16 =	sshll.u32 s0, $0xA;
	s2 =	sadd.s32 s3, s2  }
0x8d: {  	s2 =	sadd.s32 s2, s16  }
0x8e: {  	[smem:$0x3FB9] =	sst s2  }
0x8f: {  	_ = 	snop  }
0x90: {  	(tm) =	ssettm $0x1  }
0x91: {  	s17 =	sld [smem:$0x3FFB];
	_ =	sdelay $0x3  }
0x92: {  	_ =	strace s17  }
0x93: {  	s2 =	sld [smem:$0x3FFC];
	_ =	sdelay $0x3  }
0x94: {  	_ =	strace s2  }
0x95: {  	s2 =	sld [smem:$0x3FFD];
	_ =	sdelay $0x3  }
0x96: {  	_ =	strace s2  }
0x97: {  	_ =	strace $0x8FFFFFFF  }
0x98: {  	s18 =	sld [smem:$0x3FDB];
	_ =	sdelay $0x1  }
0x99: {  	s19 =	simm.s32 $_scs_section_size  }
0x9a: {  	s4 =	simm.s32 $_size__tile_overlayer_lowered;
	s5 =	simm.s32 $_tile_overlayer_lowered  }
0x9b: {  	s22 =	simm.s32 $0x1BFF;
	s21 =	sshll.u32 s5, $0x1;
	s2 =	sadd.s32 s19, s18  }
0x9c: {  	s6 =	simm.s32 $0x0;
	s20 =	sshll.u32 s4, $0x1;
	s4 =	sadd.s32 s21, s2  }
0x9d: {  	[timem:s6], [sflag:s22] =	dma.local [hbm:s4], s20  }
0x9e: {  	_ =	swait.ge [sflag:s22], s20  }
0x9f: {  	s3 =	ssub.s32 $0x0, s20;
	[sflag:s22] =	ssyncset.done $0x0  }
0xa0: {  	[sflag:s22] =	ssyncadd.s32 s3;
	_ =	sdelay $0x1  }
0xa1: {  	s23 =	simm.s32 $0x1B8B  }
0xa2: {  	_ =	swait.ge [sflag:s23], $0x1  }
0xa3: {  	[sflag:s23] =	ssyncset.done $0x0  }
0xa4: {  	s25 =	simm.s32 $0x1B8E;
	s24 =	sld [smem:$0x3FFE];
	[sflag:s23] =	ssyncadd.s32 $0xFFFFFFFF  }
0xa5: {  	s26 =	simm.s32 $execute0_lowered;
	[smem:$0x3FD2] =	sst s25  }
0xa6: {  	s4 =	sshll.u32 s26, $0x1;
	_ =	strace $0x8000004C;
	[dreg:$0x1] =	wrdreg $0xFFFFFFFF  }
0xa7: {  	s28 =	simm.s32 $_size_execute0_lowered;
	s2 =	sadd.s32 s2, s4;
	[dreg:$0x0] =	wrdreg $0x0  }
0xa8: {  	s4 =	sshll.u32 s28, $0x1;
	[dreg:$0x2] =	wrdreg s2  }
0xa9: {  	[dreg:$0x3] =	wrdreg s4  }
0xaa: {  	[dreg:$0x4] =	wrdreg $0xC0  }
0xab: {  	_ =	task [dreg:s6], $0x5FFFF  }
0xac: {  	[dreg:$0x1] =	wrdreg $0xFFFFFFFF  }
0xad: {  	[dreg:$0x0] =	wrdreg $0x60  }
0xae: {  	[dreg:$0x2] =	wrdreg s24  }
0xaf: {  	[dreg:$0x3] =	wrdreg $0xA8000  }
0xb0: {  	[dreg:$0x4] =	wrdreg $0x9  }
0xb1: {  	_ =	task.clear_ibuf [dreg:s6], $0x5FFFF;
	_ =	strace $0x9000004C  }
0xb2: {  	s29 =	simm.s32 $0x9;
	_ =	strace $0x8000004E  }
0xb3: {  	_ =	swait.ge [sflag:s29], $0x1  }
0xb4: {  	[sflag:s29] =	ssyncadd.s32 $0xFFFFFFFF  }
0xb5: {  	_ =	strace $0x9000004E  }
0xb6: {  	_ =	sfence  }
0xb7: {  	s30 =	sld [smem:$0x0];
	_ =	sdelay $0x2  }
0xb8: {  	s31 =	sshll.u32 s1, $0xD;
	s1 =	sshrl.u32 s1, $0x2  }
0xb9: {  	s3 =	sand.u32 $0x4000, s31;
	s1 =	sadd.s32 s1, s30  }
0xba: {  	s0 =	sor.u32 s3, s0;
	s1 =	sshll.u32 s1, $0x11  }
0xbb: {  	s0 =	sor.u32 s1, s0  }
0xbc: {  	s0 =	sadd.s32 $0x8F2B, s0  }
0xbd: {  	[sflag:s0] =	ssyncadd.remote.s32 $0x1  }
0xbe: {  	_ =	sfence.sel $0xFFFF  }
0xbf: {  	[dreg:$0x0] =	wrdreg $0xFFFFFFFF;
	(pc) =	sbr.abs _section_cstart, $3  }
0xc0: {  	[dreg:$0x1] =	wrdreg $0xFFFFFFFF  }
0xc1: {  	_ =	task.clear_ibuf [dreg:s6], $0x2FFFF;
	_ =	strace $0x9FFFFFFF  }
0xc2: {  	(tm) =	ssettm $0x7FFFFFFF  }
0xc3: {  	_ =	shalt  }
tec
execute0_lowered:
.L_overlay_start_1:
0x0: {  	(tag) =	ssettag $0x1  }
0x1: {  	s0 =	rddreg [dreg:$0x0]  }
0x2: {  	s1 =	rddreg [dreg:$0x1]  }
0x3: {  	s2 =	simm.s32 $0x0;
	s3 =	srdreg.scid;
	s20 =	simm.s32 $0x7D  }
0x4: {  	s21 =	simm.s32 $0x2800;
	s22 =	simm.s32 $0x6800;
	s23 =	simm.s32 $0x1  }
0x5: {  	s28 =	simm.s32 $0x2780;
	s29 =	simm.s32 $0x0;
	[smem:$0x7FF] =	sst s2  }
0x6: {  	s9 =	sand.u32 $0x1, s3;
	s3 =	stileid.u32;
	s4 =	sadd.s32 $0x10600, s0  }
0x7: {  	s11 =	sadd.s32 $0x69000, s0;
	s18 =	sadd.s32 $0x124800, s1;
	s13 =	smul.u32 $0x4E000, s3  }
0x8: {  	s12 =	sadd.s32 $0x5F000, s0;
	_ =	strace $0x8000004D;
	s30 =	smul.u32 $0x27100, s9  }
0x9: {  	s5 =	sshll.u32 s9, $0x4;
	s6 =	ssub.s32 $0x2, s9;
	s16 =	smul.u32 $0x138800, s9  }
0xa: {  	s17 =	smul.u32 $0x2700, s3;
	p0 =	seq.s32 s3, $0xF;
	s7 =	sor.u32 s3, s5  }
0xb: {  	s5 =	sadd.s32 $0xDE00, s0;
	s10 =	sshrl.u32 s6, $0x1;
	s0 =	sadd.s32 $0x73000, s0  }
0xc: {  	s18 =	sshrl.u32 @p0 s18, $0x3;
	s8 =	smul.u32 $0x280, s7;
	s15 =	ssub.s32 s6, s10  }
0xd: {  	s24 =	smul.u32 $0x500, s7;
	s13 =	sshrl.u32 s13, $0x2;
	s16 =	sshrl.u32 s16, $0x3  }
0xe: {  	s14 =	smul.u32 $0x2800, s7;
	s31 =	sadd.s32 s0, s16;
	s15 =	smax.u32 s15, $0x1  }
0xf: {  	s16 =	simm.s32 $0x3;
	s25 =	sadd.s32 s11, s8;
	s26 =	sadd.s32 s12, s8  }
0x10: {  	s8 =	sadd.s32 s13, s1;
	s14 =	sshrl.u32 s14, $0x3;
	s9 =	sadd.s32 s11, s24  }
0x11: {  	s10 =	sadd.s32 s12, s24;
	s13 =	sadd.s32 s17, s30;
	[dreg:$0x3] =	wrdreg s25  }
0x12: {  	s17 =	simm.s32 $0x1400;
	s24 =	simm.s32 $0x2;
	[dreg:$0x4] =	wrdreg s26  }
0x13: {  	s14 =	sadd.s32 $0x280, s14;
	s13 =	sadd.s32 s0, s13;
	s0 =	sshll.u32 @!p0 s3, $0x6  }
0x14: {  	s25 =	simm.s32 $0x1380;
	s26 =	simm.s32 $0x2700;
	s11 =	sadd.s32 s11, s14  }
0x15: {  	s12 =	sadd.s32 s12, s14;
	s14 =	sadd.s32 $0x24900, s31;
	s19 =	sor.u32 @!p0 $0x1C03, s0  }
.LBB2_1:
0x16: {  	s0 =	rddreg [dreg:$0x3]  }
0x17: {  	[tilespmem:s2], [sflag:$0x3] =	stream.linear.gather [hbm4b:s0+s2], $0x1400, $0x38;
	[tilespmem:$0x1E080] =	vst v63  }
0x18: {  	_ =	swait.ge [sflag:s16], $0x1400  }
0x19: {  	[sflag:s16] =	ssyncset.done $0x0  }
0x1a: {  	s6 =	rddreg [dreg:$0x4];
	[sflag:s16] =	ssyncadd.s32 $0xFFFFEC00  }
0x1b: {  	[tilespmem:s17], [sflag:$0x3] =	stream.linear.gather [hbm4b:s6+s2], $0x1400, $0x38;
	[tilespmem:$0x1E080] =	vst v63  }
0x1c: {  	_ =	swait.ge [sflag:s16], $0x1400  }
0x1d: {  	[sflag:s16] =	ssyncset.done $0x0  }
0x1e: {  	s0 =	simm.s32 @p0 $0x1FC3;
	[sflag:s16] =	ssyncadd.s32 $0xFFFFEC00  }
0x1f: {  	[spmem:s18], [sflag:s0] =	dma.local @p0 [hbm:s5], $0x2800  }
0x20: {  	s0 =	simm.s32 @p0 $0x3  }
0x21: {  	_ =	swait.ge @p0 [sflag:s0], $0x2800  }
0x22: {  	[sflag:s0] =	ssyncset.done @p0 $0x0  }
0x23: {  	s30 =	sshrl.u32 @!p0 s8, $0x3;
	[sflag:s0] =	ssyncadd.s32 @p0 $0xFFFFD800;
	s0 =	simm.s32 @!p0 $0x3  }
0x24: {  	[spmem:s30], [sflag:s19] =	dma.local @!p0 [hbm:s5], $0x2700  }
0x25: {  	_ =	swait.ge @!p0 [sflag:s0], $0x2700  }
0x26: {  	[sflag:s0] =	ssyncset.done @!p0 $0x0  }
0x27: {  	[sflag:s0] =	ssyncadd.s32 @!p0 $0xFFFFD900  }
0x28: {  	[bflag:$0x0] =	sbarrier.arrive $0xFFFF  }
0x29: {  	[tilespmem:s2], [sflag:$0x3] =	stream.linear.gather [hbm4b:s9+s2], $0x1400, $0x38;
	[tilespmem:$0x1E080] =	vst v63  }
0x2a: {  	_ =	swait.ge [sflag:s16], $0x1400  }
0x2b: {  	[sflag:s16] =	ssyncset.done $0x0  }
0x2c: {  	[sflag:s16] =	ssyncadd.s32 $0xFFFFEC00  }
0x2d: {  	[tilespmem:s17], [sflag:$0x3] =	stream.linear.gather [hbm4b:s10+s2], $0x1400, $0x38;
	[tilespmem:$0x1E080] =	vst v63  }
0x2e: {  	_ =	swait.ge [sflag:s16], $0x1400  }
0x2f: {  	[sflag:s16] =	ssyncset.done $0x0  }
0x30: {  	[sflag:s16] =	ssyncadd.s32 $0xFFFFEC00  }
0x31: {  	[tilespmem:s21], [sflag:$0x1] =	stream.indirect.gather [hbm4b:s4+s20], $0x80, s2, s20, $0xb8;
	[tilespmem:$0x1E080] =	vst v63  }
0x32: {  	s7 =	simm.s32 $0x80  }
0x33: {  	[tilespmem:s22], [sflag:$0x2] =	stream.indirect.gather [hbm4b:s4+s20], $0x80, s7, s20, $0xb8;
	[tilespmem:$0x1E080] =	vst v63  }
0x34: {  	_ =	swait.ge [sflag:s23], $0x3E80  }
0x35: {  	[sflag:s23] =	ssyncset.done $0x0  }
0x36: {  	s3 =	simm.s32 $0x1400;
	[sflag:s23] =	ssyncadd.s32 $0xFFFFC180  }
0x37: {  	[spmem:s1] =	stream.indirect.scatter.add.f32 [tilespmem:s21], [sflag:$0x3], $0x80, s3, s20, $0xb8;
	[tilespmem:$0x1E080] =	vst v63  }
0x38: {  	_ =	swait.ge [sflag:s16], $0x3E80  }
0x39: {  	[sflag:s16] =	ssyncset.done $0x0  }
0x3a: {  	s6 =	simm.s32 $0x100;
	[sflag:s16] =	ssyncadd.s32 $0xFFFFC180  }
0x3b: {  	[tilespmem:s21], [sflag:$0x1] =	stream.indirect.gather [hbm4b:s4+s20], $0x80, s6, s20, $0xb8;
	[tilespmem:$0x1E080] =	vst v63  }
0x3c: {  	_ =	swait.ge [sflag:s24], $0x3E80  }
0x3d: {  	[sflag:s24] =	ssyncset.done $0x0  }
0x3e: {  	s7 =	simm.s32 $0x1480;
	[sflag:s24] =	ssyncadd.s32 $0xFFFFC180  }
0x3f: {  	[spmem:s1] =	stream.indirect.scatter.add.f32 [tilespmem:s22], [sflag:$0x3], $0x80, s7, s20, $0xb8;
	[tilespmem:$0x1E080] =	vst v63  }
0x40: {  	_ =	swait.ge [sflag:s16], $0x3E80  }
0x41: {  	s31 =	simm.s32 $0x100;
	s0 =	simm.s32 $0x800;
	[sflag:s16] =	ssyncset.done $0x0  }
.LBB2_2:
0x42: {  	s3 =	sadd.s32 $0x80, s31  }
0x43: {  	[sflag:s16] =	ssyncadd.s32 $0xFFFFC180;
	s6 =	smov.u32 s0;
	s7 =	sadd.s32 $0x400, s0  }
0x44: {  	[tilespmem:s22], [sflag:$0x2] =	stream.indirect.gather [hbm4b:s4+s20], $0x80, s3, s20, $0xb8;
	[tilespmem:$0x1E080] =	vst v63  }
0x45: {  	p1 =	sne.s32 s0, $0x4800;
	_ =	swait.ge [sflag:s23], $0x3E80  }
0x46: {  	[sflag:s23] =	ssyncset.done $0x0  }
0x47: {  	s0 =	sadd.s32 $0x1400, s31;
	[sflag:s23] =	ssyncadd.s32 $0xFFFFC180  }
0x48: {  	[spmem:s1] =	stream.indirect.scatter.add.f32 [tilespmem:s21], [sflag:$0x3], $0x80, s0, s20, $0xb8;
	[tilespmem:$0x1E080] =	vst v63  }
0x49: {  	_ =	swait.ge [sflag:s16], $0x3E80  }
0x4a: {  	[sflag:s16] =	ssyncset.done $0x0  }
0x4b: {  	s0 =	sadd.s32 $0x100, s31;
	[sflag:s16] =	ssyncadd.s32 $0xFFFFC180  }
0x4c: {  	[tilespmem:s21], [sflag:$0x1] =	stream.indirect.gather [hbm4b:s4+s20], $0x80, s0, s20, $0xb8;
	[tilespmem:$0x1E080] =	vst v63  }
0x4d: {  	_ =	swait.ge [sflag:s24], $0x3E80  }
.Ltmp0:
0x4e: {  	[sflag:s24] =	ssyncset.done $0x0;
	(pc) =	sbr.rel @p1 .LBB2_2-.Ltmp0, $4  }
0x4f: {  	s0 =	sadd.s32 $0x1480, s31;
	[sflag:s24] =	ssyncadd.s32 $0xFFFFC180  }
0x50: {  	[spmem:s1] =	stream.indirect.scatter.add.f32 [tilespmem:s22], [sflag:$0x3], $0x80, s0, s20, $0xb8;
	[tilespmem:$0x1E080] =	vst v63  }
0x51: {  	_ =	swait.ge [sflag:s16], $0x3E80  }
0x52: {  	s31 =	sshra.s32 s6, $0x2;
	s0 =	smov.u32 s7;
	[sflag:s16] =	ssyncset.done $0x0  }
0x53: {  	s0 =	sadd.s32 $0x80, s31;
	[sflag:s16] =	ssyncadd.s32 $0xFFFFC180  }
0x54: {  	[tilespmem:s22], [sflag:$0x2] =	stream.indirect.gather [hbm4b:s4+s20], $0x80, s0, s20, $0xb8;
	[tilespmem:$0x1E080] =	vst v63  }
0x55: {  	_ =	swait.ge [sflag:s23], $0x3E80  }
0x56: {  	[sflag:s23] =	ssyncset.done $0x0  }
0x57: {  	s6 =	sadd.s32 $0x1400, s31;
	[sflag:s23] =	ssyncadd.s32 $0xFFFFC180  }
0x58: {  	[spmem:s1] =	stream.indirect.scatter.add.f32 [tilespmem:s21], [sflag:$0x3], $0x80, s6, s20, $0xb8;
	[tilespmem:$0x1E080] =	vst v63  }
0x59: {  	_ =	swait.ge [sflag:s16], $0x3E80  }
0x5a: {  	[sflag:s16] =	ssyncset.done $0x0  }
0x5b: {  	s7 =	sadd.s32 $0x100, s31;
	[sflag:s16] =	ssyncadd.s32 $0xFFFFC180  }
0x5c: {  	[tilespmem:s21], [sflag:$0x1] =	stream.indirect.gather [hbm4b:s4+s20], $0x80, s7, s20, $0xb8;
	[tilespmem:$0x1E080] =	vst v63  }
0x5d: {  	_ =	swait.ge [sflag:s24], $0x3E80  }
0x5e: {  	[sflag:s24] =	ssyncset.done $0x0  }
0x5f: {  	s3 =	sadd.s32 $0x1480, s31;
	[sflag:s24] =	ssyncadd.s32 $0xFFFFC180  }
0x60: {  	[spmem:s1] =	stream.indirect.scatter.add.f32 [tilespmem:s22], [sflag:$0x3], $0x80, s3, s20, $0xb8;
	[tilespmem:$0x1E080] =	vst v63  }
0x61: {  	_ =	swait.ge [sflag:s16], $0x3E80  }
0x62: {  	[sflag:s16] =	ssyncset.done $0x0  }
0x63: {  	[sflag:s16] =	ssyncadd.s32 $0xFFFFC180  }
0x64: {  	[tilespmem:s22], [sflag:$0x2] =	stream.indirect.gather [hbm4b:s4+s20], $0x80, s25, s20, $0xb8;
	[tilespmem:$0x1E080] =	vst v63  }
0x65: {  	_ =	swait.ge [sflag:s23], $0x3E80  }
0x66: {  	[sflag:s23] =	ssyncset.done $0x0  }
0x67: {  	[sflag:s23] =	ssyncadd.s32 $0xFFFFC180  }
0x68: {  	[spmem:s1] =	stream.indirect.scatter.add.f32 [tilespmem:s21], [sflag:$0x3], $0x80, s26, s20, $0xb8;
	[tilespmem:$0x1E080] =	vst v63  }
0x69: {  	_ =	swait.ge [sflag:s16], $0x3E80  }
0x6a: {  	[sflag:s16] =	ssyncset.done $0x0  }
0x6b: {  	[sflag:s16] =	ssyncadd.s32 $0xFFFFC180  }
0x6c: {  	[tilespmem:s21], [sflag:$0x1] =	stream.indirect.gather [hbm4b:s4+s20], $0x80, s25, s20, $0xb8;
	[tilespmem:$0x1E080] =	vst v63  }
0x6d: {  	_ =	swait.ge [sflag:s24], $0x3E80  }
0x6e: {  	[sflag:s24] =	ssyncset.done $0x0  }
0x6f: {  	[sflag:s24] =	ssyncadd.s32 $0xFFFFC180  }
0x70: {  	[spmem:s1] =	stream.indirect.scatter.add.f32 [tilespmem:s22], [sflag:$0x3], $0x80, s28, s20, $0xb8;
	[tilespmem:$0x1E080] =	vst v63  }
0x71: {  	_ =	swait.ge [sflag:s16], $0x3E80  }
0x72: {  	[sflag:s16] =	ssyncset.done $0x0  }
0x73: {  	[sflag:s16] =	ssyncadd.s32 $0xFFFFC180  }
0x74: {  	_ =	swait.ge [sflag:s23], $0x3E80  }
0x75: {  	[sflag:s23] =	ssyncset.done $0x0  }
0x76: {  	s6 =	simm.s32 $0x0;
	[sflag:s23] =	ssyncadd.s32 $0xFFFFC180  }
0x77: {  	[tilespmem:s6], [sflag:$0x3] =	stream.linear.gather [hbm4b:s11+s6], $0x1400, $0x38;
	[tilespmem:$0x1E080] =	vst v63  }
0x78: {  	_ =	swait.ge [sflag:s16], $0x1400  }
0x79: {  	[sflag:s16] =	ssyncset.done $0x0  }
0x7a: {  	[sflag:s16] =	ssyncadd.s32 $0xFFFFEC00  }
0x7b: {  	[tilespmem:s17], [sflag:$0x3] =	stream.linear.gather [hbm4b:s12+s6], $0x1400, $0x38;
	[tilespmem:$0x1E080] =	vst v63  }
0x7c: {  	_ =	swait.ge [sflag:s16], $0x1400  }
0x7d: {  	[sflag:s16] =	ssyncset.done $0x0  }
0x7e: {  	[sflag:s16] =	ssyncadd.s32 $0xFFFFEC00  }
0x7f: {  	[tilespmem:s21], [sflag:$0x1] =	stream.indirect.gather [hbm4b:s4+s20], $0x80, s6, s20, $0xb8;
	[tilespmem:$0x1E080] =	vst v63  }
0x80: {  	s7 =	simm.s32 $0x80  }
0x81: {  	[tilespmem:s22], [sflag:$0x2] =	stream.indirect.gather [hbm4b:s4+s20], $0x80, s7, s20, $0xb8;
	[tilespmem:$0x1E080] =	vst v63  }
0x82: {  	_ =	swait.ge [sflag:s23], $0x3E80  }
0x83: {  	[sflag:s23] =	ssyncset.done $0x0  }
0x84: {  	s3 =	simm.s32 $0x1400;
	[sflag:s23] =	ssyncadd.s32 $0xFFFFC180  }
0x85: {  	[spmem:s1] =	stream.indirect.scatter.add.f32 [tilespmem:s21], [sflag:$0x3], $0x80, s3, s20, $0xb8;
	[tilespmem:$0x1E080] =	vst v63  }
0x86: {  	_ =	swait.ge [sflag:s16], $0x3E80  }
0x87: {  	[sflag:s16] =	ssyncset.done $0x0  }
0x88: {  	s6 =	simm.s32 $0x100;
	[sflag:s16] =	ssyncadd.s32 $0xFFFFC180  }
0x89: {  	[tilespmem:s21], [sflag:$0x1] =	stream.indirect.gather [hbm4b:s4+s20], $0x80, s6, s20, $0xb8;
	[tilespmem:$0x1E080] =	vst v63  }
0x8a: {  	_ =	swait.ge [sflag:s24], $0x3E80  }
0x8b: {  	[sflag:s24] =	ssyncset.done $0x0  }
0x8c: {  	s7 =	simm.s32 $0x1480;
	[sflag:s24] =	ssyncadd.s32 $0xFFFFC180  }
0x8d: {  	[spmem:s1] =	stream.indirect.scatter.add.f32 [tilespmem:s22], [sflag:$0x3], $0x80, s7, s20, $0xb8;
	[tilespmem:$0x1E080] =	vst v63  }
0x8e: {  	_ =	swait.ge [sflag:s16], $0x3E80  }
0x8f: {  	s31 =	simm.s32 $0x100;
	s0 =	simm.s32 $0x800;
	[sflag:s16] =	ssyncset.done $0x0  }
.LBB2_4:
0x90: {  	s3 =	sadd.s32 $0x80, s31  }
0x91: {  	[sflag:s16] =	ssyncadd.s32 $0xFFFFC180;
	s6 =	smov.u32 s0;
	s7 =	sadd.s32 $0x400, s0  }
0x92: {  	[tilespmem:s22], [sflag:$0x2] =	stream.indirect.gather [hbm4b:s4+s20], $0x80, s3, s20, $0xb8;
	[tilespmem:$0x1E080] =	vst v63  }
0x93: {  	p1 =	sne.s32 s0, $0x4800;
	_ =	swait.ge [sflag:s23], $0x3E80  }
0x94: {  	[sflag:s23] =	ssyncset.done $0x0  }
0x95: {  	s0 =	sadd.s32 $0x1400, s31;
	[sflag:s23] =	ssyncadd.s32 $0xFFFFC180  }
0x96: {  	[spmem:s1] =	stream.indirect.scatter.add.f32 [tilespmem:s21], [sflag:$0x3], $0x80, s0, s20, $0xb8;
	[tilespmem:$0x1E080] =	vst v63  }
0x97: {  	_ =	swait.ge [sflag:s16], $0x3E80  }
0x98: {  	[sflag:s16] =	ssyncset.done $0x0  }
0x99: {  	s0 =	sadd.s32 $0x100, s31;
	[sflag:s16] =	ssyncadd.s32 $0xFFFFC180  }
0x9a: {  	[tilespmem:s21], [sflag:$0x1] =	stream.indirect.gather [hbm4b:s4+s20], $0x80, s0, s20, $0xb8;
	[tilespmem:$0x1E080] =	vst v63  }
0x9b: {  	_ =	swait.ge [sflag:s24], $0x3E80  }
.Ltmp1:
0x9c: {  	[sflag:s24] =	ssyncset.done $0x0;
	(pc) =	sbr.rel @p1 .LBB2_4-.Ltmp1, $4  }
0x9d: {  	s0 =	sadd.s32 $0x1480, s31;
	[sflag:s24] =	ssyncadd.s32 $0xFFFFC180  }
0x9e: {  	[spmem:s1] =	stream.indirect.scatter.add.f32 [tilespmem:s22], [sflag:$0x3], $0x80, s0, s20, $0xb8;
	[tilespmem:$0x1E080] =	vst v63  }
0x9f: {  	_ =	swait.ge [sflag:s16], $0x3E80  }
0xa0: {  	s31 =	sshra.s32 s6, $0x2;
	s0 =	smov.u32 s7;
	[sflag:s16] =	ssyncset.done $0x0  }
0xa1: {  	s0 =	sadd.s32 $0x80, s31;
	[sflag:s16] =	ssyncadd.s32 $0xFFFFC180  }
0xa2: {  	[tilespmem:s22], [sflag:$0x2] =	stream.indirect.gather [hbm4b:s4+s20], $0x80, s0, s20, $0xb8;
	[tilespmem:$0x1E080] =	vst v63  }
0xa3: {  	_ =	swait.ge [sflag:s23], $0x3E80  }
0xa4: {  	[sflag:s23] =	ssyncset.done $0x0  }
0xa5: {  	s6 =	sadd.s32 $0x1400, s31;
	[sflag:s23] =	ssyncadd.s32 $0xFFFFC180  }
0xa6: {  	[spmem:s1] =	stream.indirect.scatter.add.f32 [tilespmem:s21], [sflag:$0x3], $0x80, s6, s20, $0xb8;
	[tilespmem:$0x1E080] =	vst v63  }
0xa7: {  	_ =	swait.ge [sflag:s16], $0x3E80  }
0xa8: {  	[sflag:s16] =	ssyncset.done $0x0  }
0xa9: {  	s7 =	sadd.s32 $0x100, s31;
	[sflag:s16] =	ssyncadd.s32 $0xFFFFC180  }
0xaa: {  	[tilespmem:s21], [sflag:$0x1] =	stream.indirect.gather [hbm4b:s4+s20], $0x80, s7, s20, $0xb8;
	[tilespmem:$0x1E080] =	vst v63  }
0xab: {  	_ =	swait.ge [sflag:s24], $0x3E80  }
0xac: {  	[sflag:s24] =	ssyncset.done $0x0  }
0xad: {  	s31 =	sadd.s32 $0x1480, s31;
	[sflag:s24] =	ssyncadd.s32 $0xFFFFC180  }
0xae: {  	[spmem:s1] =	stream.indirect.scatter.add.f32 [tilespmem:s22], [sflag:$0x3], $0x80, s31, s20, $0xb8;
	[tilespmem:$0x1E080] =	vst v63  }
0xaf: {  	_ =	swait.ge [sflag:s16], $0x3E80  }
0xb0: {  	[sflag:s16] =	ssyncset.done $0x0  }
0xb1: {  	[sflag:s16] =	ssyncadd.s32 $0xFFFFC180  }
0xb2: {  	[tilespmem:s22], [sflag:$0x2] =	stream.indirect.gather [hbm4b:s4+s20], $0x80, s25, s20, $0xb8;
	[tilespmem:$0x1E080] =	vst v63  }
0xb3: {  	_ =	swait.ge [sflag:s23], $0x3E80  }
0xb4: {  	[sflag:s23] =	ssyncset.done $0x0  }
0xb5: {  	[sflag:s23] =	ssyncadd.s32 $0xFFFFC180  }
0xb6: {  	[spmem:s1] =	stream.indirect.scatter.add.f32 [tilespmem:s21], [sflag:$0x3], $0x80, s26, s20, $0xb8;
	[tilespmem:$0x1E080] =	vst v63  }
0xb7: {  	_ =	swait.ge [sflag:s16], $0x3E80  }
0xb8: {  	[sflag:s16] =	ssyncset.done $0x0  }
0xb9: {  	[sflag:s16] =	ssyncadd.s32 $0xFFFFC180  }
0xba: {  	[tilespmem:s21], [sflag:$0x1] =	stream.indirect.gather [hbm4b:s4+s20], $0x80, s25, s20, $0xb8;
	[tilespmem:$0x1E080] =	vst v63  }
0xbb: {  	_ =	swait.ge [sflag:s24], $0x3E80  }
0xbc: {  	[sflag:s24] =	ssyncset.done $0x0  }
0xbd: {  	[sflag:s24] =	ssyncadd.s32 $0xFFFFC180  }
0xbe: {  	[spmem:s1] =	stream.indirect.scatter.add.f32 [tilespmem:s22], [sflag:$0x3], $0x80, s28, s20, $0xb8;
	[tilespmem:$0x1E080] =	vst v63  }
0xbf: {  	_ =	swait.ge [sflag:s16], $0x3E80  }
0xc0: {  	[sflag:s16] =	ssyncset.done $0x0  }
0xc1: {  	[sflag:s16] =	ssyncadd.s32 $0xFFFFC180  }
0xc2: {  	_ =	swait.ge [sflag:s23], $0x3E80  }
0xc3: {  	[sflag:s23] =	ssyncset.done $0x0  }
0xc4: {  	[sflag:s23] =	ssyncadd.s32 $0xFFFFC180  }
0xc5: {  	s0 =	simm.s32 @p0 $0x1FC3;
	[bflag:$0x0] =	sbarrier.arrive $0xFFFF  }
0xc6: {  	[hbm:s14], [sflag:s0] =	dma.local @p0 [spmem:s18], $0x2800  }
0xc7: {  	s0 =	simm.s32 @p0 $0x3  }
0xc8: {  	s29 =	sadd.s32 $0x1, s29;
	_ =	swait.ge @p0 [sflag:s0], $0x2800  }
0xc9: {  	p1 =	sne.s32 s29, s15;
	[sflag:s0] =	ssyncset.done @p0 $0x0  }
.Ltmp2:
0xca: {  	[sflag:s0] =	ssyncadd.s32 @p0 $0xFFFFD800;
	s0 =	simm.s32 @!p0 $0x3;
	(pc) =	sbr.rel @p1 .LBB2_1-.Ltmp2, $4  }
0xcb: {  	[hbm:s13], [sflag:s19] =	dma.local @!p0 [spmem:s30], $0x2700  }
0xcc: {  	_ =	swait.ge @!p0 [sflag:s0], $0x2700  }
0xcd: {  	[sflag:s0] =	ssyncset.done @!p0 $0x0  }
0xce: {  	[sflag:s0] =	ssyncadd.s32 @!p0 $0xFFFFD900  }
0xcf: {  	_ =	sfence.sel $0x180000  }
0xd0: {  	[bflag:$0x0] =	sbarrier.arrive $0xFFFF  }
0xd1: {  	_ =	strace $0x9000004D  }
0xd2: {  	s0 =	stileid.u32;
	[bflag:$0x2] =	sbarrier.arrive $0xFFFF  }
0xd3: {  	p0 =	sne.s32 s0, $0x0;
	s0 =	rddreg [dreg:$0x2]  }
0xd4: {  	s0 =	sadd.s32 @!p0 $0x100000, s0  }
0xd5: {  	[sflag:s0] =	ssyncadd.tile.s32 @!p0 $0x1;
	_ =	shalt  }
.Lfunc_end2:
_tile_overlayer_lowered:
.L_overlay_start_2:
0xd6: {  	(tag) =	ssettag $0x2  }
0xd7: {  	s0 =	rddreg [dreg:$0x0];
	s2 =	stileid.u32  }
0xd8: {  	s1 =	rddreg [dreg:$0x1];
	p0 =	sne.s32 s2, $0x0  }
0xd9: {  	s3 =	rddreg [dreg:$0x2];
	[bflag:$0x3] =	sbarrier.arrive $0xFFFF;
	s2 =	simm.s32 @!p0 $0x1C03  }
0xda: {  	[timem:s3], [sflag:s2] =	dma.local @!p0 [hbm:s0], s1  }
0xdb: {  	s0 =	simm.s32 @!p0 $0x3  }
0xdc: {  	_ =	swait.ge @!p0 [sflag:s0], s1  }
0xdd: {  	s1 =	ssub.s32 @!p0 $0x0, s1;
	[sflag:s0] =	ssyncset.done @!p0 $0x0  }
0xde: {  	[sflag:s0] =	ssyncadd.s32 @!p0 s1  }
0xdf: {  	[bflag:$0x3] =	sbarrier.arrive $0xFFFF  }
0xe0: {  	_ =	shalt  }

// kernel: kernel.22.cloned.1.call-start
scs
__scs_entry_jumppad:
0x0: {  	(pc) =	sbr.rel $0x88, $3  }
0x1: {  	(tag) =	ssettag $0x0;
	lr =	simm.s32 $0x1  }
0x2: {  	[smem:$0x3F92] =	sst lr;
	_ =	strace $0xD0000000  }
0x3: {  	_ = 	snop  }
0x4: {  	_ = 	snop  }
0x5: {  	_ = 	snop  }
0x6: {  	_ = 	snop  }
0x7: {  	_ = 	snop  }
__scs_overlays_trampoline_lowered:
0x8: {  	[smem:$0x3FA1] =	sst s0  }
0x9: {  	[smem:$0x3FA2] =	sst s1  }
0xa: {  	[smem:$0x3FA3] =	sst s2  }
0xb: {  	[smem:$0x3FA4] =	sst s3  }
0xc: {  	[smem:$0x3FA5] =	sst s4  }
0xd: {  	[smem:$0x3FA6] =	sst s5  }
0xe: {  	[smem:$0x3FA7] =	sst s6  }
0xf: {  	[smem:$0x3FA8] =	sst s7  }
0x10: {  	[smem:$0x3FA9] =	sst s8  }
0x11: {  	[smem:$0x3FAA] =	sst s9;
	s0 =	simm.s32 @!p0 $0x0  }
0x12: {  	s1 =	sld [smem:$0x3F90];
	s0 =	simm.s32 @p0 $0x1  }
0x13: {  	[smem:$0x3FAB] =	sst s0;
	s0 =	simm.s32 @!p1 $0x0  }
0x14: {  	s2 =	sld [smem:$0x3F8F];
	s0 =	simm.s32 @p1 $0x1  }
0x15: {  	[smem:$0x3FAC] =	sst s0;
	s0 =	simm.s32 @!p2 $0x0  }
0x16: {  	s3 =	sld [smem:$0x3FDB];
	s0 =	simm.s32 @p2 $0x1  }
0x17: {  	s4 =	simm.s32 $0x1BF5;
	[smem:$0x3FAE] =	sst s0  }
0x18: {  	s0 =	sld [smem:$0x3F91];
	_ =	swait.ge [sflag:s4], $0x0  }
0x19: {  	s7 =	sld [smem:$0x3F92]  }
0x1a: {  	s8 =	sadd.s32 $0xFFFFE003, lr  }
0x1b: {  	s9 =	sadd.s32 $0xFFFFFEF7, lr;
	s5 =	simm.s32 $0xFFFFFFFF;
	p2 =	slt.u32 s8, $0xFFFFF086  }
0x1c: {  	p1 =	slt.u32 s9, $0xF7A;
	s5 =	simm.s32 @!p2 $0x0  }
0x1d: {  	s5 =	simm.s32 @p1 $0x1;
	p0 =	seq.s32 s7, s2  }
0x1e: {  	s7 =	smul.u32 @!p0 $0xF7A, s2;
	p2 =	seq.s32 @!p0 s5, $0x0  }
0x1f: {  	s9 =	smul.u32 $0xF7A, s1;
	s8 =	simm.s32 @!p0 $0x1BF5;
	p2 =	por !p2, p0  }
0x20: {  	[sflag:s8] =	ssyncset.s32 @!p0 $0xFFFFF086;
	s6 =	sadd.s32 @!p0 s3, s7;
	s7 =	simm.s32 @!p0 $0x108  }
0x21: {  	s3 =	sadd.s32 s3, s9;
	s6 =	sadd.s32 @!p0 $0x88, s6;
	s7 =	simm.s32 @p2 $0x1082  }
0x22: {  	[simem:s7], [sflag:s8] =	dma.local @!p0 [hbm:s6], $0xF7A  }
0x23: {  	s9 =	sor.u32 $0xD0000000, s2;
	s6 =	simm.s32 $0x108;
	_ =	swait.ge @!p0 [sflag:s8], $0x0  }
0x24: {  	s3 =	sadd.s32 $0x88, s3;
	s6 =	simm.s32 @!p1 $0x1082;
	[sflag:s4] =	ssyncset.s32 $0xFFFFF086  }
0x25: {  	[simem:s6], [sflag:s4] =	dma.local [hbm:s3], $0xF7A  }
0x26: {  	[smem:$0x3F92] =	sst s1;
	(tag) =	ssettag s2;
	_ =	strace s9  }
0x27: {  	s1 =	sld [smem:$0x3FA2]  }
0x28: {  	s2 =	sld [smem:$0x3FA3]  }
0x29: {  	s4 =	sld [smem:$0x3FA5]  }
0x2a: {  	p0 =	seq.s32 s5, $0x0;
	s5 =	sld [smem:$0x3FA6]  }
0x2b: {  	s6 =	sld [smem:$0x3FA7]  }
0x2c: {  	s7 =	sld [smem:$0x3FA8]  }
0x2d: {  	s3 =	simm.s32 $0x108;
	s8 =	sld [smem:$0x3FA9]  }
0x2e: {  	s3 =	simm.s32 @!p0 $0x1082;
	s9 =	sld [smem:$0x3FAA]  }
0x2f: {  	lr =	sadd.s32 s0, s3;
	s0 =	sld [smem:$0x3FA1]  }
0x30: {  	s3 =	sld [smem:$0x3FA4]  }
0x31: {  	[smem:$0x3FAD] =	sst s10  }
0x32: {  	s10 =	sld [smem:$0x3FAB];
	_ =	sdelay $0x3  }
0x33: {  	p0 =	seq.s32 s10, $0x1;
	s10 =	sld [smem:$0x3FAD];
	_ =	sdelay $0x3  }
0x34: {  	[smem:$0x3FAD] =	sst s10  }
0x35: {  	s10 =	sld [smem:$0x3FAC];
	_ =	sdelay $0x3  }
0x36: {  	p1 =	seq.s32 s10, $0x1;
	s10 =	sld [smem:$0x3FAD];
	_ =	sdelay $0x3  }
0x37: {  	[smem:$0x3FAD] =	sst s10  }
0x38: {  	s10 =	sld [smem:$0x3FAE]  }
0x39: {  	_ = 	snop;
	(pc) =	sbr.ind lr, $3  }
0x3a: {  	_ = 	snop  }
0x3b: {  	_ = 	snop  }
0x3c: {  	p2 =	seq.s32 s10, $0x1;
	s10 =	sld [smem:$0x3FAD]  }
0x3d: {  	_ =	shalt  }
0x3e: {  	_ =	shalt  }
0x3f: {  	_ =	shalt  }
0x40: {  	_ =	shalt  }
0x41: {  	_ =	shalt  }
0x42: {  	_ =	shalt  }
0x43: {  	_ =	shalt  }
0x44: {  	_ =	shalt  }
0x45: {  	_ =	shalt  }
0x46: {  	_ =	shalt  }
0x47: {  	_ =	shalt  }
0x48: {  	_ =	shalt  }
0x49: {  	_ =	shalt  }
0x4a: {  	_ =	shalt  }
0x4b: {  	_ =	shalt  }
0x4c: {  	_ =	shalt  }
0x4d: {  	_ =	shalt  }
0x4e: {  	_ =	shalt  }
0x4f: {  	_ =	shalt  }
0x50: {  	_ =	shalt  }
0x51: {  	_ =	shalt  }
0x52: {  	_ =	shalt  }
0x53: {  	_ =	shalt  }
0x54: {  	_ =	shalt  }
0x55: {  	_ =	shalt  }
0x56: {  	_ =	shalt  }
0x57: {  	_ =	shalt  }
0x58: {  	_ =	shalt  }
0x59: {  	_ =	shalt  }
0x5a: {  	_ =	shalt  }
0x5b: {  	_ =	shalt  }
0x5c: {  	_ =	shalt  }
0x5d: {  	_ =	shalt  }
0x5e: {  	_ =	shalt  }
0x5f: {  	_ =	shalt  }
0x60: {  	_ =	shalt  }
0x61: {  	_ =	shalt  }
0x62: {  	_ =	shalt  }
0x63: {  	_ =	shalt  }
0x64: {  	_ =	shalt  }
0x65: {  	_ =	shalt  }
0x66: {  	_ =	shalt  }
0x67: {  	_ =	shalt  }
0x68: {  	_ =	shalt  }
0x69: {  	_ =	shalt  }
0x6a: {  	_ =	shalt  }
0x6b: {  	_ =	shalt  }
0x6c: {  	_ =	shalt  }
0x6d: {  	_ =	shalt  }
0x6e: {  	_ =	shalt  }
0x6f: {  	_ =	shalt  }
0x70: {  	_ =	shalt  }
0x71: {  	_ =	shalt  }
0x72: {  	_ =	shalt  }
0x73: {  	_ =	shalt  }
0x74: {  	_ =	shalt  }
0x75: {  	_ =	shalt  }
0x76: {  	_ =	shalt  }
0x77: {  	_ =	shalt  }
0x78: {  	_ =	shalt  }
0x79: {  	_ =	shalt  }
0x7a: {  	_ =	shalt  }
0x7b: {  	_ =	shalt  }
0x7c: {  	_ =	shalt  }
0x7d: {  	_ =	shalt  }
0x7e: {  	_ =	shalt  }
0x7f: {  	_ =	shalt  }
0x80: {  	_ =	shalt  }
0x81: {  	_ =	shalt  }
0x82: {  	_ =	shalt  }
0x83: {  	_ =	shalt  }
0x84: {  	_ =	shalt  }
0x85: {  	_ =	shalt  }
0x86: {  	_ =	shalt  }
0x87: {  	_ =	shalt  }
.Lfunc_end0:
.L_simem_size_0:
called_computation.3_lowered:
.L_overlay_start_0:
0x88: {  	s2 =	sld [smem:$0x3FD9]  }
0x89: {  	s3 =	sld [smem:$0x3FFE];
	_ =	sdelay $0x1  }
0x8a: {  	s1 =	srdreg.scid  }
0x8b: {  	s0 =	sand.u32 $0x1, s1  }
0x8c: {  	s16 =	sshll.u32 s0, $0xA;
	s2 =	sadd.s32 s3, s2  }
0x8d: {  	s2 =	sadd.s32 s2, s16  }
0x8e: {  	[smem:$0x3FB9] =	sst s2  }
0x8f: {  	_ = 	snop  }
0x90: {  	(tm) =	ssettm $0x1  }
0x91: {  	s17 =	sld [smem:$0x3FFB];
	_ =	sdelay $0x3  }
0x92: {  	_ =	strace s17  }
0x93: {  	s2 =	sld [smem:$0x3FFC];
	_ =	sdelay $0x3  }
0x94: {  	_ =	strace s2  }
0x95: {  	s2 =	sld [smem:$0x3FFD];
	_ =	sdelay $0x3  }
0x96: {  	_ =	strace s2  }
0x97: {  	_ =	strace $0x8FFFFFFF  }
0x98: {  	s18 =	sld [smem:$0x3FDB];
	_ =	sdelay $0x1  }
0x99: {  	s19 =	simm.s32 $_scs_section_size  }
0x9a: {  	s4 =	simm.s32 $_size__tile_overlayer_lowered;
	s5 =	simm.s32 $_tile_overlayer_lowered  }
0x9b: {  	s22 =	simm.s32 $0x1BFF;
	s21 =	sshll.u32 s5, $0x1;
	s2 =	sadd.s32 s19, s18  }
0x9c: {  	s6 =	simm.s32 $0x0;
	s20 =	sshll.u32 s4, $0x1;
	s4 =	sadd.s32 s21, s2  }
0x9d: {  	[timem:s6], [sflag:s22] =	dma.local [hbm:s4], s20  }
0x9e: {  	_ =	swait.ge [sflag:s22], s20  }
0x9f: {  	s3 =	ssub.s32 $0x0, s20;
	[sflag:s22] =	ssyncset.done $0x0  }
0xa0: {  	[sflag:s22] =	ssyncadd.s32 s3;
	_ =	sdelay $0x1  }
0xa1: {  	s23 =	simm.s32 $0x1B8B  }
0xa2: {  	_ =	swait.ge [sflag:s23], $0x1  }
0xa3: {  	[sflag:s23] =	ssyncset.done $0x0  }
0xa4: {  	s25 =	simm.s32 $0x1B8E;
	s24 =	sld [smem:$0x3FFE];
	[sflag:s23] =	ssyncadd.s32 $0xFFFFFFFF  }
0xa5: {  	s26 =	simm.s32 $execute0_lowered;
	[smem:$0x3FD2] =	sst s25  }
0xa6: {  	s4 =	sshll.u32 s26, $0x1;
	_ =	strace $0x8000004F;
	[dreg:$0x1] =	wrdreg $0xFFFFFFFF  }
0xa7: {  	s28 =	simm.s32 $_size_execute0_lowered;
	s2 =	sadd.s32 s2, s4;
	[dreg:$0x0] =	wrdreg $0x0  }
0xa8: {  	s4 =	sshll.u32 s28, $0x1;
	[dreg:$0x2] =	wrdreg s2  }
0xa9: {  	[dreg:$0x3] =	wrdreg s4  }
0xaa: {  	[dreg:$0x4] =	wrdreg $0xC0  }
0xab: {  	_ =	task [dreg:s6], $0x5FFFF  }
0xac: {  	[dreg:$0x1] =	wrdreg $0xFFFFFFFF  }
0xad: {  	[dreg:$0x0] =	wrdreg $0x60  }
0xae: {  	[dreg:$0x2] =	wrdreg s24  }
0xaf: {  	[dreg:$0x3] =	wrdreg $0xA8000  }
0xb0: {  	[dreg:$0x4] =	wrdreg $0x9  }
0xb1: {  	_ =	task.clear_ibuf [dreg:s6], $0x5FFFF;
	_ =	strace $0x9000004F  }
0xb2: {  	s29 =	simm.s32 $0x9;
	_ =	strace $0x80000051  }
0xb3: {  	_ =	swait.ge [sflag:s29], $0x1  }
0xb4: {  	[sflag:s29] =	ssyncadd.s32 $0xFFFFFFFF  }
0xb5: {  	_ =	strace $0x90000051  }
0xb6: {  	_ =	sfence  }
0xb7: {  	s30 =	sld [smem:$0x0];
	_ =	sdelay $0x2  }
0xb8: {  	s31 =	sshll.u32 s1, $0xD;
	s1 =	sshrl.u32 s1, $0x2  }
0xb9: {  	s3 =	sand.u32 $0x4000, s31;
	s1 =	sadd.s32 s1, s30  }
0xba: {  	s0 =	sor.u32 s3, s0;
	s1 =	sshll.u32 s1, $0x11  }
0xbb: {  	s0 =	sor.u32 s1, s0  }
0xbc: {  	s0 =	sadd.s32 $0x8F2B, s0  }
0xbd: {  	[sflag:s0] =	ssyncadd.remote.s32 $0x1  }
0xbe: {  	_ =	sfence.sel $0xFFFF  }
0xbf: {  	[dreg:$0x0] =	wrdreg $0xFFFFFFFF;
	(pc) =	sbr.abs _section_cstart, $3  }
0xc0: {  	[dreg:$0x1] =	wrdreg $0xFFFFFFFF  }
0xc1: {  	_ =	task.clear_ibuf [dreg:s6], $0x2FFFF;
	_ =	strace $0x9FFFFFFF  }
0xc2: {  	(tm) =	ssettm $0x7FFFFFFF  }
0xc3: {  	_ =	shalt  }
tec
execute0_lowered:
.L_overlay_start_1:
0x0: {  	(tag) =	ssettag $0x1  }
0x1: {  	s0 =	rddreg [dreg:$0x0]  }
0x2: {  	s1 =	rddreg [dreg:$0x1]  }
0x3: {  	s2 =	simm.s32 $0x0;
	s3 =	srdreg.scid;
	s20 =	simm.s32 $0x7D  }
0x4: {  	s21 =	simm.s32 $0x2800;
	s22 =	simm.s32 $0x6800;
	s23 =	simm.s32 $0x1  }
0x5: {  	s28 =	simm.s32 $0x2780;
	s29 =	simm.s32 $0x0;
	[smem:$0x7FF] =	sst s2  }
0x6: {  	s9 =	sand.u32 $0x1, s3;
	s3 =	stileid.u32;
	s4 =	sadd.s32 $0x10600, s0  }
0x7: {  	s11 =	sadd.s32 $0x69000, s0;
	s18 =	sadd.s32 $0x124800, s1;
	s13 =	smul.u32 $0x4E000, s3  }
0x8: {  	s12 =	sadd.s32 $0x5F000, s0;
	_ =	strace $0x80000050;
	s30 =	smul.u32 $0x27100, s9  }
0x9: {  	s5 =	sshll.u32 s9, $0x4;
	s6 =	ssub.s32 $0x2, s9;
	s16 =	smul.u32 $0x138800, s9  }
0xa: {  	s17 =	smul.u32 $0x2700, s3;
	p0 =	seq.s32 s3, $0xF;
	s7 =	sor.u32 s3, s5  }
0xb: {  	s5 =	sadd.s32 $0xDE00, s0;
	s10 =	sshrl.u32 s6, $0x1;
	s0 =	sadd.s32 $0x73000, s0  }
0xc: {  	s18 =	sshrl.u32 @p0 s18, $0x3;
	s8 =	smul.u32 $0x280, s7;
	s15 =	ssub.s32 s6, s10  }
0xd: {  	s24 =	smul.u32 $0x500, s7;
	s13 =	sshrl.u32 s13, $0x2;
	s16 =	sshrl.u32 s16, $0x3  }
0xe: {  	s14 =	smul.u32 $0x2800, s7;
	s31 =	sadd.s32 s0, s16;
	s15 =	smax.u32 s15, $0x1  }
0xf: {  	s16 =	simm.s32 $0x3;
	s25 =	sadd.s32 s11, s8;
	s26 =	sadd.s32 s12, s8  }
0x10: {  	s8 =	sadd.s32 s13, s1;
	s14 =	sshrl.u32 s14, $0x3;
	s9 =	sadd.s32 s11, s24  }
0x11: {  	s10 =	sadd.s32 s12, s24;
	s13 =	sadd.s32 s17, s30;
	[dreg:$0x3] =	wrdreg s25  }
0x12: {  	s17 =	simm.s32 $0x1400;
	s24 =	simm.s32 $0x2;
	[dreg:$0x4] =	wrdreg s26  }
0x13: {  	s14 =	sadd.s32 $0x280, s14;
	s13 =	sadd.s32 s0, s13;
	s0 =	sshll.u32 @!p0 s3, $0x6  }
0x14: {  	s25 =	simm.s32 $0x1380;
	s26 =	simm.s32 $0x2700;
	s11 =	sadd.s32 s11, s14  }
0x15: {  	s12 =	sadd.s32 s12, s14;
	s14 =	sadd.s32 $0x24900, s31;
	s19 =	sor.u32 @!p0 $0x1C03, s0  }
.LBB2_1:
0x16: {  	s0 =	rddreg [dreg:$0x3]  }
0x17: {  	[tilespmem:s2], [sflag:$0x3] =	stream.linear.gather [hbm4b:s0+s2], $0x1400, $0x38;
	[tilespmem:$0x1E080] =	vst v63  }
0x18: {  	_ =	swait.ge [sflag:s16], $0x1400  }
0x19: {  	[sflag:s16] =	ssyncset.done $0x0  }
0x1a: {  	s6 =	rddreg [dreg:$0x4];
	[sflag:s16] =	ssyncadd.s32 $0xFFFFEC00  }
0x1b: {  	[tilespmem:s17], [sflag:$0x3] =	stream.linear.gather [hbm4b:s6+s2], $0x1400, $0x38;
	[tilespmem:$0x1E080] =	vst v63  }
0x1c: {  	_ =	swait.ge [sflag:s16], $0x1400  }
0x1d: {  	[sflag:s16] =	ssyncset.done $0x0  }
0x1e: {  	s0 =	simm.s32 @p0 $0x1FC3;
	[sflag:s16] =	ssyncadd.s32 $0xFFFFEC00  }
0x1f: {  	[spmem:s18], [sflag:s0] =	dma.local @p0 [hbm:s5], $0x2800  }
0x20: {  	s0 =	simm.s32 @p0 $0x3  }
0x21: {  	_ =	swait.ge @p0 [sflag:s0], $0x2800  }
0x22: {  	[sflag:s0] =	ssyncset.done @p0 $0x0  }
0x23: {  	s30 =	sshrl.u32 @!p0 s8, $0x3;
	[sflag:s0] =	ssyncadd.s32 @p0 $0xFFFFD800;
	s0 =	simm.s32 @!p0 $0x3  }
0x24: {  	[spmem:s30], [sflag:s19] =	dma.local @!p0 [hbm:s5], $0x2700  }
0x25: {  	_ =	swait.ge @!p0 [sflag:s0], $0x2700  }
0x26: {  	[sflag:s0] =	ssyncset.done @!p0 $0x0  }
0x27: {  	[sflag:s0] =	ssyncadd.s32 @!p0 $0xFFFFD900  }
0x28: {  	[bflag:$0x0] =	sbarrier.arrive $0xFFFF  }
0x29: {  	[tilespmem:s2], [sflag:$0x3] =	stream.linear.gather [hbm4b:s9+s2], $0x1400, $0x38;
	[tilespmem:$0x1E080] =	vst v63  }
0x2a: {  	_ =	swait.ge [sflag:s16], $0x1400  }
0x2b: {  	[sflag:s16] =	ssyncset.done $0x0  }
0x2c: {  	[sflag:s16] =	ssyncadd.s32 $0xFFFFEC00  }
0x2d: {  	[tilespmem:s17], [sflag:$0x3] =	stream.linear.gather [hbm4b:s10+s2], $0x1400, $0x38;
	[tilespmem:$0x1E080] =	vst v63  }
0x2e: {  	_ =	swait.ge [sflag:s16], $0x1400  }
0x2f: {  	[sflag:s16] =	ssyncset.done $0x0  }
0x30: {  	[sflag:s16] =	ssyncadd.s32 $0xFFFFEC00  }
0x31: {  	[tilespmem:s21], [sflag:$0x1] =	stream.indirect.gather [hbm4b:s4+s20], $0x80, s2, s20, $0xb8;
	[tilespmem:$0x1E080] =	vst v63  }
0x32: {  	s7 =	simm.s32 $0x80  }
0x33: {  	[tilespmem:s22], [sflag:$0x2] =	stream.indirect.gather [hbm4b:s4+s20], $0x80, s7, s20, $0xb8;
	[tilespmem:$0x1E080] =	vst v63  }
0x34: {  	_ =	swait.ge [sflag:s23], $0x3E80  }
0x35: {  	[sflag:s23] =	ssyncset.done $0x0  }
0x36: {  	s3 =	simm.s32 $0x1400;
	[sflag:s23] =	ssyncadd.s32 $0xFFFFC180  }
0x37: {  	[spmem:s1] =	stream.indirect.scatter.add.f32 [tilespmem:s21], [sflag:$0x3], $0x80, s3, s20, $0xb8;
	[tilespmem:$0x1E080] =	vst v63  }
0x38: {  	_ =	swait.ge [sflag:s16], $0x3E80  }
0x39: {  	[sflag:s16] =	ssyncset.done $0x0  }
0x3a: {  	s6 =	simm.s32 $0x100;
	[sflag:s16] =	ssyncadd.s32 $0xFFFFC180  }
0x3b: {  	[tilespmem:s21], [sflag:$0x1] =	stream.indirect.gather [hbm4b:s4+s20], $0x80, s6, s20, $0xb8;
	[tilespmem:$0x1E080] =	vst v63  }
0x3c: {  	_ =	swait.ge [sflag:s24], $0x3E80  }
0x3d: {  	[sflag:s24] =	ssyncset.done $0x0  }
0x3e: {  	s7 =	simm.s32 $0x1480;
	[sflag:s24] =	ssyncadd.s32 $0xFFFFC180  }
0x3f: {  	[spmem:s1] =	stream.indirect.scatter.add.f32 [tilespmem:s22], [sflag:$0x3], $0x80, s7, s20, $0xb8;
	[tilespmem:$0x1E080] =	vst v63  }
0x40: {  	_ =	swait.ge [sflag:s16], $0x3E80  }
0x41: {  	s31 =	simm.s32 $0x100;
	s0 =	simm.s32 $0x800;
	[sflag:s16] =	ssyncset.done $0x0  }
.LBB2_2:
0x42: {  	s3 =	sadd.s32 $0x80, s31  }
0x43: {  	[sflag:s16] =	ssyncadd.s32 $0xFFFFC180;
	s6 =	smov.u32 s0;
	s7 =	sadd.s32 $0x400, s0  }
0x44: {  	[tilespmem:s22], [sflag:$0x2] =	stream.indirect.gather [hbm4b:s4+s20], $0x80, s3, s20, $0xb8;
	[tilespmem:$0x1E080] =	vst v63  }
0x45: {  	p1 =	sne.s32 s0, $0x4800;
	_ =	swait.ge [sflag:s23], $0x3E80  }
0x46: {  	[sflag:s23] =	ssyncset.done $0x0  }
0x47: {  	s0 =	sadd.s32 $0x1400, s31;
	[sflag:s23] =	ssyncadd.s32 $0xFFFFC180  }
0x48: {  	[spmem:s1] =	stream.indirect.scatter.add.f32 [tilespmem:s21], [sflag:$0x3], $0x80, s0, s20, $0xb8;
	[tilespmem:$0x1E080] =	vst v63  }
0x49: {  	_ =	swait.ge [sflag:s16], $0x3E80  }
0x4a: {  	[sflag:s16] =	ssyncset.done $0x0  }
0x4b: {  	s0 =	sadd.s32 $0x100, s31;
	[sflag:s16] =	ssyncadd.s32 $0xFFFFC180  }
0x4c: {  	[tilespmem:s21], [sflag:$0x1] =	stream.indirect.gather [hbm4b:s4+s20], $0x80, s0, s20, $0xb8;
	[tilespmem:$0x1E080] =	vst v63  }
0x4d: {  	_ =	swait.ge [sflag:s24], $0x3E80  }
.Ltmp0:
0x4e: {  	[sflag:s24] =	ssyncset.done $0x0;
	(pc) =	sbr.rel @p1 .LBB2_2-.Ltmp0, $4  }
0x4f: {  	s0 =	sadd.s32 $0x1480, s31;
	[sflag:s24] =	ssyncadd.s32 $0xFFFFC180  }
0x50: {  	[spmem:s1] =	stream.indirect.scatter.add.f32 [tilespmem:s22], [sflag:$0x3], $0x80, s0, s20, $0xb8;
	[tilespmem:$0x1E080] =	vst v63  }
0x51: {  	_ =	swait.ge [sflag:s16], $0x3E80  }
0x52: {  	s31 =	sshra.s32 s6, $0x2;
	s0 =	smov.u32 s7;
	[sflag:s16] =	ssyncset.done $0x0  }
0x53: {  	s0 =	sadd.s32 $0x80, s31;
	[sflag:s16] =	ssyncadd.s32 $0xFFFFC180  }
0x54: {  	[tilespmem:s22], [sflag:$0x2] =	stream.indirect.gather [hbm4b:s4+s20], $0x80, s0, s20, $0xb8;
	[tilespmem:$0x1E080] =	vst v63  }
0x55: {  	_ =	swait.ge [sflag:s23], $0x3E80  }
0x56: {  	[sflag:s23] =	ssyncset.done $0x0  }
0x57: {  	s6 =	sadd.s32 $0x1400, s31;
	[sflag:s23] =	ssyncadd.s32 $0xFFFFC180  }
0x58: {  	[spmem:s1] =	stream.indirect.scatter.add.f32 [tilespmem:s21], [sflag:$0x3], $0x80, s6, s20, $0xb8;
	[tilespmem:$0x1E080] =	vst v63  }
0x59: {  	_ =	swait.ge [sflag:s16], $0x3E80  }
0x5a: {  	[sflag:s16] =	ssyncset.done $0x0  }
0x5b: {  	s7 =	sadd.s32 $0x100, s31;
	[sflag:s16] =	ssyncadd.s32 $0xFFFFC180  }
0x5c: {  	[tilespmem:s21], [sflag:$0x1] =	stream.indirect.gather [hbm4b:s4+s20], $0x80, s7, s20, $0xb8;
	[tilespmem:$0x1E080] =	vst v63  }
0x5d: {  	_ =	swait.ge [sflag:s24], $0x3E80  }
0x5e: {  	[sflag:s24] =	ssyncset.done $0x0  }
0x5f: {  	s3 =	sadd.s32 $0x1480, s31;
	[sflag:s24] =	ssyncadd.s32 $0xFFFFC180  }
0x60: {  	[spmem:s1] =	stream.indirect.scatter.add.f32 [tilespmem:s22], [sflag:$0x3], $0x80, s3, s20, $0xb8;
	[tilespmem:$0x1E080] =	vst v63  }
0x61: {  	_ =	swait.ge [sflag:s16], $0x3E80  }
0x62: {  	[sflag:s16] =	ssyncset.done $0x0  }
0x63: {  	[sflag:s16] =	ssyncadd.s32 $0xFFFFC180  }
0x64: {  	[tilespmem:s22], [sflag:$0x2] =	stream.indirect.gather [hbm4b:s4+s20], $0x80, s25, s20, $0xb8;
	[tilespmem:$0x1E080] =	vst v63  }
0x65: {  	_ =	swait.ge [sflag:s23], $0x3E80  }
0x66: {  	[sflag:s23] =	ssyncset.done $0x0  }
0x67: {  	[sflag:s23] =	ssyncadd.s32 $0xFFFFC180  }
0x68: {  	[spmem:s1] =	stream.indirect.scatter.add.f32 [tilespmem:s21], [sflag:$0x3], $0x80, s26, s20, $0xb8;
	[tilespmem:$0x1E080] =	vst v63  }
0x69: {  	_ =	swait.ge [sflag:s16], $0x3E80  }
0x6a: {  	[sflag:s16] =	ssyncset.done $0x0  }
0x6b: {  	[sflag:s16] =	ssyncadd.s32 $0xFFFFC180  }
0x6c: {  	[tilespmem:s21], [sflag:$0x1] =	stream.indirect.gather [hbm4b:s4+s20], $0x80, s25, s20, $0xb8;
	[tilespmem:$0x1E080] =	vst v63  }
0x6d: {  	_ =	swait.ge [sflag:s24], $0x3E80  }
0x6e: {  	[sflag:s24] =	ssyncset.done $0x0  }
0x6f: {  	[sflag:s24] =	ssyncadd.s32 $0xFFFFC180  }
0x70: {  	[spmem:s1] =	stream.indirect.scatter.add.f32 [tilespmem:s22], [sflag:$0x3], $0x80, s28, s20, $0xb8;
	[tilespmem:$0x1E080] =	vst v63  }
0x71: {  	_ =	swait.ge [sflag:s16], $0x3E80  }
0x72: {  	[sflag:s16] =	ssyncset.done $0x0  }
0x73: {  	[sflag:s16] =	ssyncadd.s32 $0xFFFFC180  }
0x74: {  	_ =	swait.ge [sflag:s23], $0x3E80  }
0x75: {  	[sflag:s23] =	ssyncset.done $0x0  }
0x76: {  	s6 =	simm.s32 $0x0;
	[sflag:s23] =	ssyncadd.s32 $0xFFFFC180  }
0x77: {  	[tilespmem:s6], [sflag:$0x3] =	stream.linear.gather [hbm4b:s11+s6], $0x1400, $0x38;
	[tilespmem:$0x1E080] =	vst v63  }
0x78: {  	_ =	swait.ge [sflag:s16], $0x1400  }
0x79: {  	[sflag:s16] =	ssyncset.done $0x0  }
0x7a: {  	[sflag:s16] =	ssyncadd.s32 $0xFFFFEC00  }
0x7b: {  	[tilespmem:s17], [sflag:$0x3] =	stream.linear.gather [hbm4b:s12+s6], $0x1400, $0x38;
	[tilespmem:$0x1E080] =	vst v63  }
0x7c: {  	_ =	swait.ge [sflag:s16], $0x1400  }
0x7d: {  	[sflag:s16] =	ssyncset.done $0x0  }
0x7e: {  	[sflag:s16] =	ssyncadd.s32 $0xFFFFEC00  }
0x7f: {  	[tilespmem:s21], [sflag:$0x1] =	stream.indirect.gather [hbm4b:s4+s20], $0x80, s6, s20, $0xb8;
	[tilespmem:$0x1E080] =	vst v63  }
0x80: {  	s7 =	simm.s32 $0x80  }
0x81: {  	[tilespmem:s22], [sflag:$0x2] =	stream.indirect.gather [hbm4b:s4+s20], $0x80, s7, s20, $0xb8;
	[tilespmem:$0x1E080] =	vst v63  }
0x82: {  	_ =	swait.ge [sflag:s23], $0x3E80  }
0x83: {  	[sflag:s23] =	ssyncset.done $0x0  }
0x84: {  	s3 =	simm.s32 $0x1400;
	[sflag:s23] =	ssyncadd.s32 $0xFFFFC180  }
0x85: {  	[spmem:s1] =	stream.indirect.scatter.add.f32 [tilespmem:s21], [sflag:$0x3], $0x80, s3, s20, $0xb8;
	[tilespmem:$0x1E080] =	vst v63  }
0x86: {  	_ =	swait.ge [sflag:s16], $0x3E80  }
0x87: {  	[sflag:s16] =	ssyncset.done $0x0  }
0x88: {  	s6 =	simm.s32 $0x100;
	[sflag:s16] =	ssyncadd.s32 $0xFFFFC180  }
0x89: {  	[tilespmem:s21], [sflag:$0x1] =	stream.indirect.gather [hbm4b:s4+s20], $0x80, s6, s20, $0xb8;
	[tilespmem:$0x1E080] =	vst v63  }
0x8a: {  	_ =	swait.ge [sflag:s24], $0x3E80  }
0x8b: {  	[sflag:s24] =	ssyncset.done $0x0  }
0x8c: {  	s7 =	simm.s32 $0x1480;
	[sflag:s24] =	ssyncadd.s32 $0xFFFFC180  }
0x8d: {  	[spmem:s1] =	stream.indirect.scatter.add.f32 [tilespmem:s22], [sflag:$0x3], $0x80, s7, s20, $0xb8;
	[tilespmem:$0x1E080] =	vst v63  }
0x8e: {  	_ =	swait.ge [sflag:s16], $0x3E80  }
0x8f: {  	s31 =	simm.s32 $0x100;
	s0 =	simm.s32 $0x800;
	[sflag:s16] =	ssyncset.done $0x0  }
.LBB2_4:
0x90: {  	s3 =	sadd.s32 $0x80, s31  }
0x91: {  	[sflag:s16] =	ssyncadd.s32 $0xFFFFC180;
	s6 =	smov.u32 s0;
	s7 =	sadd.s32 $0x400, s0  }
0x92: {  	[tilespmem:s22], [sflag:$0x2] =	stream.indirect.gather [hbm4b:s4+s20], $0x80, s3, s20, $0xb8;
	[tilespmem:$0x1E080] =	vst v63  }
0x93: {  	p1 =	sne.s32 s0, $0x4800;
	_ =	swait.ge [sflag:s23], $0x3E80  }
0x94: {  	[sflag:s23] =	ssyncset.done $0x0  }
0x95: {  	s0 =	sadd.s32 $0x1400, s31;
	[sflag:s23] =	ssyncadd.s32 $0xFFFFC180  }
0x96: {  	[spmem:s1] =	stream.indirect.scatter.add.f32 [tilespmem:s21], [sflag:$0x3], $0x80, s0, s20, $0xb8;
	[tilespmem:$0x1E080] =	vst v63  }
0x97: {  	_ =	swait.ge [sflag:s16], $0x3E80  }
0x98: {  	[sflag:s16] =	ssyncset.done $0x0  }
0x99: {  	s0 =	sadd.s32 $0x100, s31;
	[sflag:s16] =	ssyncadd.s32 $0xFFFFC180  }
0x9a: {  	[tilespmem:s21], [sflag:$0x1] =	stream.indirect.gather [hbm4b:s4+s20], $0x80, s0, s20, $0xb8;
	[tilespmem:$0x1E080] =	vst v63  }
0x9b: {  	_ =	swait.ge [sflag:s24], $0x3E80  }
.Ltmp1:
0x9c: {  	[sflag:s24] =	ssyncset.done $0x0;
	(pc) =	sbr.rel @p1 .LBB2_4-.Ltmp1, $4  }
0x9d: {  	s0 =	sadd.s32 $0x1480, s31;
	[sflag:s24] =	ssyncadd.s32 $0xFFFFC180  }
0x9e: {  	[spmem:s1] =	stream.indirect.scatter.add.f32 [tilespmem:s22], [sflag:$0x3], $0x80, s0, s20, $0xb8;
	[tilespmem:$0x1E080] =	vst v63  }
0x9f: {  	_ =	swait.ge [sflag:s16], $0x3E80  }
0xa0: {  	s31 =	sshra.s32 s6, $0x2;
	s0 =	smov.u32 s7;
	[sflag:s16] =	ssyncset.done $0x0  }
0xa1: {  	s0 =	sadd.s32 $0x80, s31;
	[sflag:s16] =	ssyncadd.s32 $0xFFFFC180  }
0xa2: {  	[tilespmem:s22], [sflag:$0x2] =	stream.indirect.gather [hbm4b:s4+s20], $0x80, s0, s20, $0xb8;
	[tilespmem:$0x1E080] =	vst v63  }
0xa3: {  	_ =	swait.ge [sflag:s23], $0x3E80  }
0xa4: {  	[sflag:s23] =	ssyncset.done $0x0  }
0xa5: {  	s6 =	sadd.s32 $0x1400, s31;
	[sflag:s23] =	ssyncadd.s32 $0xFFFFC180  }
0xa6: {  	[spmem:s1] =	stream.indirect.scatter.add.f32 [tilespmem:s21], [sflag:$0x3], $0x80, s6, s20, $0xb8;
	[tilespmem:$0x1E080] =	vst v63  }
0xa7: {  	_ =	swait.ge [sflag:s16], $0x3E80  }
0xa8: {  	[sflag:s16] =	ssyncset.done $0x0  }
0xa9: {  	s7 =	sadd.s32 $0x100, s31;
	[sflag:s16] =	ssyncadd.s32 $0xFFFFC180  }
0xaa: {  	[tilespmem:s21], [sflag:$0x1] =	stream.indirect.gather [hbm4b:s4+s20], $0x80, s7, s20, $0xb8;
	[tilespmem:$0x1E080] =	vst v63  }
0xab: {  	_ =	swait.ge [sflag:s24], $0x3E80  }
0xac: {  	[sflag:s24] =	ssyncset.done $0x0  }
0xad: {  	s31 =	sadd.s32 $0x1480, s31;
	[sflag:s24] =	ssyncadd.s32 $0xFFFFC180  }
0xae: {  	[spmem:s1] =	stream.indirect.scatter.add.f32 [tilespmem:s22], [sflag:$0x3], $0x80, s31, s20, $0xb8;
	[tilespmem:$0x1E080] =	vst v63  }
0xaf: {  	_ =	swait.ge [sflag:s16], $0x3E80  }
0xb0: {  	[sflag:s16] =	ssyncset.done $0x0  }
0xb1: {  	[sflag:s16] =	ssyncadd.s32 $0xFFFFC180  }
0xb2: {  	[tilespmem:s22], [sflag:$0x2] =	stream.indirect.gather [hbm4b:s4+s20], $0x80, s25, s20, $0xb8;
	[tilespmem:$0x1E080] =	vst v63  }
0xb3: {  	_ =	swait.ge [sflag:s23], $0x3E80  }
0xb4: {  	[sflag:s23] =	ssyncset.done $0x0  }
0xb5: {  	[sflag:s23] =	ssyncadd.s32 $0xFFFFC180  }
0xb6: {  	[spmem:s1] =	stream.indirect.scatter.add.f32 [tilespmem:s21], [sflag:$0x3], $0x80, s26, s20, $0xb8;
	[tilespmem:$0x1E080] =	vst v63  }
0xb7: {  	_ =	swait.ge [sflag:s16], $0x3E80  }
0xb8: {  	[sflag:s16] =	ssyncset.done $0x0  }
0xb9: {  	[sflag:s16] =	ssyncadd.s32 $0xFFFFC180  }
0xba: {  	[tilespmem:s21], [sflag:$0x1] =	stream.indirect.gather [hbm4b:s4+s20], $0x80, s25, s20, $0xb8;
	[tilespmem:$0x1E080] =	vst v63  }
0xbb: {  	_ =	swait.ge [sflag:s24], $0x3E80  }
0xbc: {  	[sflag:s24] =	ssyncset.done $0x0  }
0xbd: {  	[sflag:s24] =	ssyncadd.s32 $0xFFFFC180  }
0xbe: {  	[spmem:s1] =	stream.indirect.scatter.add.f32 [tilespmem:s22], [sflag:$0x3], $0x80, s28, s20, $0xb8;
	[tilespmem:$0x1E080] =	vst v63  }
0xbf: {  	_ =	swait.ge [sflag:s16], $0x3E80  }
0xc0: {  	[sflag:s16] =	ssyncset.done $0x0  }
0xc1: {  	[sflag:s16] =	ssyncadd.s32 $0xFFFFC180  }
0xc2: {  	_ =	swait.ge [sflag:s23], $0x3E80  }
0xc3: {  	[sflag:s23] =	ssyncset.done $0x0  }
0xc4: {  	[sflag:s23] =	ssyncadd.s32 $0xFFFFC180  }
0xc5: {  	s0 =	simm.s32 @p0 $0x1FC3;
	[bflag:$0x0] =	sbarrier.arrive $0xFFFF  }
0xc6: {  	[hbm:s14], [sflag:s0] =	dma.local @p0 [spmem:s18], $0x2800  }
0xc7: {  	s0 =	simm.s32 @p0 $0x3  }
0xc8: {  	s29 =	sadd.s32 $0x1, s29;
	_ =	swait.ge @p0 [sflag:s0], $0x2800  }
0xc9: {  	p1 =	sne.s32 s29, s15;
	[sflag:s0] =	ssyncset.done @p0 $0x0  }
.Ltmp2:
0xca: {  	[sflag:s0] =	ssyncadd.s32 @p0 $0xFFFFD800;
	s0 =	simm.s32 @!p0 $0x3;
	(pc) =	sbr.rel @p1 .LBB2_1-.Ltmp2, $4  }
0xcb: {  	[hbm:s13], [sflag:s19] =	dma.local @!p0 [spmem:s30], $0x2700  }
0xcc: {  	_ =	swait.ge @!p0 [sflag:s0], $0x2700  }
0xcd: {  	[sflag:s0] =	ssyncset.done @!p0 $0x0  }
0xce: {  	[sflag:s0] =	ssyncadd.s32 @!p0 $0xFFFFD900  }
0xcf: {  	_ =	sfence.sel $0x180000  }
0xd0: {  	[bflag:$0x0] =	sbarrier.arrive $0xFFFF  }
0xd1: {  	_ =	strace $0x90000050  }
0xd2: {  	s0 =	stileid.u32;
	[bflag:$0x2] =	sbarrier.arrive $0xFFFF  }
0xd3: {  	p0 =	sne.s32 s0, $0x0;
	s0 =	rddreg [dreg:$0x2]  }
0xd4: {  	s0 =	sadd.s32 @!p0 $0x100000, s0  }
0xd5: {  	[sflag:s0] =	ssyncadd.tile.s32 @!p0 $0x1;
	_ =	shalt  }
.Lfunc_end2:
_tile_overlayer_lowered:
.L_overlay_start_2:
0xd6: {  	(tag) =	ssettag $0x2  }
0xd7: {  	s0 =	rddreg [dreg:$0x0];
	s2 =	stileid.u32  }
0xd8: {  	s1 =	rddreg [dreg:$0x1];
	p0 =	sne.s32 s2, $0x0  }
0xd9: {  	s3 =	rddreg [dreg:$0x2];
	[bflag:$0x3] =	sbarrier.arrive $0xFFFF;
	s2 =	simm.s32 @!p0 $0x1C03  }
0xda: {  	[timem:s3], [sflag:s2] =	dma.local @!p0 [hbm:s0], s1  }
0xdb: {  	s0 =	simm.s32 @!p0 $0x3  }
0xdc: {  	_ =	swait.ge @!p0 [sflag:s0], s1  }
0xdd: {  	s1 =	ssub.s32 @!p0 $0x0, s1;
	[sflag:s0] =	ssyncset.done @!p0 $0x0  }
0xde: {  	[sflag:s0] =	ssyncadd.s32 @!p0 s1  }
0xdf: {  	[bflag:$0x3] =	sbarrier.arrive $0xFFFF  }
0xe0: {  	_ =	shalt  }

</sc_bundles>
